<compile_context>
chip_gen: v7x
topology: tpu7x:2x2x1
jax: 0.10.2.dev20260603
libtpu: 0.0.44.dev20260713+nightly
codegen_flags: <defaults>
</compile_context>

<pallas_src>
import jax
import jax.numpy as jnp
from jax import lax
from jax.experimental import pallas as pl
from jax.experimental.pallas import tpu as pltpu
from jax.experimental.pallas import tpu_sc as plsc

N = 10000
D = 128
E = 320000

NC = 2
NS = 16
NW = NC * NS

EPT = 10240
EPAD = EPT * NW
NPADROWS = 112
NACC = N + NPADROWS
RPT = NACC // NS

CH = 128
NCH = EPT // CH
RB = 2
IB = 16
NIB = NCH // IB

_DOT = dict(preferred_element_type=jnp.float32, precision=lax.Precision.HIGHEST)


def _xwt(a, w):
    return lax.dot_general(a, w, (((1,), (1,)), ((), ())), **_DOT)



def _sc_body(table, idxg, zacc, agg_out,
             sd_v, r0, r1, acc_sh, s0, s1):
    c = lax.axis_index("c")
    s = lax.axis_index("s")
    wid = c * NS + s
    lo = s * RPT

    pltpu.sync_copy(zacc.at[pl.ds(lo, RPT)], acc_sh.at[pl.ds(lo, RPT)])
    plsc.subcore_barrier()

    bufs = (r0, r1)
    sems = (s0, s1)

    def outer(jb, carry):
        ib0 = (wid * NIB + jb) * 2 * IB
        pltpu.sync_copy(idxg.at[pl.ds(ib0, 2 * IB)], sd_v)

        h = [None] * IB
        for j in range(RB - 1):
            h[j] = pltpu.async_copy(table.at[sd_v.at[j]], bufs[j % RB],
                                    sems[j % RB])
        for j in range(IB):
            jn = j + RB - 1
            if jn < IB:
                h[jn] = pltpu.async_copy(table.at[sd_v.at[jn]],
                                         bufs[jn % RB], sems[jn % RB])
            h[j].wait()
            pltpu.sync_copy(bufs[j % RB], acc_sh.at[sd_v.at[IB + j]],
                            add=True)
        return carry

    lax.fori_loop(0, NIB, outer, 0)
    plsc.subcore_barrier()

    pltpu.sync_copy(acc_sh.at[pl.ds(lo, RPT)], agg_out.at[pl.ds(lo, RPT), c])


_sc_seg = pl.kernel(
    _sc_body,
    out_type=jax.ShapeDtypeStruct((NACC, NC, D), jnp.float32),
    mesh=plsc.VectorSubcoreMesh(core_axis_name="c", subcore_axis_name="s"),
    scratch_types=[
        pltpu.VMEM((2 * IB, CH), jnp.int32),
        pltpu.VMEM((CH, D), jnp.float32),
        pltpu.VMEM((CH, D), jnp.float32),
        pltpu.VMEM_SHARED((NACC, D), jnp.float32),
        pltpu.SemaphoreType.DMA,
        pltpu.SemaphoreType.DMA,
    ],
)


def _cnt_body(idxg, zcnt, ones, cnt_out, dst_v, ones_v, cnt_sh):
    c = lax.axis_index("c")
    s = lax.axis_index("s")
    wid = c * NS + s
    lo = s * RPT

    pltpu.sync_copy(zcnt.at[pl.ds(lo, RPT)], cnt_sh.at[pl.ds(lo, RPT)])
    pltpu.sync_copy(ones, ones_v)
    plsc.subcore_barrier()

    def outer(jb, carry):
        ib0 = (wid * NIB + jb) * 2 * IB + IB
        pltpu.sync_copy(idxg.at[pl.ds(ib0, IB)], dst_v)

        def inner(j, c2):
            pltpu.sync_copy(ones_v, cnt_sh.at[dst_v.at[j]], add=True)
            return c2

        return lax.fori_loop(0, IB, inner, carry)

    lax.fori_loop(0, NIB, outer, 0)
    plsc.subcore_barrier()

    dlo = c * NACC + lo
    pltpu.sync_copy(cnt_sh.at[pl.ds(lo, RPT)], cnt_out.at[pl.ds(dlo, RPT)])


_sc_cnt = pl.kernel(
    _cnt_body,
    out_type=jax.ShapeDtypeStruct((NC * NACC, D), jnp.float32),
    mesh=plsc.VectorSubcoreMesh(core_axis_name="c", subcore_axis_name="s"),
    scratch_types=[
        pltpu.VMEM((IB, CH), jnp.int32),
        pltpu.VMEM((CH, D), jnp.float32),
        pltpu.VMEM_SHARED((NACC, D), jnp.float32),
    ],
)



_BR = 1000


def _mid_body(a, c0, c1, x_ref, wl, wr, b, h_ref):
    cnt = c0[...] + c1[...]
    inv = 1.0 / jnp.maximum(cnt, 1.0)
    av = a[...]
    mean = (av[:, 0, :] + av[:, 1, :]) * inv
    h = _xwt(mean, wl[...]) + b[...] + _xwt(x_ref[...], wr[...])
    h_ref[...] = jnp.maximum(h, 0.0)


def _mid(av, c0v, c1v, x, wl, wr, b):
    blk = pl.BlockSpec((_BR, D), lambda i: (i, 0))
    ablk = pl.BlockSpec((_BR, NC, D), lambda i: (i, 0, 0))
    cblk = pl.BlockSpec((_BR, 1), lambda i: (i, 0))
    wblk = pl.BlockSpec((D, D), lambda i: (0, 0))
    bblk = pl.BlockSpec((1, D), lambda i: (0, 0))
    return pl.pallas_call(
        _mid_body,
        grid=(N // _BR,),
        in_specs=[ablk, cblk, cblk, blk, wblk, wblk, bblk],
        out_specs=blk,
        out_shape=jax.ShapeDtypeStruct((N, D), jnp.float32),
    )(av, c0v, c1v, x, wl, wr, b)


def _fin_body(a, c0, c1, h_ref, wl, wr, b, o_ref):
    cnt = c0[...] + c1[...]
    inv = 1.0 / jnp.maximum(cnt, 1.0)
    av = a[...]
    mean = (av[:, 0, :] + av[:, 1, :]) * inv
    o_ref[...] = _xwt(mean, wl[...]) + b[...] + _xwt(h_ref[...], wr[...])


def _fin(av, c0v, c1v, h, wl, wr, b):
    blk = pl.BlockSpec((_BR, D), lambda i: (i, 0))
    ablk = pl.BlockSpec((_BR, NC, D), lambda i: (i, 0, 0))
    cblk = pl.BlockSpec((_BR, 1), lambda i: (i, 0))
    wblk = pl.BlockSpec((D, D), lambda i: (0, 0))
    bblk = pl.BlockSpec((1, D), lambda i: (0, 0))
    return pl.pallas_call(
        _fin_body,
        grid=(N // _BR,),
        in_specs=[ablk, cblk, cblk, blk, wblk, wblk, bblk],
        out_specs=blk,
        out_shape=jax.ShapeDtypeStruct((N, D), jnp.float32),
    )(av, c0v, c1v, h, wl, wr, b)



def kernel(x, edge_index, Wl1, bl1, Wr1, Wl2, bl2, Wr2):
    src = edge_index[0].astype(jnp.int32)
    dst = edge_index[1].astype(jnp.int32)
    padn = EPAD - E
    ar = jnp.arange(padn, dtype=jnp.int32)
    pad_src = (ar * 37) % N
    pad_dst = N + (ar % NPADROWS)
    srcp = jnp.concatenate([src, pad_src])
    dstp = jnp.concatenate([dst, pad_dst])
    srcg4 = srcp.reshape(NW, NIB, IB, CH)
    dstg4 = dstp.reshape(NW, NIB, IB, CH)
    idxg = jnp.stack([srcg4, dstg4], axis=2).reshape(NW * NIB * 2 * IB, CH)
    zacc = jnp.zeros((NACC, D), jnp.float32)
    ones = jnp.ones((CH, D), jnp.float32)
    bl1r = bl1.reshape(1, D)
    bl2r = bl2.reshape(1, D)

    cntf = _sc_cnt(idxg, zacc, ones)
    cntc = cntf[:, :1]
    c0, c1 = cntc[:N], cntc[NACC:NACC + N]

    aggf = _sc_seg(x, idxg, zacc)
    h = _mid(aggf, c0, c1, x, Wl1, Wr1, bl1r)
    aggf2 = _sc_seg(h, idxg, zacc)
    return _fin(aggf2, c0, c1, h, Wl2, Wr2, bl2r)

# --- scband reference (transcript-rebuilt; emitter-appended) ---
"""Pipeline reference for scband-sage-19567871000655 (READ-ONLY COPY).

The authoritative reference and input builder live on the scoring server;
editing this copy changes nothing except your own understanding.
"""

import jax, jax.numpy as jnp
import numpy as np

N_NODES = 10000
N_EDGES = 320000
D_IN = 128
D_HID = 128
D_OUT = 128


def setup_inputs(seed: int = 0) -> dict:
    key = jax.random.key(seed)
    ks = jax.random.split(key, 8)
    x = jax.random.normal(ks[0], (N_NODES, D_IN), dtype=jnp.float32)
    edge_index = jax.random.randint(ks[1], (2, N_EDGES), 0, N_NODES, dtype=jnp.int64)
    s1 = 1.0 / np.sqrt(D_IN)
    s2 = 1.0 / np.sqrt(D_HID)
    # SAGEConv layer 1: lin_l (applied to aggregated neighbors, with bias), lin_r (root, no bias)
    Wl1 = jax.random.uniform(ks[2], (D_HID, D_IN), dtype=jnp.float32, minval=-s1, maxval=s1)
    bl1 = jax.random.uniform(ks[3], (D_HID,), dtype=jnp.float32, minval=-s1, maxval=s1)
    Wr1 = jax.random.uniform(ks[4], (D_HID, D_IN), dtype=jnp.float32, minval=-s1, maxval=s1)
    # SAGEConv layer 2
    Wl2 = jax.random.uniform(ks[5], (D_OUT, D_HID), dtype=jnp.float32, minval=-s2, maxval=s2)
    bl2 = jax.random.uniform(ks[6], (D_OUT,), dtype=jnp.float32, minval=-s2, maxval=s2)
    Wr2 = jax.random.uniform(ks[7], (D_OUT, D_HID), dtype=jnp.float32, minval=-s2, maxval=s2)
    return {"x": x, "edge_index": edge_index, "Wl1": Wl1, "bl1": bl1, "Wr1": Wr1, "Wl2": Wl2, "bl2": bl2, "Wr2": Wr2}


def _sage_conv(x, src, dst, Wl, bl, Wr):
    # mean aggregation of source-node features at destination nodes
    msgs = jnp.take(x, src, axis=0)
    agg = jax.ops.segment_sum(msgs, dst, num_segments=N_NODES)
    cnt = jax.ops.segment_sum(jnp.ones((msgs.shape[0],), dtype=x.dtype), dst, num_segments=N_NODES)
    mean = agg / jnp.clip(cnt, 1.0, None)[:, None]
    return mean @ Wl.T + bl + x @ Wr.T


def reference(x, edge_index, Wl1, bl1, Wr1, Wl2, bl2, Wr2):
    src = edge_index[0]
    dst = edge_index[1]
    h = _sage_conv(x, src, dst, Wl1, bl1, Wr1)
    h = jax.nn.relu(h)
    # dropout p=0.5 is identity in eval mode
    out = _sage_conv(h, src, dst, Wl2, bl2, Wr2)
    return out

if __name__ == "__main__":
    import jax
    _d = setup_inputs()
    print(jax.jit(kernel)(*tuple(_d.values())))

</pallas_src>

<mosaic_0001>
#map = affine_map<(d0, d1) -> (0, 0)>
module attributes {stable_mosaic.version = 14 : i64} {
  func.func @_cnt_body(%arg0: i32, %arg1: i32, %arg2: memref<5120x128xi32, #tpu.memory_space<hbm>>, %arg3: memref<10112x128xf32, #tpu.memory_space<hbm>>, %arg4: memref<128x128xf32, #tpu.memory_space<hbm>>, %arg5: memref<20224x128xf32, #tpu.memory_space<hbm>>, %arg6: memref<16x128xi32, #tpu.memory_space<vmem>>, %arg7: memref<128x128xf32, #tpu.memory_space<vmem>>, %arg8: memref<10112x128xf32, #tpu.memory_space<vmem_shared>>) attributes {dimension_semantics = [#tpu.dimension_semantics<core_parallel>, #tpu.dimension_semantics<subcore_parallel>], iteration_bounds = array<i64: 2, 16>, scalar_prefetch = 0 : i64, scratch_operands = 3 : i64, tpu.core_type = #tpu.core_type<sc_vector_subcore>, window_params = [{transform_indices = #map}, {transform_indices = #map}, {transform_indices = #map}, {transform_indices = #map}]} {
    %mul3A = arith.constant 16 : i32
    %mul3A_0 = arith.muli %arg0, %mul3A : i32
    %add3A = arith.addi %mul3A_0, %arg1 : i32
    %mul3A_1 = arith.constant 632 : i32
    %mul3A_2 = arith.muli %arg1, %mul3A_1 : i32
    "tpu.region"() ({
      %run_scoped3A = tpu.sem_alloc : memref<!tpu.dma_semaphore, #tpu.memory_space<semaphore_mem>>
      %dma_start3A = arith.constant 0 : i32
      %dma_start3A_12 = tpu.memref_slice %arg8[%mul3A_2, %dma_start3A] : memref<10112x128xf32, #tpu.memory_space<vmem_shared>> -> memref<632x128xf32, #tpu.memory_space<vmem_shared>>
      %dma_start3A_13 = arith.constant 0 : i32
      %dma_start3A_14 = tpu.memref_slice %arg3[%mul3A_2, %dma_start3A_13] : memref<10112x128xf32, #tpu.memory_space<hbm>> -> memref<632x128xf32, #tpu.memory_space<hbm>>
      tpu.enqueue_dma source(%dma_start3A_14 : memref<632x128xf32, #tpu.memory_space<hbm>>) target(%dma_start3A_12 : memref<632x128xf32, #tpu.memory_space<vmem_shared>>) target_semaphore(%run_scoped3A : memref<!tpu.dma_semaphore, #tpu.memory_space<semaphore_mem>>)
      %dma_wait3A = arith.constant 0 : i32
      %dma_wait3A_15 = tpu.memref_slice %arg8[%mul3A_2, %dma_wait3A] : memref<10112x128xf32, #tpu.memory_space<vmem_shared>> -> memref<632x128xf32, #tpu.memory_space<vmem_shared>>
      %dma_wait3A_16 = arith.constant 0 : i32
      %dma_wait3A_17 = tpu.memref_slice %arg3[%mul3A_2, %dma_wait3A_16] : memref<10112x128xf32, #tpu.memory_space<hbm>> -> memref<632x128xf32, #tpu.memory_space<hbm>>
      tpu.wait_dma2 semaphore(%run_scoped3A : memref<!tpu.dma_semaphore, #tpu.memory_space<semaphore_mem>>) src(%dma_wait3A_17 : memref<632x128xf32, #tpu.memory_space<hbm>>) dst(%dma_wait3A_15 : memref<632x128xf32, #tpu.memory_space<vmem_shared>>)
      tpu.yield
    }) : () -> ()
    "tpu.region"() ({
      %run_scoped3A = tpu.sem_alloc : memref<!tpu.dma_semaphore, #tpu.memory_space<semaphore_mem>>
      tpu.enqueue_dma source(%arg4 : memref<128x128xf32, #tpu.memory_space<hbm>>) target(%arg7 : memref<128x128xf32, #tpu.memory_space<vmem>>) target_semaphore(%run_scoped3A : memref<!tpu.dma_semaphore, #tpu.memory_space<semaphore_mem>>)
      tpu.wait_dma2 semaphore(%run_scoped3A : memref<!tpu.dma_semaphore, #tpu.memory_space<semaphore_mem>>) src(%arg4 : memref<128x128xf32, #tpu.memory_space<hbm>>) dst(%arg7 : memref<128x128xf32, #tpu.memory_space<vmem>>)
      tpu.yield
    }) : () -> ()
    %barrier3A = arith.constant 0 : index
    tpu.barrier barrier_id(%barrier3A)
    %scan3A = arith.constant 0 : i32
    %scan3A_3 = arith.constant 0 : i32
    %scan3A_4 = arith.constant 5 : i32
    %scan3A_5 = arith.addi %scan3A_3, %scan3A_4 : i32
    %scan3A_6 = arith.constant 1 : i32
    scf.for %scan3A_12 = %scan3A_3 to %scan3A_5 step %scan3A_6  : i32 {
      %mul3A_13 = arith.constant 5 : i32
      %mul3A_14 = arith.muli %add3A, %mul3A_13 : i32
      %add3A_15 = arith.addi %mul3A_14, %scan3A_12 : i32
      %mul3A_16 = arith.constant 2 : i32
      %mul3A_17 = arith.muli %add3A_15, %mul3A_16 : i32
      %mul3A_18 = arith.constant 16 : i32
      %mul3A_19 = arith.muli %mul3A_17, %mul3A_18 : i32
      %add3A_20 = arith.constant 16 : i32
      %add3A_21 = arith.addi %mul3A_19, %add3A_20 : i32
      "tpu.region"() ({
        %run_scoped3A = tpu.sem_alloc : memref<!tpu.dma_semaphore, #tpu.memory_space<semaphore_mem>>
        %dma_start3A = arith.constant 0 : i32
        %dma_start3A_27 = tpu.memref_slice %arg2[%add3A_21, %dma_start3A] : memref<5120x128xi32, #tpu.memory_space<hbm>> -> memref<16x128xi32, #tpu.memory_space<hbm>>
        %dma_start3A_28 = arith.constant 0 : i32
        %dma_start3A_29 = tpu.memref_slice %arg2[%add3A_21, %dma_start3A_28] : memref<5120x128xi32, #tpu.memory_space<hbm>> -> memref<16x128xi32, #tpu.memory_space<hbm>>
        tpu.enqueue_dma source(%dma_start3A_29 : memref<16x128xi32, #tpu.memory_space<hbm>>) target(%arg6 : memref<16x128xi32, #tpu.memory_space<vmem>>) target_semaphore(%run_scoped3A : memref<!tpu.dma_semaphore, #tpu.memory_space<semaphore_mem>>)
        %dma_wait3A = arith.constant 0 : i32
        %dma_wait3A_30 = tpu.memref_slice %arg2[%add3A_21, %dma_wait3A] : memref<5120x128xi32, #tpu.memory_space<hbm>> -> memref<16x128xi32, #tpu.memory_space<hbm>>
        %dma_wait3A_31 = arith.constant 0 : i32
        %dma_wait3A_32 = tpu.memref_slice %arg2[%add3A_21, %dma_wait3A_31] : memref<5120x128xi32, #tpu.memory_space<hbm>> -> memref<16x128xi32, #tpu.memory_space<hbm>>
        tpu.wait_dma2 semaphore(%run_scoped3A : memref<!tpu.dma_semaphore, #tpu.memory_space<semaphore_mem>>) src(%dma_wait3A_32 : memref<16x128xi32, #tpu.memory_space<hbm>>) dst(%arg6 : memref<16x128xi32, #tpu.memory_space<vmem>>)
        tpu.yield
      }) : () -> ()
      %scan3A_22 = arith.constant 0 : i32
      %scan3A_23 = arith.constant 16 : i32
      %scan3A_24 = arith.addi %scan3A_22, %scan3A_23 : i32
      %scan3A_25 = arith.constant 1 : i32
      scf.for %scan3A_27 = %scan3A_22 to %scan3A_24 step %scan3A_25  : i32 {
        "tpu.region"() ({
          %run_scoped3A = tpu.sem_alloc : memref<!tpu.dma_semaphore, #tpu.memory_space<semaphore_mem>>
          %dma_start3A = arith.constant 0 : i32
          %dma_start3A_28 = tpu.memref_slice %arg6[%scan3A_27, %dma_start3A] : memref<16x128xi32, #tpu.memory_space<vmem>> -> memref<1x128xi32, #tpu.memory_space<vmem>>
          %dma_start3A_29 = tpu.memref_squeeze %dma_start3A_28 : memref<1x128xi32, #tpu.memory_space<vmem>> -> memref<128xi32, #tpu.memory_space<vmem>>
          %dma_start3A_30 = arith.constant 0 : i32
          %dma_start3A_31 = arith.constant 0 : i32
          %dma_start3A_32 = tpu.memref_slice %arg8[%dma_start3A_30, %dma_start3A_31] : memref<10112x128xf32, #tpu.memory_space<vmem_shared>> -> memref<10112x128xf32, #tpu.memory_space<vmem_shared>>
          tpu.enqueue_indirect_dma source(%arg7 : memref<128x128xf32, #tpu.memory_space<vmem>>) target(%dma_start3A_32 : memref<10112x128xf32, #tpu.memory_space<vmem_shared>>) offsets(%dma_start3A_29 : memref<128xi32, #tpu.memory_space<vmem>>) semaphore(%run_scoped3A : memref<!tpu.dma_semaphore, #tpu.memory_space<semaphore_mem>>) {add = true}
          %dma_wait3A = arith.constant 0 : i32
          %dma_wait3A_33 = tpu.memref_slice %arg6[%scan3A_27, %dma_wait3A] : memref<16x128xi32, #tpu.memory_space<vmem>> -> memref<1x128xi32, #tpu.memory_space<vmem>>
          %dma_wait3A_34 = tpu.memref_squeeze %dma_wait3A_33 : memref<1x128xi32, #tpu.memory_space<vmem>> -> memref<128xi32, #tpu.memory_space<vmem>>
          %dma_wait3A_35 = arith.constant 0 : i32
          %dma_wait3A_36 = arith.constant 0 : i32
          %dma_wait3A_37 = tpu.memref_slice %arg8[%dma_wait3A_35, %dma_wait3A_36] : memref<10112x128xf32, #tpu.memory_space<vmem_shared>> -> memref<10112x128xf32, #tpu.memory_space<vmem_shared>>
          tpu.wait_indirect_dma semaphore(%run_scoped3A : memref<!tpu.dma_semaphore, #tpu.memory_space<semaphore_mem>>) src(%arg7 : memref<128x128xf32, #tpu.memory_space<vmem>>) dst(%dma_wait3A_37 : memref<10112x128xf32, #tpu.memory_space<vmem_shared>>)
          tpu.yield
        }) : () -> ()
      }
      %scan3A_26 = arith.constant 16 : i32
    }
    %scan3A_7 = arith.constant 5 : i32
    %barrier3A_8 = arith.constant 0 : index
    tpu.barrier barrier_id(%barrier3A_8)
    %mul3A_9 = arith.constant 10112 : i32
    %mul3A_10 = arith.muli %arg0, %mul3A_9 : i32
    %add3A_11 = arith.addi %mul3A_10, %mul3A_2 : i32
    "tpu.region"() ({
      %run_scoped3A = tpu.sem_alloc : memref<!tpu.dma_semaphore, #tpu.memory_space<semaphore_mem>>
      %dma_start3A = arith.constant 0 : i32
      %dma_start3A_12 = tpu.memref_slice %arg5[%add3A_11, %dma_start3A] : memref<20224x128xf32, #tpu.memory_space<hbm>> -> memref<632x128xf32, #tpu.memory_space<hbm>>
      %dma_start3A_13 = arith.constant 0 : i32
      %dma_start3A_14 = tpu.memref_slice %arg8[%mul3A_2, %dma_start3A_13] : memref<10112x128xf32, #tpu.memory_space<vmem_shared>> -> memref<632x128xf32, #tpu.memory_space<vmem_shared>>
      tpu.enqueue_dma source(%dma_start3A_14 : memref<632x128xf32, #tpu.memory_space<vmem_shared>>) target(%dma_start3A_12 : memref<632x128xf32, #tpu.memory_space<hbm>>) target_semaphore(%run_scoped3A : memref<!tpu.dma_semaphore, #tpu.memory_space<semaphore_mem>>)
      %dma_wait3A = arith.constant 0 : i32
      %dma_wait3A_15 = tpu.memref_slice %arg5[%add3A_11, %dma_wait3A] : memref<20224x128xf32, #tpu.memory_space<hbm>> -> memref<632x128xf32, #tpu.memory_space<hbm>>
      %dma_wait3A_16 = arith.constant 0 : i32
      %dma_wait3A_17 = tpu.memref_slice %arg8[%mul3A_2, %dma_wait3A_16] : memref<10112x128xf32, #tpu.memory_space<vmem_shared>> -> memref<632x128xf32, #tpu.memory_space<vmem_shared>>
      tpu.wait_dma2 semaphore(%run_scoped3A : memref<!tpu.dma_semaphore, #tpu.memory_space<semaphore_mem>>) src(%dma_wait3A_17 : memref<632x128xf32, #tpu.memory_space<vmem_shared>>) dst(%dma_wait3A_15 : memref<632x128xf32, #tpu.memory_space<hbm>>)
      tpu.yield
    }) : () -> ()
    return
  }
}

#map = affine_map<(d0, d1) -> (0, 0)>
#map1 = affine_map<(d0, d1) -> (0, 0, 0)>
module attributes {stable_mosaic.version = 14 : i64} {
  func.func @_sc_body(%arg0: i32, %arg1: i32, %arg2: memref<10000x128xf32, #tpu.memory_space<hbm>>, %arg3: memref<5120x128xi32, #tpu.memory_space<hbm>>, %arg4: memref<10112x128xf32, #tpu.memory_space<hbm>>, %arg5: memref<10112x2x128xf32, #tpu.memory_space<hbm>>, %arg6: memref<32x128xi32, #tpu.memory_space<vmem>>, %arg7: memref<128x128xf32, #tpu.memory_space<vmem>>, %arg8: memref<128x128xf32, #tpu.memory_space<vmem>>, %arg9: memref<10112x128xf32, #tpu.memory_space<vmem_shared>>, %arg10: memref<!tpu.dma_semaphore, #tpu.memory_space<semaphore_mem>>, %arg11: memref<!tpu.dma_semaphore, #tpu.memory_space<semaphore_mem>>) attributes {dimension_semantics = [#tpu.dimension_semantics<core_parallel>, #tpu.dimension_semantics<subcore_parallel>], iteration_bounds = array<i64: 2, 16>, scalar_prefetch = 0 : i64, scratch_operands = 6 : i64, tpu.core_type = #tpu.core_type<sc_vector_subcore>, window_params = [{transform_indices = #map}, {transform_indices = #map}, {transform_indices = #map}, {transform_indices = #map1}]} {
    %mul3A = arith.constant 16 : i32
    %mul3A_0 = arith.muli %arg0, %mul3A : i32
    %add3A = arith.addi %mul3A_0, %arg1 : i32
    %mul3A_1 = arith.constant 632 : i32
    %mul3A_2 = arith.muli %arg1, %mul3A_1 : i32
    "tpu.region"() ({
      %run_scoped3A = tpu.sem_alloc : memref<!tpu.dma_semaphore, #tpu.memory_space<semaphore_mem>>
      %dma_start3A = arith.constant 0 : i32
      %dma_start3A_9 = tpu.memref_slice %arg9[%mul3A_2, %dma_start3A] : memref<10112x128xf32, #tpu.memory_space<vmem_shared>> -> memref<632x128xf32, #tpu.memory_space<vmem_shared>>
      %dma_start3A_10 = arith.constant 0 : i32
      %dma_start3A_11 = tpu.memref_slice %arg4[%mul3A_2, %dma_start3A_10] : memref<10112x128xf32, #tpu.memory_space<hbm>> -> memref<632x128xf32, #tpu.memory_space<hbm>>
      tpu.enqueue_dma source(%dma_start3A_11 : memref<632x128xf32, #tpu.memory_space<hbm>>) target(%dma_start3A_9 : memref<632x128xf32, #tpu.memory_space<vmem_shared>>) target_semaphore(%run_scoped3A : memref<!tpu.dma_semaphore, #tpu.memory_space<semaphore_mem>>)
      %dma_wait3A = arith.constant 0 : i32
      %dma_wait3A_12 = tpu.memref_slice %arg9[%mul3A_2, %dma_wait3A] : memref<10112x128xf32, #tpu.memory_space<vmem_shared>> -> memref<632x128xf32, #tpu.memory_space<vmem_shared>>
      %dma_wait3A_13 = arith.constant 0 : i32
      %dma_wait3A_14 = tpu.memref_slice %arg4[%mul3A_2, %dma_wait3A_13] : memref<10112x128xf32, #tpu.memory_space<hbm>> -> memref<632x128xf32, #tpu.memory_space<hbm>>
      tpu.wait_dma2 semaphore(%run_scoped3A : memref<!tpu.dma_semaphore, #tpu.memory_space<semaphore_mem>>) src(%dma_wait3A_14 : memref<632x128xf32, #tpu.memory_space<hbm>>) dst(%dma_wait3A_12 : memref<632x128xf32, #tpu.memory_space<vmem_shared>>)
      tpu.yield
    }) : () -> ()
    %barrier3A = arith.constant 0 : index
    tpu.barrier barrier_id(%barrier3A)
    %scan3A = arith.constant 0 : i32
    %scan3A_3 = arith.constant 0 : i32
    %scan3A_4 = arith.constant 5 : i32
    %scan3A_5 = arith.addi %scan3A_3, %scan3A_4 : i32
    %scan3A_6 = arith.constant 1 : i32
    scf.for %scan3A_9 = %scan3A_3 to %scan3A_5 step %scan3A_6  : i32 {
      %mul3A_10 = arith.constant 5 : i32
      %mul3A_11 = arith.muli %add3A, %mul3A_10 : i32
      %add3A_12 = arith.addi %mul3A_11, %scan3A_9 : i32
      %mul3A_13 = arith.constant 2 : i32
      %mul3A_14 = arith.muli %add3A_12, %mul3A_13 : i32
      %mul3A_15 = arith.constant 16 : i32
      %mul3A_16 = arith.muli %mul3A_14, %mul3A_15 : i32
      "tpu.region"() ({
        %run_scoped3A_254 = tpu.sem_alloc : memref<!tpu.dma_semaphore, #tpu.memory_space<semaphore_mem>>
        %dma_start3A_255 = arith.constant 0 : i32
        %dma_start3A_256 = tpu.memref_slice %arg3[%mul3A_16, %dma_start3A_255] : memref<5120x128xi32, #tpu.memory_space<hbm>> -> memref<32x128xi32, #tpu.memory_space<hbm>>
        %dma_start3A_257 = arith.constant 0 : i32
        %dma_start3A_258 = tpu.memref_slice %arg3[%mul3A_16, %dma_start3A_257] : memref<5120x128xi32, #tpu.memory_space<hbm>> -> memref<32x128xi32, #tpu.memory_space<hbm>>
        tpu.enqueue_dma source(%dma_start3A_258 : memref<32x128xi32, #tpu.memory_space<hbm>>) target(%arg6 : memref<32x128xi32, #tpu.memory_space<vmem>>) target_semaphore(%run_scoped3A_254 : memref<!tpu.dma_semaphore, #tpu.memory_space<semaphore_mem>>)
        %dma_wait3A_259 = arith.constant 0 : i32
        %dma_wait3A_260 = tpu.memref_slice %arg3[%mul3A_16, %dma_wait3A_259] : memref<5120x128xi32, #tpu.memory_space<hbm>> -> memref<32x128xi32, #tpu.memory_space<hbm>>
        %dma_wait3A_261 = arith.constant 0 : i32
        %dma_wait3A_262 = tpu.memref_slice %arg3[%mul3A_16, %dma_wait3A_261] : memref<5120x128xi32, #tpu.memory_space<hbm>> -> memref<32x128xi32, #tpu.memory_space<hbm>>
        tpu.wait_dma2 semaphore(%run_scoped3A_254 : memref<!tpu.dma_semaphore, #tpu.memory_space<semaphore_mem>>) src(%dma_wait3A_262 : memref<32x128xi32, #tpu.memory_space<hbm>>) dst(%arg6 : memref<32x128xi32, #tpu.memory_space<vmem>>)
        tpu.yield
      }) : () -> ()
      %dma_start3A = arith.constant 0 : i32
      %dma_start3A_17 = arith.constant 0 : i32
      %dma_start3A_18 = tpu.memref_slice %arg6[%dma_start3A, %dma_start3A_17] : memref<32x128xi32, #tpu.memory_space<vmem>> -> memref<1x128xi32, #tpu.memory_space<vmem>>
      %dma_start3A_19 = tpu.memref_squeeze %dma_start3A_18 : memref<1x128xi32, #tpu.memory_space<vmem>> -> memref<128xi32, #tpu.memory_space<vmem>>
      %dma_start3A_20 = arith.constant 0 : i32
      %dma_start3A_21 = arith.constant 0 : i32
      %dma_start3A_22 = tpu.memref_slice %arg2[%dma_start3A_20, %dma_start3A_21] : memref<10000x128xf32, #tpu.memory_space<hbm>> -> memref<10000x128xf32, #tpu.memory_space<hbm>>
      tpu.enqueue_indirect_dma source(%dma_start3A_22 : memref<10000x128xf32, #tpu.memory_space<hbm>>) target(%arg7 : memref<128x128xf32, #tpu.memory_space<vmem>>) offsets(%dma_start3A_19 : memref<128xi32, #tpu.memory_space<vmem>>) semaphore(%arg10 : memref<!tpu.dma_semaphore, #tpu.memory_space<semaphore_mem>>)
      %dma_start3A_23 = arith.constant 1 : i32
      %dma_start3A_24 = arith.constant 0 : i32
      %dma_start3A_25 = tpu.memref_slice %arg6[%dma_start3A_23, %dma_start3A_24] : memref<32x128xi32, #tpu.memory_space<vmem>> -> memref<1x128xi32, #tpu.memory_space<vmem>>
      %dma_start3A_26 = tpu.memref_squeeze %dma_start3A_25 : memref<1x128xi32, #tpu.memory_space<vmem>> -> memref<128xi32, #tpu.memory_space<vmem>>
      %dma_start3A_27 = arith.constant 0 : i32
      %dma_start3A_28 = arith.constant 0 : i32
      %dma_start3A_29 = tpu.memref_slice %arg2[%dma_start3A_27, %dma_start3A_28] : memref<10000x128xf32, #tpu.memory_space<hbm>> -> memref<10000x128xf32, #tpu.memory_space<hbm>>
      tpu.enqueue_indirect_dma source(%dma_start3A_29 : memref<10000x128xf32, #tpu.memory_space<hbm>>) target(%arg8 : memref<128x128xf32, #tpu.memory_space<vmem>>) offsets(%dma_start3A_26 : memref<128xi32, #tpu.memory_space<vmem>>) semaphore(%arg11 : memref<!tpu.dma_semaphore, #tpu.memory_space<semaphore_mem>>)
      %dma_wait3A = arith.constant 0 : i32
      %dma_wait3A_30 = arith.constant 0 : i32
      %dma_wait3A_31 = tpu.memref_slice %arg6[%dma_wait3A, %dma_wait3A_30] : memref<32x128xi32, #tpu.memory_space<vmem>> -> memref<1x128xi32, #tpu.memory_space<vmem>>
      %dma_wait3A_32 = tpu.memref_squeeze %dma_wait3A_31 : memref<1x128xi32, #tpu.memory_space<vmem>> -> memref<128xi32, #tpu.memory_space<vmem>>
      %dma_wait3A_33 = arith.constant 0 : i32
      %dma_wait3A_34 = arith.constant 0 : i32
      %dma_wait3A_35 = tpu.memref_slice %arg2[%dma_wait3A_33, %dma_wait3A_34] : memref<10000x128xf32, #tpu.memory_space<hbm>> -> memref<10000x128xf32, #tpu.memory_space<hbm>>
      tpu.wait_indirect_dma semaphore(%arg10 : memref<!tpu.dma_semaphore, #tpu.memory_space<semaphore_mem>>) src(%dma_wait3A_35 : memref<10000x128xf32, #tpu.memory_space<hbm>>) dst(%arg7 : memref<128x128xf32, #tpu.memory_space<vmem>>)
      %run_scoped3A = arith.constant 16 : i32
      "tpu.region"() ({
        %run_scoped3A_254 = tpu.sem_alloc : memref<!tpu.dma_semaphore, #tpu.memory_space<semaphore_mem>>
        %dma_start3A_255 = arith.constant 0 : i32
        %dma_start3A_256 = tpu.memref_slice %arg6[%run_scoped3A, %dma_start3A_255] : memref<32x128xi32, #tpu.memory_space<vmem>> -> memref<1x128xi32, #tpu.memory_space<vmem>>
        %dma_start3A_257 = tpu.memref_squeeze %dma_start3A_256 : memref<1x128xi32, #tpu.memory_space<vmem>> -> memref<128xi32, #tpu.memory_space<vmem>>
        %dma_start3A_258 = arith.constant 0 : i32
        %dma_start3A_259 = arith.constant 0 : i32
        %dma_start3A_260 = tpu.memref_slice %arg9[%dma_start3A_258, %dma_start3A_259] : memref<10112x128xf32, #tpu.memory_space<vmem_shared>> -> memref<10112x128xf32, #tpu.memory_space<vmem_shared>>
        tpu.enqueue_indirect_dma source(%arg7 : memref<128x128xf32, #tpu.memory_space<vmem>>) target(%dma_start3A_260 : memref<10112x128xf32, #tpu.memory_space<vmem_shared>>) offsets(%dma_start3A_257 : memref<128xi32, #tpu.memory_space<vmem>>) semaphore(%run_scoped3A_254 : memref<!tpu.dma_semaphore, #tpu.memory_space<semaphore_mem>>) {add = true}
        %dma_wait3A_261 = arith.constant 0 : i32
        %dma_wait3A_262 = tpu.memref_slice %arg6[%run_scoped3A, %dma_wait3A_261] : memref<32x128xi32, #tpu.memory_space<vmem>> -> memref<1x128xi32, #tpu.memory_space<vmem>>
        %dma_wait3A_263 = tpu.memref_squeeze %dma_wait3A_262 : memref<1x128xi32, #tpu.memory_space<vmem>> -> memref<128xi32, #tpu.memory_space<vmem>>
        %dma_wait3A_264 = arith.constant 0 : i32
        %dma_wait3A_265 = arith.constant 0 : i32
        %dma_wait3A_266 = tpu.memref_slice %arg9[%dma_wait3A_264, %dma_wait3A_265] : memref<10112x128xf32, #tpu.memory_space<vmem_shared>> -> memref<10112x128xf32, #tpu.memory_space<vmem_shared>>
        tpu.wait_indirect_dma semaphore(%run_scoped3A_254 : memref<!tpu.dma_semaphore, #tpu.memory_space<semaphore_mem>>) src(%arg7 : memref<128x128xf32, #tpu.memory_space<vmem>>) dst(%dma_wait3A_266 : memref<10112x128xf32, #tpu.memory_space<vmem_shared>>)
        tpu.yield
      }) : () -> ()
      %dma_start3A_36 = arith.constant 2 : i32
      %dma_start3A_37 = arith.constant 0 : i32
      %dma_start3A_38 = tpu.memref_slice %arg6[%dma_start3A_36, %dma_start3A_37] : memref<32x128xi32, #tpu.memory_space<vmem>> -> memref<1x128xi32, #tpu.memory_space<vmem>>
      %dma_start3A_39 = tpu.memref_squeeze %dma_start3A_38 : memref<1x128xi32, #tpu.memory_space<vmem>> -> memref<128xi32, #tpu.memory_space<vmem>>
      %dma_start3A_40 = arith.constant 0 : i32
      %dma_start3A_41 = arith.constant 0 : i32
      %dma_start3A_42 = tpu.memref_slice %arg2[%dma_start3A_40, %dma_start3A_41] : memref<10000x128xf32, #tpu.memory_space<hbm>> -> memref<10000x128xf32, #tpu.memory_space<hbm>>
      tpu.enqueue_indirect_dma source(%dma_start3A_42 : memref<10000x128xf32, #tpu.memory_space<hbm>>) target(%arg7 : memref<128x128xf32, #tpu.memory_space<vmem>>) offsets(%dma_start3A_39 : memref<128xi32, #tpu.memory_space<vmem>>) semaphore(%arg10 : memref<!tpu.dma_semaphore, #tpu.memory_space<semaphore_mem>>)
      %dma_wait3A_43 = arith.constant 1 : i32
      %dma_wait3A_44 = arith.constant 0 : i32
      %dma_wait3A_45 = tpu.memref_slice %arg6[%dma_wait3A_43, %dma_wait3A_44] : memref<32x128xi32, #tpu.memory_space<vmem>> -> memref<1x128xi32, #tpu.memory_space<vmem>>
      %dma_wait3A_46 = tpu.memref_squeeze %dma_wait3A_45 : memref<1x128xi32, #tpu.memory_space<vmem>> -> memref<128xi32, #tpu.memory_space<vmem>>
      %dma_wait3A_47 = arith.constant 0 : i32
      %dma_wait3A_48 = arith.constant 0 : i32
      %dma_wait3A_49 = tpu.memref_slice %arg2[%dma_wait3A_47, %dma_wait3A_48] : memref<10000x128xf32, #tpu.memory_space<hbm>> -> memref<10000x128xf32, #tpu.memory_space<hbm>>
      tpu.wait_indirect_dma semaphore(%arg11 : memref<!tpu.dma_semaphore, #tpu.memory_space<semaphore_mem>>) src(%dma_wait3A_49 : memref<10000x128xf32, #tpu.memory_space<hbm>>) dst(%arg8 : memref<128x128xf32, #tpu.memory_space<vmem>>)
      %run_scoped3A_50 = arith.constant 17 : i32
      "tpu.region"() ({
        %run_scoped3A_254 = tpu.sem_alloc : memref<!tpu.dma_semaphore, #tpu.memory_space<semaphore_mem>>
        %dma_start3A_255 = arith.constant 0 : i32
        %dma_start3A_256 = tpu.memref_slice %arg6[%run_scoped3A_50, %dma_start3A_255] : memref<32x128xi32, #tpu.memory_space<vmem>> -> memref<1x128xi32, #tpu.memory_space<vmem>>
        %dma_start3A_257 = tpu.memref_squeeze %dma_start3A_256 : memref<1x128xi32, #tpu.memory_space<vmem>> -> memref<128xi32, #tpu.memory_space<vmem>>
        %dma_start3A_258 = arith.constant 0 : i32
        %dma_start3A_259 = arith.constant 0 : i32
        %dma_start3A_260 = tpu.memref_slice %arg9[%dma_start3A_258, %dma_start3A_259] : memref<10112x128xf32, #tpu.memory_space<vmem_shared>> -> memref<10112x128xf32, #tpu.memory_space<vmem_shared>>
        tpu.enqueue_indirect_dma source(%arg8 : memref<128x128xf32, #tpu.memory_space<vmem>>) target(%dma_start3A_260 : memref<10112x128xf32, #tpu.memory_space<vmem_shared>>) offsets(%dma_start3A_257 : memref<128xi32, #tpu.memory_space<vmem>>) semaphore(%run_scoped3A_254 : memref<!tpu.dma_semaphore, #tpu.memory_space<semaphore_mem>>) {add = true}
        %dma_wait3A_261 = arith.constant 0 : i32
        %dma_wait3A_262 = tpu.memref_slice %arg6[%run_scoped3A_50, %dma_wait3A_261] : memref<32x128xi32, #tpu.memory_space<vmem>> -> memref<1x128xi32, #tpu.memory_space<vmem>>
        %dma_wait3A_263 = tpu.memref_squeeze %dma_wait3A_262 : memref<1x128xi32, #tpu.memory_space<vmem>> -> memref<128xi32, #tpu.memory_space<vmem>>
        %dma_wait3A_264 = arith.constant 0 : i32
        %dma_wait3A_265 = arith.constant 0 : i32
        %dma_wait3A_266 = tpu.memref_slice %arg9[%dma_wait3A_264, %dma_wait3A_265] : memref<10112x128xf32, #tpu.memory_space<vmem_shared>> -> memref<10112x128xf32, #tpu.memory_space<vmem_shared>>
        tpu.wait_indirect_dma semaphore(%run_scoped3A_254 : memref<!tpu.dma_semaphore, #tpu.memory_space<semaphore_mem>>) src(%arg8 : memref<128x128xf32, #tpu.memory_space<vmem>>) dst(%dma_wait3A_266 : memref<10112x128xf32, #tpu.memory_space<vmem_shared>>)
        tpu.yield
      }) : () -> ()
      %dma_start3A_51 = arith.constant 3 : i32
      %dma_start3A_52 = arith.constant 0 : i32
      %dma_start3A_53 = tpu.memref_slice %arg6[%dma_start3A_51, %dma_start3A_52] : memref<32x128xi32, #tpu.memory_space<vmem>> -> memref<1x128xi32, #tpu.memory_space<vmem>>
      %dma_start3A_54 = tpu.memref_squeeze %dma_start3A_53 : memref<1x128xi32, #tpu.memory_space<vmem>> -> memref<128xi32, #tpu.memory_space<vmem>>
      %dma_start3A_55 = arith.constant 0 : i32
      %dma_start3A_56 = arith.constant 0 : i32
      %dma_start3A_57 = tpu.memref_slice %arg2[%dma_start3A_55, %dma_start3A_56] : memref<10000x128xf32, #tpu.memory_space<hbm>> -> memref<10000x128xf32, #tpu.memory_space<hbm>>
      tpu.enqueue_indirect_dma source(%dma_start3A_57 : memref<10000x128xf32, #tpu.memory_space<hbm>>) target(%arg8 : memref<128x128xf32, #tpu.memory_space<vmem>>) offsets(%dma_start3A_54 : memref<128xi32, #tpu.memory_space<vmem>>) semaphore(%arg11 : memref<!tpu.dma_semaphore, #tpu.memory_space<semaphore_mem>>)
      %dma_wait3A_58 = arith.constant 2 : i32
      %dma_wait3A_59 = arith.constant 0 : i32
      %dma_wait3A_60 = tpu.memref_slice %arg6[%dma_wait3A_58, %dma_wait3A_59] : memref<32x128xi32, #tpu.memory_space<vmem>> -> memref<1x128xi32, #tpu.memory_space<vmem>>
      %dma_wait3A_61 = tpu.memref_squeeze %dma_wait3A_60 : memref<1x128xi32, #tpu.memory_space<vmem>> -> memref<128xi32, #tpu.memory_space<vmem>>
      %dma_wait3A_62 = arith.constant 0 : i32
      %dma_wait3A_63 = arith.constant 0 : i32
      %dma_wait3A_64 = tpu.memref_slice %arg2[%dma_wait3A_62, %dma_wait3A_63] : memref<10000x128xf32, #tpu.memory_space<hbm>> -> memref<10000x128xf32, #tpu.memory_space<hbm>>
      tpu.wait_indirect_dma semaphore(%arg10 : memref<!tpu.dma_semaphore, #tpu.memory_space<semaphore_mem>>) src(%dma_wait3A_64 : memref<10000x128xf32, #tpu.memory_space<hbm>>) dst(%arg7 : memref<128x128xf32, #tpu.memory_space<vmem>>)
      %run_scoped3A_65 = arith.constant 18 : i32
      "tpu.region"() ({
        %run_scoped3A_254 = tpu.sem_alloc : memref<!tpu.dma_semaphore, #tpu.memory_space<semaphore_mem>>
        %dma_start3A_255 = arith.constant 0 : i32
        %dma_start3A_256 = tpu.memref_slice %arg6[%run_scoped3A_65, %dma_start3A_255] : memref<32x128xi32, #tpu.memory_space<vmem>> -> memref<1x128xi32, #tpu.memory_space<vmem>>
        %dma_start3A_257 = tpu.memref_squeeze %dma_start3A_256 : memref<1x128xi32, #tpu.memory_space<vmem>> -> memref<128xi32, #tpu.memory_space<vmem>>
        %dma_start3A_258 = arith.constant 0 : i32
        %dma_start3A_259 = arith.constant 0 : i32
        %dma_start3A_260 = tpu.memref_slice %arg9[%dma_start3A_258, %dma_start3A_259] : memref<10112x128xf32, #tpu.memory_space<vmem_shared>> -> memref<10112x128xf32, #tpu.memory_space<vmem_shared>>
        tpu.enqueue_indirect_dma source(%arg7 : memref<128x128xf32, #tpu.memory_space<vmem>>) target(%dma_start3A_260 : memref<10112x128xf32, #tpu.memory_space<vmem_shared>>) offsets(%dma_start3A_257 : memref<128xi32, #tpu.memory_space<vmem>>) semaphore(%run_scoped3A_254 : memref<!tpu.dma_semaphore, #tpu.memory_space<semaphore_mem>>) {add = true}
        %dma_wait3A_261 = arith.constant 0 : i32
        %dma_wait3A_262 = tpu.memref_slice %arg6[%run_scoped3A_65, %dma_wait3A_261] : memref<32x128xi32, #tpu.memory_space<vmem>> -> memref<1x128xi32, #tpu.memory_space<vmem>>
        %dma_wait3A_263 = tpu.memref_squeeze %dma_wait3A_262 : memref<1x128xi32, #tpu.memory_space<vmem>> -> memref<128xi32, #tpu.memory_space<vmem>>
        %dma_wait3A_264 = arith.constant 0 : i32
        %dma_wait3A_265 = arith.constant 0 : i32
        %dma_wait3A_266 = tpu.memref_slice %arg9[%dma_wait3A_264, %dma_wait3A_265] : memref<10112x128xf32, #tpu.memory_space<vmem_shared>> -> memref<10112x128xf32, #tpu.memory_space<vmem_shared>>
        tpu.wait_indirect_dma semaphore(%run_scoped3A_254 : memref<!tpu.dma_semaphore, #tpu.memory_space<semaphore_mem>>) src(%arg7 : memref<128x128xf32, #tpu.memory_space<vmem>>) dst(%dma_wait3A_266 : memref<10112x128xf32, #tpu.memory_space<vmem_shared>>)
        tpu.yield
      }) : () -> ()
      %dma_start3A_66 = arith.constant 4 : i32
      %dma_start3A_67 = arith.constant 0 : i32
      %dma_start3A_68 = tpu.memref_slice %arg6[%dma_start3A_66, %dma_start3A_67] : memref<32x128xi32, #tpu.memory_space<vmem>> -> memref<1x128xi32, #tpu.memory_space<vmem>>
      %dma_start3A_69 = tpu.memref_squeeze %dma_start3A_68 : memref<1x128xi32, #tpu.memory_space<vmem>> -> memref<128xi32, #tpu.memory_space<vmem>>
      %dma_start3A_70 = arith.constant 0 : i32
      %dma_start3A_71 = arith.constant 0 : i32
      %dma_start3A_72 = tpu.memref_slice %arg2[%dma_start3A_70, %dma_start3A_71] : memref<10000x128xf32, #tpu.memory_space<hbm>> -> memref<10000x128xf32, #tpu.memory_space<hbm>>
      tpu.enqueue_indirect_dma source(%dma_start3A_72 : memref<10000x128xf32, #tpu.memory_space<hbm>>) target(%arg7 : memref<128x128xf32, #tpu.memory_space<vmem>>) offsets(%dma_start3A_69 : memref<128xi32, #tpu.memory_space<vmem>>) semaphore(%arg10 : memref<!tpu.dma_semaphore, #tpu.memory_space<semaphore_mem>>)
      %dma_wait3A_73 = arith.constant 3 : i32
      %dma_wait3A_74 = arith.constant 0 : i32
      %dma_wait3A_75 = tpu.memref_slice %arg6[%dma_wait3A_73, %dma_wait3A_74] : memref<32x128xi32, #tpu.memory_space<vmem>> -> memref<1x128xi32, #tpu.memory_space<vmem>>
      %dma_wait3A_76 = tpu.memref_squeeze %dma_wait3A_75 : memref<1x128xi32, #tpu.memory_space<vmem>> -> memref<128xi32, #tpu.memory_space<vmem>>
      %dma_wait3A_77 = arith.constant 0 : i32
      %dma_wait3A_78 = arith.constant 0 : i32
      %dma_wait3A_79 = tpu.memref_slice %arg2[%dma_wait3A_77, %dma_wait3A_78] : memref<10000x128xf32, #tpu.memory_space<hbm>> -> memref<10000x128xf32, #tpu.memory_space<hbm>>
      tpu.wait_indirect_dma semaphore(%arg11 : memref<!tpu.dma_semaphore, #tpu.memory_space<semaphore_mem>>) src(%dma_wait3A_79 : memref<10000x128xf32, #tpu.memory_space<hbm>>) dst(%arg8 : memref<128x128xf32, #tpu.memory_space<vmem>>)
      %run_scoped3A_80 = arith.constant 19 : i32
      "tpu.region"() ({
        %run_scoped3A_254 = tpu.sem_alloc : memref<!tpu.dma_semaphore, #tpu.memory_space<semaphore_mem>>
        %dma_start3A_255 = arith.constant 0 : i32
        %dma_start3A_256 = tpu.memref_slice %arg6[%run_scoped3A_80, %dma_start3A_255] : memref<32x128xi32, #tpu.memory_space<vmem>> -> memref<1x128xi32, #tpu.memory_space<vmem>>
        %dma_start3A_257 = tpu.memref_squeeze %dma_start3A_256 : memref<1x128xi32, #tpu.memory_space<vmem>> -> memref<128xi32, #tpu.memory_space<vmem>>
        %dma_start3A_258 = arith.constant 0 : i32
        %dma_start3A_259 = arith.constant 0 : i32
        %dma_start3A_260 = tpu.memref_slice %arg9[%dma_start3A_258, %dma_start3A_259] : memref<10112x128xf32, #tpu.memory_space<vmem_shared>> -> memref<10112x128xf32, #tpu.memory_space<vmem_shared>>
        tpu.enqueue_indirect_dma source(%arg8 : memref<128x128xf32, #tpu.memory_space<vmem>>) target(%dma_start3A_260 : memref<10112x128xf32, #tpu.memory_space<vmem_shared>>) offsets(%dma_start3A_257 : memref<128xi32, #tpu.memory_space<vmem>>) semaphore(%run_scoped3A_254 : memref<!tpu.dma_semaphore, #tpu.memory_space<semaphore_mem>>) {add = true}
        %dma_wait3A_261 = arith.constant 0 : i32
        %dma_wait3A_262 = tpu.memref_slice %arg6[%run_scoped3A_80, %dma_wait3A_261] : memref<32x128xi32, #tpu.memory_space<vmem>> -> memref<1x128xi32, #tpu.memory_space<vmem>>
        %dma_wait3A_263 = tpu.memref_squeeze %dma_wait3A_262 : memref<1x128xi32, #tpu.memory_space<vmem>> -> memref<128xi32, #tpu.memory_space<vmem>>
        %dma_wait3A_264 = arith.constant 0 : i32
        %dma_wait3A_265 = arith.constant 0 : i32
        %dma_wait3A_266 = tpu.memref_slice %arg9[%dma_wait3A_264, %dma_wait3A_265] : memref<10112x128xf32, #tpu.memory_space<vmem_shared>> -> memref<10112x128xf32, #tpu.memory_space<vmem_shared>>
        tpu.wait_indirect_dma semaphore(%run_scoped3A_254 : memref<!tpu.dma_semaphore, #tpu.memory_space<semaphore_mem>>) src(%arg8 : memref<128x128xf32, #tpu.memory_space<vmem>>) dst(%dma_wait3A_266 : memref<10112x128xf32, #tpu.memory_space<vmem_shared>>)
        tpu.yield
      }) : () -> ()
      %dma_start3A_81 = arith.constant 5 : i32
      %dma_start3A_82 = arith.constant 0 : i32
      %dma_start3A_83 = tpu.memref_slice %arg6[%dma_start3A_81, %dma_start3A_82] : memref<32x128xi32, #tpu.memory_space<vmem>> -> memref<1x128xi32, #tpu.memory_space<vmem>>
      %dma_start3A_84 = tpu.memref_squeeze %dma_start3A_83 : memref<1x128xi32, #tpu.memory_space<vmem>> -> memref<128xi32, #tpu.memory_space<vmem>>
      %dma_start3A_85 = arith.constant 0 : i32
      %dma_start3A_86 = arith.constant 0 : i32
      %dma_start3A_87 = tpu.memref_slice %arg2[%dma_start3A_85, %dma_start3A_86] : memref<10000x128xf32, #tpu.memory_space<hbm>> -> memref<10000x128xf32, #tpu.memory_space<hbm>>
      tpu.enqueue_indirect_dma source(%dma_start3A_87 : memref<10000x128xf32, #tpu.memory_space<hbm>>) target(%arg8 : memref<128x128xf32, #tpu.memory_space<vmem>>) offsets(%dma_start3A_84 : memref<128xi32, #tpu.memory_space<vmem>>) semaphore(%arg11 : memref<!tpu.dma_semaphore, #tpu.memory_space<semaphore_mem>>)
      %dma_wait3A_88 = arith.constant 4 : i32
      %dma_wait3A_89 = arith.constant 0 : i32
      %dma_wait3A_90 = tpu.memref_slice %arg6[%dma_wait3A_88, %dma_wait3A_89] : memref<32x128xi32, #tpu.memory_space<vmem>> -> memref<1x128xi32, #tpu.memory_space<vmem>>
      %dma_wait3A_91 = tpu.memref_squeeze %dma_wait3A_90 : memref<1x128xi32, #tpu.memory_space<vmem>> -> memref<128xi32, #tpu.memory_space<vmem>>
      %dma_wait3A_92 = arith.constant 0 : i32
      %dma_wait3A_93 = arith.constant 0 : i32
      %dma_wait3A_94 = tpu.memref_slice %arg2[%dma_wait3A_92, %dma_wait3A_93] : memref<10000x128xf32, #tpu.memory_space<hbm>> -> memref<10000x128xf32, #tpu.memory_space<hbm>>
      tpu.wait_indirect_dma semaphore(%arg10 : memref<!tpu.dma_semaphore, #tpu.memory_space<semaphore_mem>>) src(%dma_wait3A_94 : memref<10000x128xf32, #tpu.memory_space<hbm>>) dst(%arg7 : memref<128x128xf32, #tpu.memory_space<vmem>>)
      %run_scoped3A_95 = arith.constant 20 : i32
      "tpu.region"() ({
        %run_scoped3A_254 = tpu.sem_alloc : memref<!tpu.dma_semaphore, #tpu.memory_space<semaphore_mem>>
        %dma_start3A_255 = arith.constant 0 : i32
        %dma_start3A_256 = tpu.memref_slice %arg6[%run_scoped3A_95, %dma_start3A_255] : memref<32x128xi32, #tpu.memory_space<vmem>> -> memref<1x128xi32, #tpu.memory_space<vmem>>
        %dma_start3A_257 = tpu.memref_squeeze %dma_start3A_256 : memref<1x128xi32, #tpu.memory_space<vmem>> -> memref<128xi32, #tpu.memory_space<vmem>>
        %dma_start3A_258 = arith.constant 0 : i32
        %dma_start3A_259 = arith.constant 0 : i32
        %dma_start3A_260 = tpu.memref_slice %arg9[%dma_start3A_258, %dma_start3A_259] : memref<10112x128xf32, #tpu.memory_space<vmem_shared>> -> memref<10112x128xf32, #tpu.memory_space<vmem_shared>>
        tpu.enqueue_indirect_dma source(%arg7 : memref<128x128xf32, #tpu.memory_space<vmem>>) target(%dma_start3A_260 : memref<10112x128xf32, #tpu.memory_space<vmem_shared>>) offsets(%dma_start3A_257 : memref<128xi32, #tpu.memory_space<vmem>>) semaphore(%run_scoped3A_254 : memref<!tpu.dma_semaphore, #tpu.memory_space<semaphore_mem>>) {add = true}
        %dma_wait3A_261 = arith.constant 0 : i32
        %dma_wait3A_262 = tpu.memref_slice %arg6[%run_scoped3A_95, %dma_wait3A_261] : memref<32x128xi32, #tpu.memory_space<vmem>> -> memref<1x128xi32, #tpu.memory_space<vmem>>
        %dma_wait3A_263 = tpu.memref_squeeze %dma_wait3A_262 : memref<1x128xi32, #tpu.memory_space<vmem>> -> memref<128xi32, #tpu.memory_space<vmem>>
        %dma_wait3A_264 = arith.constant 0 : i32
        %dma_wait3A_265 = arith.constant 0 : i32
        %dma_wait3A_266 = tpu.memref_slice %arg9[%dma_wait3A_264, %dma_wait3A_265] : memref<10112x128xf32, #tpu.memory_space<vmem_shared>> -> memref<10112x128xf32, #tpu.memory_space<vmem_shared>>
        tpu.wait_indirect_dma semaphore(%run_scoped3A_254 : memref<!tpu.dma_semaphore, #tpu.memory_space<semaphore_mem>>) src(%arg7 : memref<128x128xf32, #tpu.memory_space<vmem>>) dst(%dma_wait3A_266 : memref<10112x128xf32, #tpu.memory_space<vmem_shared>>)
        tpu.yield
      }) : () -> ()
      %dma_start3A_96 = arith.constant 6 : i32
      %dma_start3A_97 = arith.constant 0 : i32
      %dma_start3A_98 = tpu.memref_slice %arg6[%dma_start3A_96, %dma_start3A_97] : memref<32x128xi32, #tpu.memory_space<vmem>> -> memref<1x128xi32, #tpu.memory_space<vmem>>
      %dma_start3A_99 = tpu.memref_squeeze %dma_start3A_98 : memref<1x128xi32, #tpu.memory_space<vmem>> -> memref<128xi32, #tpu.memory_space<vmem>>
      %dma_start3A_100 = arith.constant 0 : i32
      %dma_start3A_101 = arith.constant 0 : i32
      %dma_start3A_102 = tpu.memref_slice %arg2[%dma_start3A_100, %dma_start3A_101] : memref<10000x128xf32, #tpu.memory_space<hbm>> -> memref<10000x128xf32, #tpu.memory_space<hbm>>
      tpu.enqueue_indirect_dma source(%dma_start3A_102 : memref<10000x128xf32, #tpu.memory_space<hbm>>) target(%arg7 : memref<128x128xf32, #tpu.memory_space<vmem>>) offsets(%dma_start3A_99 : memref<128xi32, #tpu.memory_space<vmem>>) semaphore(%arg10 : memref<!tpu.dma_semaphore, #tpu.memory_space<semaphore_mem>>)
      %dma_wait3A_103 = arith.constant 5 : i32
      %dma_wait3A_104 = arith.constant 0 : i32
      %dma_wait3A_105 = tpu.memref_slice %arg6[%dma_wait3A_103, %dma_wait3A_104] : memref<32x128xi32, #tpu.memory_space<vmem>> -> memref<1x128xi32, #tpu.memory_space<vmem>>
      %dma_wait3A_106 = tpu.memref_squeeze %dma_wait3A_105 : memref<1x128xi32, #tpu.memory_space<vmem>> -> memref<128xi32, #tpu.memory_space<vmem>>
      %dma_wait3A_107 = arith.constant 0 : i32
      %dma_wait3A_108 = arith.constant 0 : i32
      %dma_wait3A_109 = tpu.memref_slice %arg2[%dma_wait3A_107, %dma_wait3A_108] : memref<10000x128xf32, #tpu.memory_space<hbm>> -> memref<10000x128xf32, #tpu.memory_space<hbm>>
      tpu.wait_indirect_dma semaphore(%arg11 : memref<!tpu.dma_semaphore, #tpu.memory_space<semaphore_mem>>) src(%dma_wait3A_109 : memref<10000x128xf32, #tpu.memory_space<hbm>>) dst(%arg8 : memref<128x128xf32, #tpu.memory_space<vmem>>)
      %run_scoped3A_110 = arith.constant 21 : i32
      "tpu.region"() ({
        %run_scoped3A_254 = tpu.sem_alloc : memref<!tpu.dma_semaphore, #tpu.memory_space<semaphore_mem>>
        %dma_start3A_255 = arith.constant 0 : i32
        %dma_start3A_256 = tpu.memref_slice %arg6[%run_scoped3A_110, %dma_start3A_255] : memref<32x128xi32, #tpu.memory_space<vmem>> -> memref<1x128xi32, #tpu.memory_space<vmem>>
        %dma_start3A_257 = tpu.memref_squeeze %dma_start3A_256 : memref<1x128xi32, #tpu.memory_space<vmem>> -> memref<128xi32, #tpu.memory_space<vmem>>
        %dma_start3A_258 = arith.constant 0 : i32
        %dma_start3A_259 = arith.constant 0 : i32
        %dma_start3A_260 = tpu.memref_slice %arg9[%dma_start3A_258, %dma_start3A_259] : memref<10112x128xf32, #tpu.memory_space<vmem_shared>> -> memref<10112x128xf32, #tpu.memory_space<vmem_shared>>
        tpu.enqueue_indirect_dma source(%arg8 : memref<128x128xf32, #tpu.memory_space<vmem>>) target(%dma_start3A_260 : memref<10112x128xf32, #tpu.memory_space<vmem_shared>>) offsets(%dma_start3A_257 : memref<128xi32, #tpu.memory_space<vmem>>) semaphore(%run_scoped3A_254 : memref<!tpu.dma_semaphore, #tpu.memory_space<semaphore_mem>>) {add = true}
        %dma_wait3A_261 = arith.constant 0 : i32
        %dma_wait3A_262 = tpu.memref_slice %arg6[%run_scoped3A_110, %dma_wait3A_261] : memref<32x128xi32, #tpu.memory_space<vmem>> -> memref<1x128xi32, #tpu.memory_space<vmem>>
        %dma_wait3A_263 = tpu.memref_squeeze %dma_wait3A_262 : memref<1x128xi32, #tpu.memory_space<vmem>> -> memref<128xi32, #tpu.memory_space<vmem>>
        %dma_wait3A_264 = arith.constant 0 : i32
        %dma_wait3A_265 = arith.constant 0 : i32
        %dma_wait3A_266 = tpu.memref_slice %arg9[%dma_wait3A_264, %dma_wait3A_265] : memref<10112x128xf32, #tpu.memory_space<vmem_shared>> -> memref<10112x128xf32, #tpu.memory_space<vmem_shared>>
        tpu.wait_indirect_dma semaphore(%run_scoped3A_254 : memref<!tpu.dma_semaphore, #tpu.memory_space<semaphore_mem>>) src(%arg8 : memref<128x128xf32, #tpu.memory_space<vmem>>) dst(%dma_wait3A_266 : memref<10112x128xf32, #tpu.memory_space<vmem_shared>>)
        tpu.yield
      }) : () -> ()
      %dma_start3A_111 = arith.constant 7 : i32
      %dma_start3A_112 = arith.constant 0 : i32
      %dma_start3A_113 = tpu.memref_slice %arg6[%dma_start3A_111, %dma_start3A_112] : memref<32x128xi32, #tpu.memory_space<vmem>> -> memref<1x128xi32, #tpu.memory_space<vmem>>
      %dma_start3A_114 = tpu.memref_squeeze %dma_start3A_113 : memref<1x128xi32, #tpu.memory_space<vmem>> -> memref<128xi32, #tpu.memory_space<vmem>>
      %dma_start3A_115 = arith.constant 0 : i32
      %dma_start3A_116 = arith.constant 0 : i32
      %dma_start3A_117 = tpu.memref_slice %arg2[%dma_start3A_115, %dma_start3A_116] : memref<10000x128xf32, #tpu.memory_space<hbm>> -> memref<10000x128xf32, #tpu.memory_space<hbm>>
      tpu.enqueue_indirect_dma source(%dma_start3A_117 : memref<10000x128xf32, #tpu.memory_space<hbm>>) target(%arg8 : memref<128x128xf32, #tpu.memory_space<vmem>>) offsets(%dma_start3A_114 : memref<128xi32, #tpu.memory_space<vmem>>) semaphore(%arg11 : memref<!tpu.dma_semaphore, #tpu.memory_space<semaphore_mem>>)
      %dma_wait3A_118 = arith.constant 6 : i32
      %dma_wait3A_119 = arith.constant 0 : i32
      %dma_wait3A_120 = tpu.memref_slice %arg6[%dma_wait3A_118, %dma_wait3A_119] : memref<32x128xi32, #tpu.memory_space<vmem>> -> memref<1x128xi32, #tpu.memory_space<vmem>>
      %dma_wait3A_121 = tpu.memref_squeeze %dma_wait3A_120 : memref<1x128xi32, #tpu.memory_space<vmem>> -> memref<128xi32, #tpu.memory_space<vmem>>
      %dma_wait3A_122 = arith.constant 0 : i32
      %dma_wait3A_123 = arith.constant 0 : i32
      %dma_wait3A_124 = tpu.memref_slice %arg2[%dma_wait3A_122, %dma_wait3A_123] : memref<10000x128xf32, #tpu.memory_space<hbm>> -> memref<10000x128xf32, #tpu.memory_space<hbm>>
      tpu.wait_indirect_dma semaphore(%arg10 : memref<!tpu.dma_semaphore, #tpu.memory_space<semaphore_mem>>) src(%dma_wait3A_124 : memref<10000x128xf32, #tpu.memory_space<hbm>>) dst(%arg7 : memref<128x128xf32, #tpu.memory_space<vmem>>)
      %run_scoped3A_125 = arith.constant 22 : i32
      "tpu.region"() ({
        %run_scoped3A_254 = tpu.sem_alloc : memref<!tpu.dma_semaphore, #tpu.memory_space<semaphore_mem>>
        %dma_start3A_255 = arith.constant 0 : i32
        %dma_start3A_256 = tpu.memref_slice %arg6[%run_scoped3A_125, %dma_start3A_255] : memref<32x128xi32, #tpu.memory_space<vmem>> -> memref<1x128xi32, #tpu.memory_space<vmem>>
        %dma_start3A_257 = tpu.memref_squeeze %dma_start3A_256 : memref<1x128xi32, #tpu.memory_space<vmem>> -> memref<128xi32, #tpu.memory_space<vmem>>
        %dma_start3A_258 = arith.constant 0 : i32
        %dma_start3A_259 = arith.constant 0 : i32
        %dma_start3A_260 = tpu.memref_slice %arg9[%dma_start3A_258, %dma_start3A_259] : memref<10112x128xf32, #tpu.memory_space<vmem_shared>> -> memref<10112x128xf32, #tpu.memory_space<vmem_shared>>
        tpu.enqueue_indirect_dma source(%arg7 : memref<128x128xf32, #tpu.memory_space<vmem>>) target(%dma_start3A_260 : memref<10112x128xf32, #tpu.memory_space<vmem_shared>>) offsets(%dma_start3A_257 : memref<128xi32, #tpu.memory_space<vmem>>) semaphore(%run_scoped3A_254 : memref<!tpu.dma_semaphore, #tpu.memory_space<semaphore_mem>>) {add = true}
        %dma_wait3A_261 = arith.constant 0 : i32
        %dma_wait3A_262 = tpu.memref_slice %arg6[%run_scoped3A_125, %dma_wait3A_261] : memref<32x128xi32, #tpu.memory_space<vmem>> -> memref<1x128xi32, #tpu.memory_space<vmem>>
        %dma_wait3A_263 = tpu.memref_squeeze %dma_wait3A_262 : memref<1x128xi32, #tpu.memory_space<vmem>> -> memref<128xi32, #tpu.memory_space<vmem>>
        %dma_wait3A_264 = arith.constant 0 : i32
        %dma_wait3A_265 = arith.constant 0 : i32
        %dma_wait3A_266 = tpu.memref_slice %arg9[%dma_wait3A_264, %dma_wait3A_265] : memref<10112x128xf32, #tpu.memory_space<vmem_shared>> -> memref<10112x128xf32, #tpu.memory_space<vmem_shared>>
        tpu.wait_indirect_dma semaphore(%run_scoped3A_254 : memref<!tpu.dma_semaphore, #tpu.memory_space<semaphore_mem>>) src(%arg7 : memref<128x128xf32, #tpu.memory_space<vmem>>) dst(%dma_wait3A_266 : memref<10112x128xf32, #tpu.memory_space<vmem_shared>>)
        tpu.yield
      }) : () -> ()
      %dma_start3A_126 = arith.constant 8 : i32
      %dma_start3A_127 = arith.constant 0 : i32
      %dma_start3A_128 = tpu.memref_slice %arg6[%dma_start3A_126, %dma_start3A_127] : memref<32x128xi32, #tpu.memory_space<vmem>> -> memref<1x128xi32, #tpu.memory_space<vmem>>
      %dma_start3A_129 = tpu.memref_squeeze %dma_start3A_128 : memref<1x128xi32, #tpu.memory_space<vmem>> -> memref<128xi32, #tpu.memory_space<vmem>>
      %dma_start3A_130 = arith.constant 0 : i32
      %dma_start3A_131 = arith.constant 0 : i32
      %dma_start3A_132 = tpu.memref_slice %arg2[%dma_start3A_130, %dma_start3A_131] : memref<10000x128xf32, #tpu.memory_space<hbm>> -> memref<10000x128xf32, #tpu.memory_space<hbm>>
      tpu.enqueue_indirect_dma source(%dma_start3A_132 : memref<10000x128xf32, #tpu.memory_space<hbm>>) target(%arg7 : memref<128x128xf32, #tpu.memory_space<vmem>>) offsets(%dma_start3A_129 : memref<128xi32, #tpu.memory_space<vmem>>) semaphore(%arg10 : memref<!tpu.dma_semaphore, #tpu.memory_space<semaphore_mem>>)
      %dma_wait3A_133 = arith.constant 7 : i32
      %dma_wait3A_134 = arith.constant 0 : i32
      %dma_wait3A_135 = tpu.memref_slice %arg6[%dma_wait3A_133, %dma_wait3A_134] : memref<32x128xi32, #tpu.memory_space<vmem>> -> memref<1x128xi32, #tpu.memory_space<vmem>>
      %dma_wait3A_136 = tpu.memref_squeeze %dma_wait3A_135 : memref<1x128xi32, #tpu.memory_space<vmem>> -> memref<128xi32, #tpu.memory_space<vmem>>
      %dma_wait3A_137 = arith.constant 0 : i32
      %dma_wait3A_138 = arith.constant 0 : i32
      %dma_wait3A_139 = tpu.memref_slice %arg2[%dma_wait3A_137, %dma_wait3A_138] : memref<10000x128xf32, #tpu.memory_space<hbm>> -> memref<10000x128xf32, #tpu.memory_space<hbm>>
      tpu.wait_indirect_dma semaphore(%arg11 : memref<!tpu.dma_semaphore, #tpu.memory_space<semaphore_mem>>) src(%dma_wait3A_139 : memref<10000x128xf32, #tpu.memory_space<hbm>>) dst(%arg8 : memref<128x128xf32, #tpu.memory_space<vmem>>)
      %run_scoped3A_140 = arith.constant 23 : i32
      "tpu.region"() ({
        %run_scoped3A_254 = tpu.sem_alloc : memref<!tpu.dma_semaphore, #tpu.memory_space<semaphore_mem>>
        %dma_start3A_255 = arith.constant 0 : i32
        %dma_start3A_256 = tpu.memref_slice %arg6[%run_scoped3A_140, %dma_start3A_255] : memref<32x128xi32, #tpu.memory_space<vmem>> -> memref<1x128xi32, #tpu.memory_space<vmem>>
        %dma_start3A_257 = tpu.memref_squeeze %dma_start3A_256 : memref<1x128xi32, #tpu.memory_space<vmem>> -> memref<128xi32, #tpu.memory_space<vmem>>
        %dma_start3A_258 = arith.constant 0 : i32
        %dma_start3A_259 = arith.constant 0 : i32
        %dma_start3A_260 = tpu.memref_slice %arg9[%dma_start3A_258, %dma_start3A_259] : memref<10112x128xf32, #tpu.memory_space<vmem_shared>> -> memref<10112x128xf32, #tpu.memory_space<vmem_shared>>
        tpu.enqueue_indirect_dma source(%arg8 : memref<128x128xf32, #tpu.memory_space<vmem>>) target(%dma_start3A_260 : memref<10112x128xf32, #tpu.memory_space<vmem_shared>>) offsets(%dma_start3A_257 : memref<128xi32, #tpu.memory_space<vmem>>) semaphore(%run_scoped3A_254 : memref<!tpu.dma_semaphore, #tpu.memory_space<semaphore_mem>>) {add = true}
        %dma_wait3A_261 = arith.constant 0 : i32
        %dma_wait3A_262 = tpu.memref_slice %arg6[%run_scoped3A_140, %dma_wait3A_261] : memref<32x128xi32, #tpu.memory_space<vmem>> -> memref<1x128xi32, #tpu.memory_space<vmem>>
        %dma_wait3A_263 = tpu.memref_squeeze %dma_wait3A_262 : memref<1x128xi32, #tpu.memory_space<vmem>> -> memref<128xi32, #tpu.memory_space<vmem>>
        %dma_wait3A_264 = arith.constant 0 : i32
        %dma_wait3A_265 = arith.constant 0 : i32
        %dma_wait3A_266 = tpu.memref_slice %arg9[%dma_wait3A_264, %dma_wait3A_265] : memref<10112x128xf32, #tpu.memory_space<vmem_shared>> -> memref<10112x128xf32, #tpu.memory_space<vmem_shared>>
        tpu.wait_indirect_dma semaphore(%run_scoped3A_254 : memref<!tpu.dma_semaphore, #tpu.memory_space<semaphore_mem>>) src(%arg8 : memref<128x128xf32, #tpu.memory_space<vmem>>) dst(%dma_wait3A_266 : memref<10112x128xf32, #tpu.memory_space<vmem_shared>>)
        tpu.yield
      }) : () -> ()
      %dma_start3A_141 = arith.constant 9 : i32
      %dma_start3A_142 = arith.constant 0 : i32
      %dma_start3A_143 = tpu.memref_slice %arg6[%dma_start3A_141, %dma_start3A_142] : memref<32x128xi32, #tpu.memory_space<vmem>> -> memref<1x128xi32, #tpu.memory_space<vmem>>
      %dma_start3A_144 = tpu.memref_squeeze %dma_start3A_143 : memref<1x128xi32, #tpu.memory_space<vmem>> -> memref<128xi32, #tpu.memory_space<vmem>>
      %dma_start3A_145 = arith.constant 0 : i32
      %dma_start3A_146 = arith.constant 0 : i32
      %dma_start3A_147 = tpu.memref_slice %arg2[%dma_start3A_145, %dma_start3A_146] : memref<10000x128xf32, #tpu.memory_space<hbm>> -> memref<10000x128xf32, #tpu.memory_space<hbm>>
      tpu.enqueue_indirect_dma source(%dma_start3A_147 : memref<10000x128xf32, #tpu.memory_space<hbm>>) target(%arg8 : memref<128x128xf32, #tpu.memory_space<vmem>>) offsets(%dma_start3A_144 : memref<128xi32, #tpu.memory_space<vmem>>) semaphore(%arg11 : memref<!tpu.dma_semaphore, #tpu.memory_space<semaphore_mem>>)
      %dma_wait3A_148 = arith.constant 8 : i32
      %dma_wait3A_149 = arith.constant 0 : i32
      %dma_wait3A_150 = tpu.memref_slice %arg6[%dma_wait3A_148, %dma_wait3A_149] : memref<32x128xi32, #tpu.memory_space<vmem>> -> memref<1x128xi32, #tpu.memory_space<vmem>>
      %dma_wait3A_151 = tpu.memref_squeeze %dma_wait3A_150 : memref<1x128xi32, #tpu.memory_space<vmem>> -> memref<128xi32, #tpu.memory_space<vmem>>
      %dma_wait3A_152 = arith.constant 0 : i32
      %dma_wait3A_153 = arith.constant 0 : i32
      %dma_wait3A_154 = tpu.memref_slice %arg2[%dma_wait3A_152, %dma_wait3A_153] : memref<10000x128xf32, #tpu.memory_space<hbm>> -> memref<10000x128xf32, #tpu.memory_space<hbm>>
      tpu.wait_indirect_dma semaphore(%arg10 : memref<!tpu.dma_semaphore, #tpu.memory_space<semaphore_mem>>) src(%dma_wait3A_154 : memref<10000x128xf32, #tpu.memory_space<hbm>>) dst(%arg7 : memref<128x128xf32, #tpu.memory_space<vmem>>)
      %run_scoped3A_155 = arith.constant 24 : i32
      "tpu.region"() ({
        %run_scoped3A_254 = tpu.sem_alloc : memref<!tpu.dma_semaphore, #tpu.memory_space<semaphore_mem>>
        %dma_start3A_255 = arith.constant 0 : i32
        %dma_start3A_256 = tpu.memref_slice %arg6[%run_scoped3A_155, %dma_start3A_255] : memref<32x128xi32, #tpu.memory_space<vmem>> -> memref<1x128xi32, #tpu.memory_space<vmem>>
        %dma_start3A_257 = tpu.memref_squeeze %dma_start3A_256 : memref<1x128xi32, #tpu.memory_space<vmem>> -> memref<128xi32, #tpu.memory_space<vmem>>
        %dma_start3A_258 = arith.constant 0 : i32
        %dma_start3A_259 = arith.constant 0 : i32
        %dma_start3A_260 = tpu.memref_slice %arg9[%dma_start3A_258, %dma_start3A_259] : memref<10112x128xf32, #tpu.memory_space<vmem_shared>> -> memref<10112x128xf32, #tpu.memory_space<vmem_shared>>
        tpu.enqueue_indirect_dma source(%arg7 : memref<128x128xf32, #tpu.memory_space<vmem>>) target(%dma_start3A_260 : memref<10112x128xf32, #tpu.memory_space<vmem_shared>>) offsets(%dma_start3A_257 : memref<128xi32, #tpu.memory_space<vmem>>) semaphore(%run_scoped3A_254 : memref<!tpu.dma_semaphore, #tpu.memory_space<semaphore_mem>>) {add = true}
        %dma_wait3A_261 = arith.constant 0 : i32
        %dma_wait3A_262 = tpu.memref_slice %arg6[%run_scoped3A_155, %dma_wait3A_261] : memref<32x128xi32, #tpu.memory_space<vmem>> -> memref<1x128xi32, #tpu.memory_space<vmem>>
        %dma_wait3A_263 = tpu.memref_squeeze %dma_wait3A_262 : memref<1x128xi32, #tpu.memory_space<vmem>> -> memref<128xi32, #tpu.memory_space<vmem>>
        %dma_wait3A_264 = arith.constant 0 : i32
        %dma_wait3A_265 = arith.constant 0 : i32
        %dma_wait3A_266 = tpu.memref_slice %arg9[%dma_wait3A_264, %dma_wait3A_265] : memref<10112x128xf32, #tpu.memory_space<vmem_shared>> -> memref<10112x128xf32, #tpu.memory_space<vmem_shared>>
        tpu.wait_indirect_dma semaphore(%run_scoped3A_254 : memref<!tpu.dma_semaphore, #tpu.memory_space<semaphore_mem>>) src(%arg7 : memref<128x128xf32, #tpu.memory_space<vmem>>) dst(%dma_wait3A_266 : memref<10112x128xf32, #tpu.memory_space<vmem_shared>>)
        tpu.yield
      }) : () -> ()
      %dma_start3A_156 = arith.constant 10 : i32
      %dma_start3A_157 = arith.constant 0 : i32
      %dma_start3A_158 = tpu.memref_slice %arg6[%dma_start3A_156, %dma_start3A_157] : memref<32x128xi32, #tpu.memory_space<vmem>> -> memref<1x128xi32, #tpu.memory_space<vmem>>
      %dma_start3A_159 = tpu.memref_squeeze %dma_start3A_158 : memref<1x128xi32, #tpu.memory_space<vmem>> -> memref<128xi32, #tpu.memory_space<vmem>>
      %dma_start3A_160 = arith.constant 0 : i32
      %dma_start3A_161 = arith.constant 0 : i32
      %dma_start3A_162 = tpu.memref_slice %arg2[%dma_start3A_160, %dma_start3A_161] : memref<10000x128xf32, #tpu.memory_space<hbm>> -> memref<10000x128xf32, #tpu.memory_space<hbm>>
      tpu.enqueue_indirect_dma source(%dma_start3A_162 : memref<10000x128xf32, #tpu.memory_space<hbm>>) target(%arg7 : memref<128x128xf32, #tpu.memory_space<vmem>>) offsets(%dma_start3A_159 : memref<128xi32, #tpu.memory_space<vmem>>) semaphore(%arg10 : memref<!tpu.dma_semaphore, #tpu.memory_space<semaphore_mem>>)
      %dma_wait3A_163 = arith.constant 9 : i32
      %dma_wait3A_164 = arith.constant 0 : i32
      %dma_wait3A_165 = tpu.memref_slice %arg6[%dma_wait3A_163, %dma_wait3A_164] : memref<32x128xi32, #tpu.memory_space<vmem>> -> memref<1x128xi32, #tpu.memory_space<vmem>>
      %dma_wait3A_166 = tpu.memref_squeeze %dma_wait3A_165 : memref<1x128xi32, #tpu.memory_space<vmem>> -> memref<128xi32, #tpu.memory_space<vmem>>
      %dma_wait3A_167 = arith.constant 0 : i32
      %dma_wait3A_168 = arith.constant 0 : i32
      %dma_wait3A_169 = tpu.memref_slice %arg2[%dma_wait3A_167, %dma_wait3A_168] : memref<10000x128xf32, #tpu.memory_space<hbm>> -> memref<10000x128xf32, #tpu.memory_space<hbm>>
      tpu.wait_indirect_dma semaphore(%arg11 : memref<!tpu.dma_semaphore, #tpu.memory_space<semaphore_mem>>) src(%dma_wait3A_169 : memref<10000x128xf32, #tpu.memory_space<hbm>>) dst(%arg8 : memref<128x128xf32, #tpu.memory_space<vmem>>)
      %run_scoped3A_170 = arith.constant 25 : i32
      "tpu.region"() ({
        %run_scoped3A_254 = tpu.sem_alloc : memref<!tpu.dma_semaphore, #tpu.memory_space<semaphore_mem>>
        %dma_start3A_255 = arith.constant 0 : i32
        %dma_start3A_256 = tpu.memref_slice %arg6[%run_scoped3A_170, %dma_start3A_255] : memref<32x128xi32, #tpu.memory_space<vmem>> -> memref<1x128xi32, #tpu.memory_space<vmem>>
        %dma_start3A_257 = tpu.memref_squeeze %dma_start3A_256 : memref<1x128xi32, #tpu.memory_space<vmem>> -> memref<128xi32, #tpu.memory_space<vmem>>
        %dma_start3A_258 = arith.constant 0 : i32
        %dma_start3A_259 = arith.constant 0 : i32
        %dma_start3A_260 = tpu.memref_slice %arg9[%dma_start3A_258, %dma_start3A_259] : memref<10112x128xf32, #tpu.memory_space<vmem_shared>> -> memref<10112x128xf32, #tpu.memory_space<vmem_shared>>
        tpu.enqueue_indirect_dma source(%arg8 : memref<128x128xf32, #tpu.memory_space<vmem>>) target(%dma_start3A_260 : memref<10112x128xf32, #tpu.memory_space<vmem_shared>>) offsets(%dma_start3A_257 : memref<128xi32, #tpu.memory_space<vmem>>) semaphore(%run_scoped3A_254 : memref<!tpu.dma_semaphore, #tpu.memory_space<semaphore_mem>>) {add = true}
        %dma_wait3A_261 = arith.constant 0 : i32
        %dma_wait3A_262 = tpu.memref_slice %arg6[%run_scoped3A_170, %dma_wait3A_261] : memref<32x128xi32, #tpu.memory_space<vmem>> -> memref<1x128xi32, #tpu.memory_space<vmem>>
        %dma_wait3A_263 = tpu.memref_squeeze %dma_wait3A_262 : memref<1x128xi32, #tpu.memory_space<vmem>> -> memref<128xi32, #tpu.memory_space<vmem>>
        %dma_wait3A_264 = arith.constant 0 : i32
        %dma_wait3A_265 = arith.constant 0 : i32
        %dma_wait3A_266 = tpu.memref_slice %arg9[%dma_wait3A_264, %dma_wait3A_265] : memref<10112x128xf32, #tpu.memory_space<vmem_shared>> -> memref<10112x128xf32, #tpu.memory_space<vmem_shared>>
        tpu.wait_indirect_dma semaphore(%run_scoped3A_254 : memref<!tpu.dma_semaphore, #tpu.memory_space<semaphore_mem>>) src(%arg8 : memref<128x128xf32, #tpu.memory_space<vmem>>) dst(%dma_wait3A_266 : memref<10112x128xf32, #tpu.memory_space<vmem_shared>>)
        tpu.yield
      }) : () -> ()
      %dma_start3A_171 = arith.constant 11 : i32
      %dma_start3A_172 = arith.constant 0 : i32
      %dma_start3A_173 = tpu.memref_slice %arg6[%dma_start3A_171, %dma_start3A_172] : memref<32x128xi32, #tpu.memory_space<vmem>> -> memref<1x128xi32, #tpu.memory_space<vmem>>
      %dma_start3A_174 = tpu.memref_squeeze %dma_start3A_173 : memref<1x128xi32, #tpu.memory_space<vmem>> -> memref<128xi32, #tpu.memory_space<vmem>>
      %dma_start3A_175 = arith.constant 0 : i32
      %dma_start3A_176 = arith.constant 0 : i32
      %dma_start3A_177 = tpu.memref_slice %arg2[%dma_start3A_175, %dma_start3A_176] : memref<10000x128xf32, #tpu.memory_space<hbm>> -> memref<10000x128xf32, #tpu.memory_space<hbm>>
      tpu.enqueue_indirect_dma source(%dma_start3A_177 : memref<10000x128xf32, #tpu.memory_space<hbm>>) target(%arg8 : memref<128x128xf32, #tpu.memory_space<vmem>>) offsets(%dma_start3A_174 : memref<128xi32, #tpu.memory_space<vmem>>) semaphore(%arg11 : memref<!tpu.dma_semaphore, #tpu.memory_space<semaphore_mem>>)
      %dma_wait3A_178 = arith.constant 10 : i32
      %dma_wait3A_179 = arith.constant 0 : i32
      %dma_wait3A_180 = tpu.memref_slice %arg6[%dma_wait3A_178, %dma_wait3A_179] : memref<32x128xi32, #tpu.memory_space<vmem>> -> memref<1x128xi32, #tpu.memory_space<vmem>>
      %dma_wait3A_181 = tpu.memref_squeeze %dma_wait3A_180 : memref<1x128xi32, #tpu.memory_space<vmem>> -> memref<128xi32, #tpu.memory_space<vmem>>
      %dma_wait3A_182 = arith.constant 0 : i32
      %dma_wait3A_183 = arith.constant 0 : i32
      %dma_wait3A_184 = tpu.memref_slice %arg2[%dma_wait3A_182, %dma_wait3A_183] : memref<10000x128xf32, #tpu.memory_space<hbm>> -> memref<10000x128xf32, #tpu.memory_space<hbm>>
      tpu.wait_indirect_dma semaphore(%arg10 : memref<!tpu.dma_semaphore, #tpu.memory_space<semaphore_mem>>) src(%dma_wait3A_184 : memref<10000x128xf32, #tpu.memory_space<hbm>>) dst(%arg7 : memref<128x128xf32, #tpu.memory_space<vmem>>)
      %run_scoped3A_185 = arith.constant 26 : i32
      "tpu.region"() ({
        %run_scoped3A_254 = tpu.sem_alloc : memref<!tpu.dma_semaphore, #tpu.memory_space<semaphore_mem>>
        %dma_start3A_255 = arith.constant 0 : i32
        %dma_start3A_256 = tpu.memref_slice %arg6[%run_scoped3A_185, %dma_start3A_255] : memref<32x128xi32, #tpu.memory_space<vmem>> -> memref<1x128xi32, #tpu.memory_space<vmem>>
        %dma_start3A_257 = tpu.memref_squeeze %dma_start3A_256 : memref<1x128xi32, #tpu.memory_space<vmem>> -> memref<128xi32, #tpu.memory_space<vmem>>
        %dma_start3A_258 = arith.constant 0 : i32
        %dma_start3A_259 = arith.constant 0 : i32
        %dma_start3A_260 = tpu.memref_slice %arg9[%dma_start3A_258, %dma_start3A_259] : memref<10112x128xf32, #tpu.memory_space<vmem_shared>> -> memref<10112x128xf32, #tpu.memory_space<vmem_shared>>
        tpu.enqueue_indirect_dma source(%arg7 : memref<128x128xf32, #tpu.memory_space<vmem>>) target(%dma_start3A_260 : memref<10112x128xf32, #tpu.memory_space<vmem_shared>>) offsets(%dma_start3A_257 : memref<128xi32, #tpu.memory_space<vmem>>) semaphore(%run_scoped3A_254 : memref<!tpu.dma_semaphore, #tpu.memory_space<semaphore_mem>>) {add = true}
        %dma_wait3A_261 = arith.constant 0 : i32
        %dma_wait3A_262 = tpu.memref_slice %arg6[%run_scoped3A_185, %dma_wait3A_261] : memref<32x128xi32, #tpu.memory_space<vmem>> -> memref<1x128xi32, #tpu.memory_space<vmem>>
        %dma_wait3A_263 = tpu.memref_squeeze %dma_wait3A_262 : memref<1x128xi32, #tpu.memory_space<vmem>> -> memref<128xi32, #tpu.memory_space<vmem>>
        %dma_wait3A_264 = arith.constant 0 : i32
        %dma_wait3A_265 = arith.constant 0 : i32
        %dma_wait3A_266 = tpu.memref_slice %arg9[%dma_wait3A_264, %dma_wait3A_265] : memref<10112x128xf32, #tpu.memory_space<vmem_shared>> -> memref<10112x128xf32, #tpu.memory_space<vmem_shared>>
        tpu.wait_indirect_dma semaphore(%run_scoped3A_254 : memref<!tpu.dma_semaphore, #tpu.memory_space<semaphore_mem>>) src(%arg7 : memref<128x128xf32, #tpu.memory_space<vmem>>) dst(%dma_wait3A_266 : memref<10112x128xf32, #tpu.memory_space<vmem_shared>>)
        tpu.yield
      }) : () -> ()
      %dma_start3A_186 = arith.constant 12 : i32
      %dma_start3A_187 = arith.constant 0 : i32
      %dma_start3A_188 = tpu.memref_slice %arg6[%dma_start3A_186, %dma_start3A_187] : memref<32x128xi32, #tpu.memory_space<vmem>> -> memref<1x128xi32, #tpu.memory_space<vmem>>
      %dma_start3A_189 = tpu.memref_squeeze %dma_start3A_188 : memref<1x128xi32, #tpu.memory_space<vmem>> -> memref<128xi32, #tpu.memory_space<vmem>>
      %dma_start3A_190 = arith.constant 0 : i32
      %dma_start3A_191 = arith.constant 0 : i32
      %dma_start3A_192 = tpu.memref_slice %arg2[%dma_start3A_190, %dma_start3A_191] : memref<10000x128xf32, #tpu.memory_space<hbm>> -> memref<10000x128xf32, #tpu.memory_space<hbm>>
      tpu.enqueue_indirect_dma source(%dma_start3A_192 : memref<10000x128xf32, #tpu.memory_space<hbm>>) target(%arg7 : memref<128x128xf32, #tpu.memory_space<vmem>>) offsets(%dma_start3A_189 : memref<128xi32, #tpu.memory_space<vmem>>) semaphore(%arg10 : memref<!tpu.dma_semaphore, #tpu.memory_space<semaphore_mem>>)
      %dma_wait3A_193 = arith.constant 11 : i32
      %dma_wait3A_194 = arith.constant 0 : i32
      %dma_wait3A_195 = tpu.memref_slice %arg6[%dma_wait3A_193, %dma_wait3A_194] : memref<32x128xi32, #tpu.memory_space<vmem>> -> memref<1x128xi32, #tpu.memory_space<vmem>>
      %dma_wait3A_196 = tpu.memref_squeeze %dma_wait3A_195 : memref<1x128xi32, #tpu.memory_space<vmem>> -> memref<128xi32, #tpu.memory_space<vmem>>
      %dma_wait3A_197 = arith.constant 0 : i32
      %dma_wait3A_198 = arith.constant 0 : i32
      %dma_wait3A_199 = tpu.memref_slice %arg2[%dma_wait3A_197, %dma_wait3A_198] : memref<10000x128xf32, #tpu.memory_space<hbm>> -> memref<10000x128xf32, #tpu.memory_space<hbm>>
      tpu.wait_indirect_dma semaphore(%arg11 : memref<!tpu.dma_semaphore, #tpu.memory_space<semaphore_mem>>) src(%dma_wait3A_199 : memref<10000x128xf32, #tpu.memory_space<hbm>>) dst(%arg8 : memref<128x128xf32, #tpu.memory_space<vmem>>)
      %run_scoped3A_200 = arith.constant 27 : i32
      "tpu.region"() ({
        %run_scoped3A_254 = tpu.sem_alloc : memref<!tpu.dma_semaphore, #tpu.memory_space<semaphore_mem>>
        %dma_start3A_255 = arith.constant 0 : i32
        %dma_start3A_256 = tpu.memref_slice %arg6[%run_scoped3A_200, %dma_start3A_255] : memref<32x128xi32, #tpu.memory_space<vmem>> -> memref<1x128xi32, #tpu.memory_space<vmem>>
        %dma_start3A_257 = tpu.memref_squeeze %dma_start3A_256 : memref<1x128xi32, #tpu.memory_space<vmem>> -> memref<128xi32, #tpu.memory_space<vmem>>
        %dma_start3A_258 = arith.constant 0 : i32
        %dma_start3A_259 = arith.constant 0 : i32
        %dma_start3A_260 = tpu.memref_slice %arg9[%dma_start3A_258, %dma_start3A_259] : memref<10112x128xf32, #tpu.memory_space<vmem_shared>> -> memref<10112x128xf32, #tpu.memory_space<vmem_shared>>
        tpu.enqueue_indirect_dma source(%arg8 : memref<128x128xf32, #tpu.memory_space<vmem>>) target(%dma_start3A_260 : memref<10112x128xf32, #tpu.memory_space<vmem_shared>>) offsets(%dma_start3A_257 : memref<128xi32, #tpu.memory_space<vmem>>) semaphore(%run_scoped3A_254 : memref<!tpu.dma_semaphore, #tpu.memory_space<semaphore_mem>>) {add = true}
        %dma_wait3A_261 = arith.constant 0 : i32
        %dma_wait3A_262 = tpu.memref_slice %arg6[%run_scoped3A_200, %dma_wait3A_261] : memref<32x128xi32, #tpu.memory_space<vmem>> -> memref<1x128xi32, #tpu.memory_space<vmem>>
        %dma_wait3A_263 = tpu.memref_squeeze %dma_wait3A_262 : memref<1x128xi32, #tpu.memory_space<vmem>> -> memref<128xi32, #tpu.memory_space<vmem>>
        %dma_wait3A_264 = arith.constant 0 : i32
        %dma_wait3A_265 = arith.constant 0 : i32
        %dma_wait3A_266 = tpu.memref_slice %arg9[%dma_wait3A_264, %dma_wait3A_265] : memref<10112x128xf32, #tpu.memory_space<vmem_shared>> -> memref<10112x128xf32, #tpu.memory_space<vmem_shared>>
        tpu.wait_indirect_dma semaphore(%run_scoped3A_254 : memref<!tpu.dma_semaphore, #tpu.memory_space<semaphore_mem>>) src(%arg8 : memref<128x128xf32, #tpu.memory_space<vmem>>) dst(%dma_wait3A_266 : memref<10112x128xf32, #tpu.memory_space<vmem_shared>>)
        tpu.yield
      }) : () -> ()
      %dma_start3A_201 = arith.constant 13 : i32
      %dma_start3A_202 = arith.constant 0 : i32
      %dma_start3A_203 = tpu.memref_slice %arg6[%dma_start3A_201, %dma_start3A_202] : memref<32x128xi32, #tpu.memory_space<vmem>> -> memref<1x128xi32, #tpu.memory_space<vmem>>
      %dma_start3A_204 = tpu.memref_squeeze %dma_start3A_203 : memref<1x128xi32, #tpu.memory_space<vmem>> -> memref<128xi32, #tpu.memory_space<vmem>>
      %dma_start3A_205 = arith.constant 0 : i32
      %dma_start3A_206 = arith.constant 0 : i32
      %dma_start3A_207 = tpu.memref_slice %arg2[%dma_start3A_205, %dma_start3A_206] : memref<10000x128xf32, #tpu.memory_space<hbm>> -> memref<10000x128xf32, #tpu.memory_space<hbm>>
      tpu.enqueue_indirect_dma source(%dma_start3A_207 : memref<10000x128xf32, #tpu.memory_space<hbm>>) target(%arg8 : memref<128x128xf32, #tpu.memory_space<vmem>>) offsets(%dma_start3A_204 : memref<128xi32, #tpu.memory_space<vmem>>) semaphore(%arg11 : memref<!tpu.dma_semaphore, #tpu.memory_space<semaphore_mem>>)
      %dma_wait3A_208 = arith.constant 12 : i32
      %dma_wait3A_209 = arith.constant 0 : i32
      %dma_wait3A_210 = tpu.memref_slice %arg6[%dma_wait3A_208, %dma_wait3A_209] : memref<32x128xi32, #tpu.memory_space<vmem>> -> memref<1x128xi32, #tpu.memory_space<vmem>>
      %dma_wait3A_211 = tpu.memref_squeeze %dma_wait3A_210 : memref<1x128xi32, #tpu.memory_space<vmem>> -> memref<128xi32, #tpu.memory_space<vmem>>
      %dma_wait3A_212 = arith.constant 0 : i32
      %dma_wait3A_213 = arith.constant 0 : i32
      %dma_wait3A_214 = tpu.memref_slice %arg2[%dma_wait3A_212, %dma_wait3A_213] : memref<10000x128xf32, #tpu.memory_space<hbm>> -> memref<10000x128xf32, #tpu.memory_space<hbm>>
      tpu.wait_indirect_dma semaphore(%arg10 : memref<!tpu.dma_semaphore, #tpu.memory_space<semaphore_mem>>) src(%dma_wait3A_214 : memref<10000x128xf32, #tpu.memory_space<hbm>>) dst(%arg7 : memref<128x128xf32, #tpu.memory_space<vmem>>)
      %run_scoped3A_215 = arith.constant 28 : i32
      "tpu.region"() ({
        %run_scoped3A_254 = tpu.sem_alloc : memref<!tpu.dma_semaphore, #tpu.memory_space<semaphore_mem>>
        %dma_start3A_255 = arith.constant 0 : i32
        %dma_start3A_256 = tpu.memref_slice %arg6[%run_scoped3A_215, %dma_start3A_255] : memref<32x128xi32, #tpu.memory_space<vmem>> -> memref<1x128xi32, #tpu.memory_space<vmem>>
        %dma_start3A_257 = tpu.memref_squeeze %dma_start3A_256 : memref<1x128xi32, #tpu.memory_space<vmem>> -> memref<128xi32, #tpu.memory_space<vmem>>
        %dma_start3A_258 = arith.constant 0 : i32
        %dma_start3A_259 = arith.constant 0 : i32
        %dma_start3A_260 = tpu.memref_slice %arg9[%dma_start3A_258, %dma_start3A_259] : memref<10112x128xf32, #tpu.memory_space<vmem_shared>> -> memref<10112x128xf32, #tpu.memory_space<vmem_shared>>
        tpu.enqueue_indirect_dma source(%arg7 : memref<128x128xf32, #tpu.memory_space<vmem>>) target(%dma_start3A_260 : memref<10112x128xf32, #tpu.memory_space<vmem_shared>>) offsets(%dma_start3A_257 : memref<128xi32, #tpu.memory_space<vmem>>) semaphore(%run_scoped3A_254 : memref<!tpu.dma_semaphore, #tpu.memory_space<semaphore_mem>>) {add = true}
        %dma_wait3A_261 = arith.constant 0 : i32
        %dma_wait3A_262 = tpu.memref_slice %arg6[%run_scoped3A_215, %dma_wait3A_261] : memref<32x128xi32, #tpu.memory_space<vmem>> -> memref<1x128xi32, #tpu.memory_space<vmem>>
        %dma_wait3A_263 = tpu.memref_squeeze %dma_wait3A_262 : memref<1x128xi32, #tpu.memory_space<vmem>> -> memref<128xi32, #tpu.memory_space<vmem>>
        %dma_wait3A_264 = arith.constant 0 : i32
        %dma_wait3A_265 = arith.constant 0 : i32
        %dma_wait3A_266 = tpu.memref_slice %arg9[%dma_wait3A_264, %dma_wait3A_265] : memref<10112x128xf32, #tpu.memory_space<vmem_shared>> -> memref<10112x128xf32, #tpu.memory_space<vmem_shared>>
        tpu.wait_indirect_dma semaphore(%run_scoped3A_254 : memref<!tpu.dma_semaphore, #tpu.memory_space<semaphore_mem>>) src(%arg7 : memref<128x128xf32, #tpu.memory_space<vmem>>) dst(%dma_wait3A_266 : memref<10112x128xf32, #tpu.memory_space<vmem_shared>>)
        tpu.yield
      }) : () -> ()
      %dma_start3A_216 = arith.constant 14 : i32
      %dma_start3A_217 = arith.constant 0 : i32
      %dma_start3A_218 = tpu.memref_slice %arg6[%dma_start3A_216, %dma_start3A_217] : memref<32x128xi32, #tpu.memory_space<vmem>> -> memref<1x128xi32, #tpu.memory_space<vmem>>
      %dma_start3A_219 = tpu.memref_squeeze %dma_start3A_218 : memref<1x128xi32, #tpu.memory_space<vmem>> -> memref<128xi32, #tpu.memory_space<vmem>>
      %dma_start3A_220 = arith.constant 0 : i32
      %dma_start3A_221 = arith.constant 0 : i32
      %dma_start3A_222 = tpu.memref_slice %arg2[%dma_start3A_220, %dma_start3A_221] : memref<10000x128xf32, #tpu.memory_space<hbm>> -> memref<10000x128xf32, #tpu.memory_space<hbm>>
      tpu.enqueue_indirect_dma source(%dma_start3A_222 : memref<10000x128xf32, #tpu.memory_space<hbm>>) target(%arg7 : memref<128x128xf32, #tpu.memory_space<vmem>>) offsets(%dma_start3A_219 : memref<128xi32, #tpu.memory_space<vmem>>) semaphore(%arg10 : memref<!tpu.dma_semaphore, #tpu.memory_space<semaphore_mem>>)
      %dma_wait3A_223 = arith.constant 13 : i32
      %dma_wait3A_224 = arith.constant 0 : i32
      %dma_wait3A_225 = tpu.memref_slice %arg6[%dma_wait3A_223, %dma_wait3A_224] : memref<32x128xi32, #tpu.memory_space<vmem>> -> memref<1x128xi32, #tpu.memory_space<vmem>>
      %dma_wait3A_226 = tpu.memref_squeeze %dma_wait3A_225 : memref<1x128xi32, #tpu.memory_space<vmem>> -> memref<128xi32, #tpu.memory_space<vmem>>
      %dma_wait3A_227 = arith.constant 0 : i32
      %dma_wait3A_228 = arith.constant 0 : i32
      %dma_wait3A_229 = tpu.memref_slice %arg2[%dma_wait3A_227, %dma_wait3A_228] : memref<10000x128xf32, #tpu.memory_space<hbm>> -> memref<10000x128xf32, #tpu.memory_space<hbm>>
      tpu.wait_indirect_dma semaphore(%arg11 : memref<!tpu.dma_semaphore, #tpu.memory_space<semaphore_mem>>) src(%dma_wait3A_229 : memref<10000x128xf32, #tpu.memory_space<hbm>>) dst(%arg8 : memref<128x128xf32, #tpu.memory_space<vmem>>)
      %run_scoped3A_230 = arith.constant 29 : i32
      "tpu.region"() ({
        %run_scoped3A_254 = tpu.sem_alloc : memref<!tpu.dma_semaphore, #tpu.memory_space<semaphore_mem>>
        %dma_start3A_255 = arith.constant 0 : i32
        %dma_start3A_256 = tpu.memref_slice %arg6[%run_scoped3A_230, %dma_start3A_255] : memref<32x128xi32, #tpu.memory_space<vmem>> -> memref<1x128xi32, #tpu.memory_space<vmem>>
        %dma_start3A_257 = tpu.memref_squeeze %dma_start3A_256 : memref<1x128xi32, #tpu.memory_space<vmem>> -> memref<128xi32, #tpu.memory_space<vmem>>
        %dma_start3A_258 = arith.constant 0 : i32
        %dma_start3A_259 = arith.constant 0 : i32
        %dma_start3A_260 = tpu.memref_slice %arg9[%dma_start3A_258, %dma_start3A_259] : memref<10112x128xf32, #tpu.memory_space<vmem_shared>> -> memref<10112x128xf32, #tpu.memory_space<vmem_shared>>
        tpu.enqueue_indirect_dma source(%arg8 : memref<128x128xf32, #tpu.memory_space<vmem>>) target(%dma_start3A_260 : memref<10112x128xf32, #tpu.memory_space<vmem_shared>>) offsets(%dma_start3A_257 : memref<128xi32, #tpu.memory_space<vmem>>) semaphore(%run_scoped3A_254 : memref<!tpu.dma_semaphore, #tpu.memory_space<semaphore_mem>>) {add = true}
        %dma_wait3A_261 = arith.constant 0 : i32
        %dma_wait3A_262 = tpu.memref_slice %arg6[%run_scoped3A_230, %dma_wait3A_261] : memref<32x128xi32, #tpu.memory_space<vmem>> -> memref<1x128xi32, #tpu.memory_space<vmem>>
        %dma_wait3A_263 = tpu.memref_squeeze %dma_wait3A_262 : memref<1x128xi32, #tpu.memory_space<vmem>> -> memref<128xi32, #tpu.memory_space<vmem>>
        %dma_wait3A_264 = arith.constant 0 : i32
        %dma_wait3A_265 = arith.constant 0 : i32
        %dma_wait3A_266 = tpu.memref_slice %arg9[%dma_wait3A_264, %dma_wait3A_265] : memref<10112x128xf32, #tpu.memory_space<vmem_shared>> -> memref<10112x128xf32, #tpu.memory_space<vmem_shared>>
        tpu.wait_indirect_dma semaphore(%run_scoped3A_254 : memref<!tpu.dma_semaphore, #tpu.memory_space<semaphore_mem>>) src(%arg8 : memref<128x128xf32, #tpu.memory_space<vmem>>) dst(%dma_wait3A_266 : memref<10112x128xf32, #tpu.memory_space<vmem_shared>>)
        tpu.yield
      }) : () -> ()
      %dma_start3A_231 = arith.constant 15 : i32
      %dma_start3A_232 = arith.constant 0 : i32
      %dma_start3A_233 = tpu.memref_slice %arg6[%dma_start3A_231, %dma_start3A_232] : memref<32x128xi32, #tpu.memory_space<vmem>> -> memref<1x128xi32, #tpu.memory_space<vmem>>
      %dma_start3A_234 = tpu.memref_squeeze %dma_start3A_233 : memref<1x128xi32, #tpu.memory_space<vmem>> -> memref<128xi32, #tpu.memory_space<vmem>>
      %dma_start3A_235 = arith.constant 0 : i32
      %dma_start3A_236 = arith.constant 0 : i32
      %dma_start3A_237 = tpu.memref_slice %arg2[%dma_start3A_235, %dma_start3A_236] : memref<10000x128xf32, #tpu.memory_space<hbm>> -> memref<10000x128xf32, #tpu.memory_space<hbm>>
      tpu.enqueue_indirect_dma source(%dma_start3A_237 : memref<10000x128xf32, #tpu.memory_space<hbm>>) target(%arg8 : memref<128x128xf32, #tpu.memory_space<vmem>>) offsets(%dma_start3A_234 : memref<128xi32, #tpu.memory_space<vmem>>) semaphore(%arg11 : memref<!tpu.dma_semaphore, #tpu.memory_space<semaphore_mem>>)
      %dma_wait3A_238 = arith.constant 14 : i32
      %dma_wait3A_239 = arith.constant 0 : i32
      %dma_wait3A_240 = tpu.memref_slice %arg6[%dma_wait3A_238, %dma_wait3A_239] : memref<32x128xi32, #tpu.memory_space<vmem>> -> memref<1x128xi32, #tpu.memory_space<vmem>>
      %dma_wait3A_241 = tpu.memref_squeeze %dma_wait3A_240 : memref<1x128xi32, #tpu.memory_space<vmem>> -> memref<128xi32, #tpu.memory_space<vmem>>
      %dma_wait3A_242 = arith.constant 0 : i32
      %dma_wait3A_243 = arith.constant 0 : i32
      %dma_wait3A_244 = tpu.memref_slice %arg2[%dma_wait3A_242, %dma_wait3A_243] : memref<10000x128xf32, #tpu.memory_space<hbm>> -> memref<10000x128xf32, #tpu.memory_space<hbm>>
      tpu.wait_indirect_dma semaphore(%arg10 : memref<!tpu.dma_semaphore, #tpu.memory_space<semaphore_mem>>) src(%dma_wait3A_244 : memref<10000x128xf32, #tpu.memory_space<hbm>>) dst(%arg7 : memref<128x128xf32, #tpu.memory_space<vmem>>)
      %run_scoped3A_245 = arith.constant 30 : i32
      "tpu.region"() ({
        %run_scoped3A_254 = tpu.sem_alloc : memref<!tpu.dma_semaphore, #tpu.memory_space<semaphore_mem>>
        %dma_start3A_255 = arith.constant 0 : i32
        %dma_start3A_256 = tpu.memref_slice %arg6[%run_scoped3A_245, %dma_start3A_255] : memref<32x128xi32, #tpu.memory_space<vmem>> -> memref<1x128xi32, #tpu.memory_space<vmem>>
        %dma_start3A_257 = tpu.memref_squeeze %dma_start3A_256 : memref<1x128xi32, #tpu.memory_space<vmem>> -> memref<128xi32, #tpu.memory_space<vmem>>
        %dma_start3A_258 = arith.constant 0 : i32
        %dma_start3A_259 = arith.constant 0 : i32
        %dma_start3A_260 = tpu.memref_slice %arg9[%dma_start3A_258, %dma_start3A_259] : memref<10112x128xf32, #tpu.memory_space<vmem_shared>> -> memref<10112x128xf32, #tpu.memory_space<vmem_shared>>
        tpu.enqueue_indirect_dma source(%arg7 : memref<128x128xf32, #tpu.memory_space<vmem>>) target(%dma_start3A_260 : memref<10112x128xf32, #tpu.memory_space<vmem_shared>>) offsets(%dma_start3A_257 : memref<128xi32, #tpu.memory_space<vmem>>) semaphore(%run_scoped3A_254 : memref<!tpu.dma_semaphore, #tpu.memory_space<semaphore_mem>>) {add = true}
        %dma_wait3A_261 = arith.constant 0 : i32
        %dma_wait3A_262 = tpu.memref_slice %arg6[%run_scoped3A_245, %dma_wait3A_261] : memref<32x128xi32, #tpu.memory_space<vmem>> -> memref<1x128xi32, #tpu.memory_space<vmem>>
        %dma_wait3A_263 = tpu.memref_squeeze %dma_wait3A_262 : memref<1x128xi32, #tpu.memory_space<vmem>> -> memref<128xi32, #tpu.memory_space<vmem>>
        %dma_wait3A_264 = arith.constant 0 : i32
        %dma_wait3A_265 = arith.constant 0 : i32
        %dma_wait3A_266 = tpu.memref_slice %arg9[%dma_wait3A_264, %dma_wait3A_265] : memref<10112x128xf32, #tpu.memory_space<vmem_shared>> -> memref<10112x128xf32, #tpu.memory_space<vmem_shared>>
        tpu.wait_indirect_dma semaphore(%run_scoped3A_254 : memref<!tpu.dma_semaphore, #tpu.memory_space<semaphore_mem>>) src(%arg7 : memref<128x128xf32, #tpu.memory_space<vmem>>) dst(%dma_wait3A_266 : memref<10112x128xf32, #tpu.memory_space<vmem_shared>>)
        tpu.yield
      }) : () -> ()
      %dma_wait3A_246 = arith.constant 15 : i32
      %dma_wait3A_247 = arith.constant 0 : i32
      %dma_wait3A_248 = tpu.memref_slice %arg6[%dma_wait3A_246, %dma_wait3A_247] : memref<32x128xi32, #tpu.memory_space<vmem>> -> memref<1x128xi32, #tpu.memory_space<vmem>>
      %dma_wait3A_249 = tpu.memref_squeeze %dma_wait3A_248 : memref<1x128xi32, #tpu.memory_space<vmem>> -> memref<128xi32, #tpu.memory_space<vmem>>
      %dma_wait3A_250 = arith.constant 0 : i32
      %dma_wait3A_251 = arith.constant 0 : i32
      %dma_wait3A_252 = tpu.memref_slice %arg2[%dma_wait3A_250, %dma_wait3A_251] : memref<10000x128xf32, #tpu.memory_space<hbm>> -> memref<10000x128xf32, #tpu.memory_space<hbm>>
      tpu.wait_indirect_dma semaphore(%arg11 : memref<!tpu.dma_semaphore, #tpu.memory_space<semaphore_mem>>) src(%dma_wait3A_252 : memref<10000x128xf32, #tpu.memory_space<hbm>>) dst(%arg8 : memref<128x128xf32, #tpu.memory_space<vmem>>)
      %run_scoped3A_253 = arith.constant 31 : i32
      "tpu.region"() ({
        %run_scoped3A_254 = tpu.sem_alloc : memref<!tpu.dma_semaphore, #tpu.memory_space<semaphore_mem>>
        %dma_start3A_255 = arith.constant 0 : i32
        %dma_start3A_256 = tpu.memref_slice %arg6[%run_scoped3A_253, %dma_start3A_255] : memref<32x128xi32, #tpu.memory_space<vmem>> -> memref<1x128xi32, #tpu.memory_space<vmem>>
        %dma_start3A_257 = tpu.memref_squeeze %dma_start3A_256 : memref<1x128xi32, #tpu.memory_space<vmem>> -> memref<128xi32, #tpu.memory_space<vmem>>
        %dma_start3A_258 = arith.constant 0 : i32
        %dma_start3A_259 = arith.constant 0 : i32
        %dma_start3A_260 = tpu.memref_slice %arg9[%dma_start3A_258, %dma_start3A_259] : memref<10112x128xf32, #tpu.memory_space<vmem_shared>> -> memref<10112x128xf32, #tpu.memory_space<vmem_shared>>
        tpu.enqueue_indirect_dma source(%arg8 : memref<128x128xf32, #tpu.memory_space<vmem>>) target(%dma_start3A_260 : memref<10112x128xf32, #tpu.memory_space<vmem_shared>>) offsets(%dma_start3A_257 : memref<128xi32, #tpu.memory_space<vmem>>) semaphore(%run_scoped3A_254 : memref<!tpu.dma_semaphore, #tpu.memory_space<semaphore_mem>>) {add = true}
        %dma_wait3A_261 = arith.constant 0 : i32
        %dma_wait3A_262 = tpu.memref_slice %arg6[%run_scoped3A_253, %dma_wait3A_261] : memref<32x128xi32, #tpu.memory_space<vmem>> -> memref<1x128xi32, #tpu.memory_space<vmem>>
        %dma_wait3A_263 = tpu.memref_squeeze %dma_wait3A_262 : memref<1x128xi32, #tpu.memory_space<vmem>> -> memref<128xi32, #tpu.memory_space<vmem>>
        %dma_wait3A_264 = arith.constant 0 : i32
        %dma_wait3A_265 = arith.constant 0 : i32
        %dma_wait3A_266 = tpu.memref_slice %arg9[%dma_wait3A_264, %dma_wait3A_265] : memref<10112x128xf32, #tpu.memory_space<vmem_shared>> -> memref<10112x128xf32, #tpu.memory_space<vmem_shared>>
        tpu.wait_indirect_dma semaphore(%run_scoped3A_254 : memref<!tpu.dma_semaphore, #tpu.memory_space<semaphore_mem>>) src(%arg8 : memref<128x128xf32, #tpu.memory_space<vmem>>) dst(%dma_wait3A_266 : memref<10112x128xf32, #tpu.memory_space<vmem_shared>>)
        tpu.yield
      }) : () -> ()
    }
    %scan3A_7 = arith.constant 5 : i32
    %barrier3A_8 = arith.constant 0 : index
    tpu.barrier barrier_id(%barrier3A_8)
    "tpu.region"() ({
      %run_scoped3A = tpu.sem_alloc : memref<!tpu.dma_semaphore, #tpu.memory_space<semaphore_mem>>
      %dma_start3A = arith.constant 0 : i32
      %dma_start3A_9 = tpu.memref_slice %arg5[%mul3A_2, %arg0, %dma_start3A] : memref<10112x2x128xf32, #tpu.memory_space<hbm>> -> memref<632x1x128xf32, #tpu.memory_space<hbm>>
      %dma_start3A_10 = tpu.memref_squeeze %dma_start3A_9 : memref<632x1x128xf32, #tpu.memory_space<hbm>> -> memref<632x128xf32, #tpu.memory_space<hbm>>
      %dma_start3A_11 = arith.constant 0 : i32
      %dma_start3A_12 = tpu.memref_slice %arg9[%mul3A_2, %dma_start3A_11] : memref<10112x128xf32, #tpu.memory_space<vmem_shared>> -> memref<632x128xf32, #tpu.memory_space<vmem_shared>>
      tpu.enqueue_dma source(%dma_start3A_12 : memref<632x128xf32, #tpu.memory_space<vmem_shared>>) target(%dma_start3A_10 : memref<632x128xf32, #tpu.memory_space<hbm>>) target_semaphore(%run_scoped3A : memref<!tpu.dma_semaphore, #tpu.memory_space<semaphore_mem>>)
      %dma_wait3A = arith.constant 0 : i32
      %dma_wait3A_13 = tpu.memref_slice %arg5[%mul3A_2, %arg0, %dma_wait3A] : memref<10112x2x128xf32, #tpu.memory_space<hbm>> -> memref<632x1x128xf32, #tpu.memory_space<hbm>>
      %dma_wait3A_14 = tpu.memref_squeeze %dma_wait3A_13 : memref<632x1x128xf32, #tpu.memory_space<hbm>> -> memref<632x128xf32, #tpu.memory_space<hbm>>
      %dma_wait3A_15 = arith.constant 0 : i32
      %dma_wait3A_16 = tpu.memref_slice %arg9[%mul3A_2, %dma_wait3A_15] : memref<10112x128xf32, #tpu.memory_space<vmem_shared>> -> memref<632x128xf32, #tpu.memory_space<vmem_shared>>
      tpu.wait_dma2 semaphore(%run_scoped3A : memref<!tpu.dma_semaphore, #tpu.memory_space<semaphore_mem>>) src(%dma_wait3A_16 : memref<632x128xf32, #tpu.memory_space<vmem_shared>>) dst(%dma_wait3A_14 : memref<632x128xf32, #tpu.memory_space<hbm>>)
      tpu.yield
    }) : () -> ()
    return
  }
}

#map = affine_map<(d0, d1) -> (0, 0)>
#map1 = affine_map<(d0, d1) -> (0, 0, 0)>
module attributes {stable_mosaic.version = 14 : i64} {
  func.func @_sc_body(%arg0: i32, %arg1: i32, %arg2: memref<10000x128xf32, #tpu.memory_space<hbm>>, %arg3: memref<5120x128xi32, #tpu.memory_space<hbm>>, %arg4: memref<10112x128xf32, #tpu.memory_space<hbm>>, %arg5: memref<10112x2x128xf32, #tpu.memory_space<hbm>>, %arg6: memref<32x128xi32, #tpu.memory_space<vmem>>, %arg7: memref<128x128xf32, #tpu.memory_space<vmem>>, %arg8: memref<128x128xf32, #tpu.memory_space<vmem>>, %arg9: memref<10112x128xf32, #tpu.memory_space<vmem_shared>>, %arg10: memref<!tpu.dma_semaphore, #tpu.memory_space<semaphore_mem>>, %arg11: memref<!tpu.dma_semaphore, #tpu.memory_space<semaphore_mem>>) attributes {dimension_semantics = [#tpu.dimension_semantics<core_parallel>, #tpu.dimension_semantics<subcore_parallel>], iteration_bounds = array<i64: 2, 16>, scalar_prefetch = 0 : i64, scratch_operands = 6 : i64, tpu.core_type = #tpu.core_type<sc_vector_subcore>, window_params = [{transform_indices = #map}, {transform_indices = #map}, {transform_indices = #map}, {transform_indices = #map1}]} {
    %mul3A = arith.constant 16 : i32
    %mul3A_0 = arith.muli %arg0, %mul3A : i32
    %add3A = arith.addi %mul3A_0, %arg1 : i32
    %mul3A_1 = arith.constant 632 : i32
    %mul3A_2 = arith.muli %arg1, %mul3A_1 : i32
    "tpu.region"() ({
      %run_scoped3A = tpu.sem_alloc : memref<!tpu.dma_semaphore, #tpu.memory_space<semaphore_mem>>
      %dma_start3A = arith.constant 0 : i32
      %dma_start3A_9 = tpu.memref_slice %arg9[%mul3A_2, %dma_start3A] : memref<10112x128xf32, #tpu.memory_space<vmem_shared>> -> memref<632x128xf32, #tpu.memory_space<vmem_shared>>
      %dma_start3A_10 = arith.constant 0 : i32
      %dma_start3A_11 = tpu.memref_slice %arg4[%mul3A_2, %dma_start3A_10] : memref<10112x128xf32, #tpu.memory_space<hbm>> -> memref<632x128xf32, #tpu.memory_space<hbm>>
      tpu.enqueue_dma source(%dma_start3A_11 : memref<632x128xf32, #tpu.memory_space<hbm>>) target(%dma_start3A_9 : memref<632x128xf32, #tpu.memory_space<vmem_shared>>) target_semaphore(%run_scoped3A : memref<!tpu.dma_semaphore, #tpu.memory_space<semaphore_mem>>)
      %dma_wait3A = arith.constant 0 : i32
      %dma_wait3A_12 = tpu.memref_slice %arg9[%mul3A_2, %dma_wait3A] : memref<10112x128xf32, #tpu.memory_space<vmem_shared>> -> memref<632x128xf32, #tpu.memory_space<vmem_shared>>
      %dma_wait3A_13 = arith.constant 0 : i32
      %dma_wait3A_14 = tpu.memref_slice %arg4[%mul3A_2, %dma_wait3A_13] : memref<10112x128xf32, #tpu.memory_space<hbm>> -> memref<632x128xf32, #tpu.memory_space<hbm>>
      tpu.wait_dma2 semaphore(%run_scoped3A : memref<!tpu.dma_semaphore, #tpu.memory_space<semaphore_mem>>) src(%dma_wait3A_14 : memref<632x128xf32, #tpu.memory_space<hbm>>) dst(%dma_wait3A_12 : memref<632x128xf32, #tpu.memory_space<vmem_shared>>)
      tpu.yield
    }) : () -> ()
    %barrier3A = arith.constant 0 : index
    tpu.barrier barrier_id(%barrier3A)
    %scan3A = arith.constant 0 : i32
    %scan3A_3 = arith.constant 0 : i32
    %scan3A_4 = arith.constant 5 : i32
    %scan3A_5 = arith.addi %scan3A_3, %scan3A_4 : i32
    %scan3A_6 = arith.constant 1 : i32
    scf.for %scan3A_9 = %scan3A_3 to %scan3A_5 step %scan3A_6  : i32 {
      %mul3A_10 = arith.constant 5 : i32
      %mul3A_11 = arith.muli %add3A, %mul3A_10 : i32
      %add3A_12 = arith.addi %mul3A_11, %scan3A_9 : i32
      %mul3A_13 = arith.constant 2 : i32
      %mul3A_14 = arith.muli %add3A_12, %mul3A_13 : i32
      %mul3A_15 = arith.constant 16 : i32
      %mul3A_16 = arith.muli %mul3A_14, %mul3A_15 : i32
      "tpu.region"() ({
        %run_scoped3A_254 = tpu.sem_alloc : memref<!tpu.dma_semaphore, #tpu.memory_space<semaphore_mem>>
        %dma_start3A_255 = arith.constant 0 : i32
        %dma_start3A_256 = tpu.memref_slice %arg3[%mul3A_16, %dma_start3A_255] : memref<5120x128xi32, #tpu.memory_space<hbm>> -> memref<32x128xi32, #tpu.memory_space<hbm>>
        %dma_start3A_257 = arith.constant 0 : i32
        %dma_start3A_258 = tpu.memref_slice %arg3[%mul3A_16, %dma_start3A_257] : memref<5120x128xi32, #tpu.memory_space<hbm>> -> memref<32x128xi32, #tpu.memory_space<hbm>>
        tpu.enqueue_dma source(%dma_start3A_258 : memref<32x128xi32, #tpu.memory_space<hbm>>) target(%arg6 : memref<32x128xi32, #tpu.memory_space<vmem>>) target_semaphore(%run_scoped3A_254 : memref<!tpu.dma_semaphore, #tpu.memory_space<semaphore_mem>>)
        %dma_wait3A_259 = arith.constant 0 : i32
        %dma_wait3A_260 = tpu.memref_slice %arg3[%mul3A_16, %dma_wait3A_259] : memref<5120x128xi32, #tpu.memory_space<hbm>> -> memref<32x128xi32, #tpu.memory_space<hbm>>
        %dma_wait3A_261 = arith.constant 0 : i32
        %dma_wait3A_262 = tpu.memref_slice %arg3[%mul3A_16, %dma_wait3A_261] : memref<5120x128xi32, #tpu.memory_space<hbm>> -> memref<32x128xi32, #tpu.memory_space<hbm>>
        tpu.wait_dma2 semaphore(%run_scoped3A_254 : memref<!tpu.dma_semaphore, #tpu.memory_space<semaphore_mem>>) src(%dma_wait3A_262 : memref<32x128xi32, #tpu.memory_space<hbm>>) dst(%arg6 : memref<32x128xi32, #tpu.memory_space<vmem>>)
        tpu.yield
      }) : () -> ()
      %dma_start3A = arith.constant 0 : i32
      %dma_start3A_17 = arith.constant 0 : i32
      %dma_start3A_18 = tpu.memref_slice %arg6[%dma_start3A, %dma_start3A_17] : memref<32x128xi32, #tpu.memory_space<vmem>> -> memref<1x128xi32, #tpu.memory_space<vmem>>
      %dma_start3A_19 = tpu.memref_squeeze %dma_start3A_18 : memref<1x128xi32, #tpu.memory_space<vmem>> -> memref<128xi32, #tpu.memory_space<vmem>>
      %dma_start3A_20 = arith.constant 0 : i32
      %dma_start3A_21 = arith.constant 0 : i32
      %dma_start3A_22 = tpu.memref_slice %arg2[%dma_start3A_20, %dma_start3A_21] : memref<10000x128xf32, #tpu.memory_space<hbm>> -> memref<10000x128xf32, #tpu.memory_space<hbm>>
      tpu.enqueue_indirect_dma source(%dma_start3A_22 : memref<10000x128xf32, #tpu.memory_space<hbm>>) target(%arg7 : memref<128x128xf32, #tpu.memory_space<vmem>>) offsets(%dma_start3A_19 : memref<128xi32, #tpu.memory_space<vmem>>) semaphore(%arg10 : memref<!tpu.dma_semaphore, #tpu.memory_space<semaphore_mem>>)
      %dma_start3A_23 = arith.constant 1 : i32
      %dma_start3A_24 = arith.constant 0 : i32
      %dma_start3A_25 = tpu.memref_slice %arg6[%dma_start3A_23, %dma_start3A_24] : memref<32x128xi32, #tpu.memory_space<vmem>> -> memref<1x128xi32, #tpu.memory_space<vmem>>
      %dma_start3A_26 = tpu.memref_squeeze %dma_start3A_25 : memref<1x128xi32, #tpu.memory_space<vmem>> -> memref<128xi32, #tpu.memory_space<vmem>>
      %dma_start3A_27 = arith.constant 0 : i32
      %dma_start3A_28 = arith.constant 0 : i32
      %dma_start3A_29 = tpu.memref_slice %arg2[%dma_start3A_27, %dma_start3A_28] : memref<10000x128xf32, #tpu.memory_space<hbm>> -> memref<10000x128xf32, #tpu.memory_space<hbm>>
      tpu.enqueue_indirect_dma source(%dma_start3A_29 : memref<10000x128xf32, #tpu.memory_space<hbm>>) target(%arg8 : memref<128x128xf32, #tpu.memory_space<vmem>>) offsets(%dma_start3A_26 : memref<128xi32, #tpu.memory_space<vmem>>) semaphore(%arg11 : memref<!tpu.dma_semaphore, #tpu.memory_space<semaphore_mem>>)
      %dma_wait3A = arith.constant 0 : i32
      %dma_wait3A_30 = arith.constant 0 : i32
      %dma_wait3A_31 = tpu.memref_slice %arg6[%dma_wait3A, %dma_wait3A_30] : memref<32x128xi32, #tpu.memory_space<vmem>> -> memref<1x128xi32, #tpu.memory_space<vmem>>
      %dma_wait3A_32 = tpu.memref_squeeze %dma_wait3A_31 : memref<1x128xi32, #tpu.memory_space<vmem>> -> memref<128xi32, #tpu.memory_space<vmem>>
      %dma_wait3A_33 = arith.constant 0 : i32
      %dma_wait3A_34 = arith.constant 0 : i32
      %dma_wait3A_35 = tpu.memref_slice %arg2[%dma_wait3A_33, %dma_wait3A_34] : memref<10000x128xf32, #tpu.memory_space<hbm>> -> memref<10000x128xf32, #tpu.memory_space<hbm>>
      tpu.wait_indirect_dma semaphore(%arg10 : memref<!tpu.dma_semaphore, #tpu.memory_space<semaphore_mem>>) src(%dma_wait3A_35 : memref<10000x128xf32, #tpu.memory_space<hbm>>) dst(%arg7 : memref<128x128xf32, #tpu.memory_space<vmem>>)
      %run_scoped3A = arith.constant 16 : i32
      "tpu.region"() ({
        %run_scoped3A_254 = tpu.sem_alloc : memref<!tpu.dma_semaphore, #tpu.memory_space<semaphore_mem>>
        %dma_start3A_255 = arith.constant 0 : i32
        %dma_start3A_256 = tpu.memref_slice %arg6[%run_scoped3A, %dma_start3A_255] : memref<32x128xi32, #tpu.memory_space<vmem>> -> memref<1x128xi32, #tpu.memory_space<vmem>>
        %dma_start3A_257 = tpu.memref_squeeze %dma_start3A_256 : memref<1x128xi32, #tpu.memory_space<vmem>> -> memref<128xi32, #tpu.memory_space<vmem>>
        %dma_start3A_258 = arith.constant 0 : i32
        %dma_start3A_259 = arith.constant 0 : i32
        %dma_start3A_260 = tpu.memref_slice %arg9[%dma_start3A_258, %dma_start3A_259] : memref<10112x128xf32, #tpu.memory_space<vmem_shared>> -> memref<10112x128xf32, #tpu.memory_space<vmem_shared>>
        tpu.enqueue_indirect_dma source(%arg7 : memref<128x128xf32, #tpu.memory_space<vmem>>) target(%dma_start3A_260 : memref<10112x128xf32, #tpu.memory_space<vmem_shared>>) offsets(%dma_start3A_257 : memref<128xi32, #tpu.memory_space<vmem>>) semaphore(%run_scoped3A_254 : memref<!tpu.dma_semaphore, #tpu.memory_space<semaphore_mem>>) {add = true}
        %dma_wait3A_261 = arith.constant 0 : i32
        %dma_wait3A_262 = tpu.memref_slice %arg6[%run_scoped3A, %dma_wait3A_261] : memref<32x128xi32, #tpu.memory_space<vmem>> -> memref<1x128xi32, #tpu.memory_space<vmem>>
        %dma_wait3A_263 = tpu.memref_squeeze %dma_wait3A_262 : memref<1x128xi32, #tpu.memory_space<vmem>> -> memref<128xi32, #tpu.memory_space<vmem>>
        %dma_wait3A_264 = arith.constant 0 : i32
        %dma_wait3A_265 = arith.constant 0 : i32
        %dma_wait3A_266 = tpu.memref_slice %arg9[%dma_wait3A_264, %dma_wait3A_265] : memref<10112x128xf32, #tpu.memory_space<vmem_shared>> -> memref<10112x128xf32, #tpu.memory_space<vmem_shared>>
        tpu.wait_indirect_dma semaphore(%run_scoped3A_254 : memref<!tpu.dma_semaphore, #tpu.memory_space<semaphore_mem>>) src(%arg7 : memref<128x128xf32, #tpu.memory_space<vmem>>) dst(%dma_wait3A_266 : memref<10112x128xf32, #tpu.memory_space<vmem_shared>>)
        tpu.yield
      }) : () -> ()
      %dma_start3A_36 = arith.constant 2 : i32
      %dma_start3A_37 = arith.constant 0 : i32
      %dma_start3A_38 = tpu.memref_slice %arg6[%dma_start3A_36, %dma_start3A_37] : memref<32x128xi32, #tpu.memory_space<vmem>> -> memref<1x128xi32, #tpu.memory_space<vmem>>
      %dma_start3A_39 = tpu.memref_squeeze %dma_start3A_38 : memref<1x128xi32, #tpu.memory_space<vmem>> -> memref<128xi32, #tpu.memory_space<vmem>>
      %dma_start3A_40 = arith.constant 0 : i32
      %dma_start3A_41 = arith.constant 0 : i32
      %dma_start3A_42 = tpu.memref_slice %arg2[%dma_start3A_40, %dma_start3A_41] : memref<10000x128xf32, #tpu.memory_space<hbm>> -> memref<10000x128xf32, #tpu.memory_space<hbm>>
      tpu.enqueue_indirect_dma source(%dma_start3A_42 : memref<10000x128xf32, #tpu.memory_space<hbm>>) target(%arg7 : memref<128x128xf32, #tpu.memory_space<vmem>>) offsets(%dma_start3A_39 : memref<128xi32, #tpu.memory_space<vmem>>) semaphore(%arg10 : memref<!tpu.dma_semaphore, #tpu.memory_space<semaphore_mem>>)
      %dma_wait3A_43 = arith.constant 1 : i32
      %dma_wait3A_44 = arith.constant 0 : i32
      %dma_wait3A_45 = tpu.memref_slice %arg6[%dma_wait3A_43, %dma_wait3A_44] : memref<32x128xi32, #tpu.memory_space<vmem>> -> memref<1x128xi32, #tpu.memory_space<vmem>>
      %dma_wait3A_46 = tpu.memref_squeeze %dma_wait3A_45 : memref<1x128xi32, #tpu.memory_space<vmem>> -> memref<128xi32, #tpu.memory_space<vmem>>
      %dma_wait3A_47 = arith.constant 0 : i32
      %dma_wait3A_48 = arith.constant 0 : i32
      %dma_wait3A_49 = tpu.memref_slice %arg2[%dma_wait3A_47, %dma_wait3A_48] : memref<10000x128xf32, #tpu.memory_space<hbm>> -> memref<10000x128xf32, #tpu.memory_space<hbm>>
      tpu.wait_indirect_dma semaphore(%arg11 : memref<!tpu.dma_semaphore, #tpu.memory_space<semaphore_mem>>) src(%dma_wait3A_49 : memref<10000x128xf32, #tpu.memory_space<hbm>>) dst(%arg8 : memref<128x128xf32, #tpu.memory_space<vmem>>)
      %run_scoped3A_50 = arith.constant 17 : i32
      "tpu.region"() ({
        %run_scoped3A_254 = tpu.sem_alloc : memref<!tpu.dma_semaphore, #tpu.memory_space<semaphore_mem>>
        %dma_start3A_255 = arith.constant 0 : i32
        %dma_start3A_256 = tpu.memref_slice %arg6[%run_scoped3A_50, %dma_start3A_255] : memref<32x128xi32, #tpu.memory_space<vmem>> -> memref<1x128xi32, #tpu.memory_space<vmem>>
        %dma_start3A_257 = tpu.memref_squeeze %dma_start3A_256 : memref<1x128xi32, #tpu.memory_space<vmem>> -> memref<128xi32, #tpu.memory_space<vmem>>
        %dma_start3A_258 = arith.constant 0 : i32
        %dma_start3A_259 = arith.constant 0 : i32
        %dma_start3A_260 = tpu.memref_slice %arg9[%dma_start3A_258, %dma_start3A_259] : memref<10112x128xf32, #tpu.memory_space<vmem_shared>> -> memref<10112x128xf32, #tpu.memory_space<vmem_shared>>
        tpu.enqueue_indirect_dma source(%arg8 : memref<128x128xf32, #tpu.memory_space<vmem>>) target(%dma_start3A_260 : memref<10112x128xf32, #tpu.memory_space<vmem_shared>>) offsets(%dma_start3A_257 : memref<128xi32, #tpu.memory_space<vmem>>) semaphore(%run_scoped3A_254 : memref<!tpu.dma_semaphore, #tpu.memory_space<semaphore_mem>>) {add = true}
        %dma_wait3A_261 = arith.constant 0 : i32
        %dma_wait3A_262 = tpu.memref_slice %arg6[%run_scoped3A_50, %dma_wait3A_261] : memref<32x128xi32, #tpu.memory_space<vmem>> -> memref<1x128xi32, #tpu.memory_space<vmem>>
        %dma_wait3A_263 = tpu.memref_squeeze %dma_wait3A_262 : memref<1x128xi32, #tpu.memory_space<vmem>> -> memref<128xi32, #tpu.memory_space<vmem>>
        %dma_wait3A_264 = arith.constant 0 : i32
        %dma_wait3A_265 = arith.constant 0 : i32
        %dma_wait3A_266 = tpu.memref_slice %arg9[%dma_wait3A_264, %dma_wait3A_265] : memref<10112x128xf32, #tpu.memory_space<vmem_shared>> -> memref<10112x128xf32, #tpu.memory_space<vmem_shared>>
        tpu.wait_indirect_dma semaphore(%run_scoped3A_254 : memref<!tpu.dma_semaphore, #tpu.memory_space<semaphore_mem>>) src(%arg8 : memref<128x128xf32, #tpu.memory_space<vmem>>) dst(%dma_wait3A_266 : memref<10112x128xf32, #tpu.memory_space<vmem_shared>>)
        tpu.yield
      }) : () -> ()
      %dma_start3A_51 = arith.constant 3 : i32
      %dma_start3A_52 = arith.constant 0 : i32
      %dma_start3A_53 = tpu.memref_slice %arg6[%dma_start3A_51, %dma_start3A_52] : memref<32x128xi32, #tpu.memory_space<vmem>> -> memref<1x128xi32, #tpu.memory_space<vmem>>
      %dma_start3A_54 = tpu.memref_squeeze %dma_start3A_53 : memref<1x128xi32, #tpu.memory_space<vmem>> -> memref<128xi32, #tpu.memory_space<vmem>>
      %dma_start3A_55 = arith.constant 0 : i32
      %dma_start3A_56 = arith.constant 0 : i32
      %dma_start3A_57 = tpu.memref_slice %arg2[%dma_start3A_55, %dma_start3A_56] : memref<10000x128xf32, #tpu.memory_space<hbm>> -> memref<10000x128xf32, #tpu.memory_space<hbm>>
      tpu.enqueue_indirect_dma source(%dma_start3A_57 : memref<10000x128xf32, #tpu.memory_space<hbm>>) target(%arg8 : memref<128x128xf32, #tpu.memory_space<vmem>>) offsets(%dma_start3A_54 : memref<128xi32, #tpu.memory_space<vmem>>) semaphore(%arg11 : memref<!tpu.dma_semaphore, #tpu.memory_space<semaphore_mem>>)
      %dma_wait3A_58 = arith.constant 2 : i32
      %dma_wait3A_59 = arith.constant 0 : i32
      %dma_wait3A_60 = tpu.memref_slice %arg6[%dma_wait3A_58, %dma_wait3A_59] : memref<32x128xi32, #tpu.memory_space<vmem>> -> memref<1x128xi32, #tpu.memory_space<vmem>>
      %dma_wait3A_61 = tpu.memref_squeeze %dma_wait3A_60 : memref<1x128xi32, #tpu.memory_space<vmem>> -> memref<128xi32, #tpu.memory_space<vmem>>
      %dma_wait3A_62 = arith.constant 0 : i32
      %dma_wait3A_63 = arith.constant 0 : i32
      %dma_wait3A_64 = tpu.memref_slice %arg2[%dma_wait3A_62, %dma_wait3A_63] : memref<10000x128xf32, #tpu.memory_space<hbm>> -> memref<10000x128xf32, #tpu.memory_space<hbm>>
      tpu.wait_indirect_dma semaphore(%arg10 : memref<!tpu.dma_semaphore, #tpu.memory_space<semaphore_mem>>) src(%dma_wait3A_64 : memref<10000x128xf32, #tpu.memory_space<hbm>>) dst(%arg7 : memref<128x128xf32, #tpu.memory_space<vmem>>)
      %run_scoped3A_65 = arith.constant 18 : i32
      "tpu.region"() ({
        %run_scoped3A_254 = tpu.sem_alloc : memref<!tpu.dma_semaphore, #tpu.memory_space<semaphore_mem>>
        %dma_start3A_255 = arith.constant 0 : i32
        %dma_start3A_256 = tpu.memref_slice %arg6[%run_scoped3A_65, %dma_start3A_255] : memref<32x128xi32, #tpu.memory_space<vmem>> -> memref<1x128xi32, #tpu.memory_space<vmem>>
        %dma_start3A_257 = tpu.memref_squeeze %dma_start3A_256 : memref<1x128xi32, #tpu.memory_space<vmem>> -> memref<128xi32, #tpu.memory_space<vmem>>
        %dma_start3A_258 = arith.constant 0 : i32
        %dma_start3A_259 = arith.constant 0 : i32
        %dma_start3A_260 = tpu.memref_slice %arg9[%dma_start3A_258, %dma_start3A_259] : memref<10112x128xf32, #tpu.memory_space<vmem_shared>> -> memref<10112x128xf32, #tpu.memory_space<vmem_shared>>
        tpu.enqueue_indirect_dma source(%arg7 : memref<128x128xf32, #tpu.memory_space<vmem>>) target(%dma_start3A_260 : memref<10112x128xf32, #tpu.memory_space<vmem_shared>>) offsets(%dma_start3A_257 : memref<128xi32, #tpu.memory_space<vmem>>) semaphore(%run_scoped3A_254 : memref<!tpu.dma_semaphore, #tpu.memory_space<semaphore_mem>>) {add = true}
        %dma_wait3A_261 = arith.constant 0 : i32
        %dma_wait3A_262 = tpu.memref_slice %arg6[%run_scoped3A_65, %dma_wait3A_261] : memref<32x128xi32, #tpu.memory_space<vmem>> -> memref<1x128xi32, #tpu.memory_space<vmem>>
        %dma_wait3A_263 = tpu.memref_squeeze %dma_wait3A_262 : memref<1x128xi32, #tpu.memory_space<vmem>> -> memref<128xi32, #tpu.memory_space<vmem>>
        %dma_wait3A_264 = arith.constant 0 : i32
        %dma_wait3A_265 = arith.constant 0 : i32
        %dma_wait3A_266 = tpu.memref_slice %arg9[%dma_wait3A_264, %dma_wait3A_265] : memref<10112x128xf32, #tpu.memory_space<vmem_shared>> -> memref<10112x128xf32, #tpu.memory_space<vmem_shared>>
        tpu.wait_indirect_dma semaphore(%run_scoped3A_254 : memref<!tpu.dma_semaphore, #tpu.memory_space<semaphore_mem>>) src(%arg7 : memref<128x128xf32, #tpu.memory_space<vmem>>) dst(%dma_wait3A_266 : memref<10112x128xf32, #tpu.memory_space<vmem_shared>>)
        tpu.yield
      }) : () -> ()
      %dma_start3A_66 = arith.constant 4 : i32
      %dma_start3A_67 = arith.constant 0 : i32
      %dma_start3A_68 = tpu.memref_slice %arg6[%dma_start3A_66, %dma_start3A_67] : memref<32x128xi32, #tpu.memory_space<vmem>> -> memref<1x128xi32, #tpu.memory_space<vmem>>
      %dma_start3A_69 = tpu.memref_squeeze %dma_start3A_68 : memref<1x128xi32, #tpu.memory_space<vmem>> -> memref<128xi32, #tpu.memory_space<vmem>>
      %dma_start3A_70 = arith.constant 0 : i32
      %dma_start3A_71 = arith.constant 0 : i32
      %dma_start3A_72 = tpu.memref_slice %arg2[%dma_start3A_70, %dma_start3A_71] : memref<10000x128xf32, #tpu.memory_space<hbm>> -> memref<10000x128xf32, #tpu.memory_space<hbm>>
      tpu.enqueue_indirect_dma source(%dma_start3A_72 : memref<10000x128xf32, #tpu.memory_space<hbm>>) target(%arg7 : memref<128x128xf32, #tpu.memory_space<vmem>>) offsets(%dma_start3A_69 : memref<128xi32, #tpu.memory_space<vmem>>) semaphore(%arg10 : memref<!tpu.dma_semaphore, #tpu.memory_space<semaphore_mem>>)
      %dma_wait3A_73 = arith.constant 3 : i32
      %dma_wait3A_74 = arith.constant 0 : i32
      %dma_wait3A_75 = tpu.memref_slice %arg6[%dma_wait3A_73, %dma_wait3A_74] : memref<32x128xi32, #tpu.memory_space<vmem>> -> memref<1x128xi32, #tpu.memory_space<vmem>>
      %dma_wait3A_76 = tpu.memref_squeeze %dma_wait3A_75 : memref<1x128xi32, #tpu.memory_space<vmem>> -> memref<128xi32, #tpu.memory_space<vmem>>
      %dma_wait3A_77 = arith.constant 0 : i32
      %dma_wait3A_78 = arith.constant 0 : i32
      %dma_wait3A_79 = tpu.memref_slice %arg2[%dma_wait3A_77, %dma_wait3A_78] : memref<10000x128xf32, #tpu.memory_space<hbm>> -> memref<10000x128xf32, #tpu.memory_space<hbm>>
      tpu.wait_indirect_dma semaphore(%arg11 : memref<!tpu.dma_semaphore, #tpu.memory_space<semaphore_mem>>) src(%dma_wait3A_79 : memref<10000x128xf32, #tpu.memory_space<hbm>>) dst(%arg8 : memref<128x128xf32, #tpu.memory_space<vmem>>)
      %run_scoped3A_80 = arith.constant 19 : i32
      "tpu.region"() ({
        %run_scoped3A_254 = tpu.sem_alloc : memref<!tpu.dma_semaphore, #tpu.memory_space<semaphore_mem>>
        %dma_start3A_255 = arith.constant 0 : i32
        %dma_start3A_256 = tpu.memref_slice %arg6[%run_scoped3A_80, %dma_start3A_255] : memref<32x128xi32, #tpu.memory_space<vmem>> -> memref<1x128xi32, #tpu.memory_space<vmem>>
        %dma_start3A_257 = tpu.memref_squeeze %dma_start3A_256 : memref<1x128xi32, #tpu.memory_space<vmem>> -> memref<128xi32, #tpu.memory_space<vmem>>
        %dma_start3A_258 = arith.constant 0 : i32
        %dma_start3A_259 = arith.constant 0 : i32
        %dma_start3A_260 = tpu.memref_slice %arg9[%dma_start3A_258, %dma_start3A_259] : memref<10112x128xf32, #tpu.memory_space<vmem_shared>> -> memref<10112x128xf32, #tpu.memory_space<vmem_shared>>
        tpu.enqueue_indirect_dma source(%arg8 : memref<128x128xf32, #tpu.memory_space<vmem>>) target(%dma_start3A_260 : memref<10112x128xf32, #tpu.memory_space<vmem_shared>>) offsets(%dma_start3A_257 : memref<128xi32, #tpu.memory_space<vmem>>) semaphore(%run_scoped3A_254 : memref<!tpu.dma_semaphore, #tpu.memory_space<semaphore_mem>>) {add = true}
        %dma_wait3A_261 = arith.constant 0 : i32
        %dma_wait3A_262 = tpu.memref_slice %arg6[%run_scoped3A_80, %dma_wait3A_261] : memref<32x128xi32, #tpu.memory_space<vmem>> -> memref<1x128xi32, #tpu.memory_space<vmem>>
        %dma_wait3A_263 = tpu.memref_squeeze %dma_wait3A_262 : memref<1x128xi32, #tpu.memory_space<vmem>> -> memref<128xi32, #tpu.memory_space<vmem>>
        %dma_wait3A_264 = arith.constant 0 : i32
        %dma_wait3A_265 = arith.constant 0 : i32
        %dma_wait3A_266 = tpu.memref_slice %arg9[%dma_wait3A_264, %dma_wait3A_265] : memref<10112x128xf32, #tpu.memory_space<vmem_shared>> -> memref<10112x128xf32, #tpu.memory_space<vmem_shared>>
        tpu.wait_indirect_dma semaphore(%run_scoped3A_254 : memref<!tpu.dma_semaphore, #tpu.memory_space<semaphore_mem>>) src(%arg8 : memref<128x128xf32, #tpu.memory_space<vmem>>) dst(%dma_wait3A_266 : memref<10112x128xf32, #tpu.memory_space<vmem_shared>>)
        tpu.yield
      }) : () -> ()
      %dma_start3A_81 = arith.constant 5 : i32
      %dma_start3A_82 = arith.constant 0 : i32
      %dma_start3A_83 = tpu.memref_slice %arg6[%dma_start3A_81, %dma_start3A_82] : memref<32x128xi32, #tpu.memory_space<vmem>> -> memref<1x128xi32, #tpu.memory_space<vmem>>
      %dma_start3A_84 = tpu.memref_squeeze %dma_start3A_83 : memref<1x128xi32, #tpu.memory_space<vmem>> -> memref<128xi32, #tpu.memory_space<vmem>>
      %dma_start3A_85 = arith.constant 0 : i32
      %dma_start3A_86 = arith.constant 0 : i32
      %dma_start3A_87 = tpu.memref_slice %arg2[%dma_start3A_85, %dma_start3A_86] : memref<10000x128xf32, #tpu.memory_space<hbm>> -> memref<10000x128xf32, #tpu.memory_space<hbm>>
      tpu.enqueue_indirect_dma source(%dma_start3A_87 : memref<10000x128xf32, #tpu.memory_space<hbm>>) target(%arg8 : memref<128x128xf32, #tpu.memory_space<vmem>>) offsets(%dma_start3A_84 : memref<128xi32, #tpu.memory_space<vmem>>) semaphore(%arg11 : memref<!tpu.dma_semaphore, #tpu.memory_space<semaphore_mem>>)
      %dma_wait3A_88 = arith.constant 4 : i32
      %dma_wait3A_89 = arith.constant 0 : i32
      %dma_wait3A_90 = tpu.memref_slice %arg6[%dma_wait3A_88, %dma_wait3A_89] : memref<32x128xi32, #tpu.memory_space<vmem>> -> memref<1x128xi32, #tpu.memory_space<vmem>>
      %dma_wait3A_91 = tpu.memref_squeeze %dma_wait3A_90 : memref<1x128xi32, #tpu.memory_space<vmem>> -> memref<128xi32, #tpu.memory_space<vmem>>
      %dma_wait3A_92 = arith.constant 0 : i32
      %dma_wait3A_93 = arith.constant 0 : i32
      %dma_wait3A_94 = tpu.memref_slice %arg2[%dma_wait3A_92, %dma_wait3A_93] : memref<10000x128xf32, #tpu.memory_space<hbm>> -> memref<10000x128xf32, #tpu.memory_space<hbm>>
      tpu.wait_indirect_dma semaphore(%arg10 : memref<!tpu.dma_semaphore, #tpu.memory_space<semaphore_mem>>) src(%dma_wait3A_94 : memref<10000x128xf32, #tpu.memory_space<hbm>>) dst(%arg7 : memref<128x128xf32, #tpu.memory_space<vmem>>)
      %run_scoped3A_95 = arith.constant 20 : i32
      "tpu.region"() ({
        %run_scoped3A_254 = tpu.sem_alloc : memref<!tpu.dma_semaphore, #tpu.memory_space<semaphore_mem>>
        %dma_start3A_255 = arith.constant 0 : i32
        %dma_start3A_256 = tpu.memref_slice %arg6[%run_scoped3A_95, %dma_start3A_255] : memref<32x128xi32, #tpu.memory_space<vmem>> -> memref<1x128xi32, #tpu.memory_space<vmem>>
        %dma_start3A_257 = tpu.memref_squeeze %dma_start3A_256 : memref<1x128xi32, #tpu.memory_space<vmem>> -> memref<128xi32, #tpu.memory_space<vmem>>
        %dma_start3A_258 = arith.constant 0 : i32
        %dma_start3A_259 = arith.constant 0 : i32
        %dma_start3A_260 = tpu.memref_slice %arg9[%dma_start3A_258, %dma_start3A_259] : memref<10112x128xf32, #tpu.memory_space<vmem_shared>> -> memref<10112x128xf32, #tpu.memory_space<vmem_shared>>
        tpu.enqueue_indirect_dma source(%arg7 : memref<128x128xf32, #tpu.memory_space<vmem>>) target(%dma_start3A_260 : memref<10112x128xf32, #tpu.memory_space<vmem_shared>>) offsets(%dma_start3A_257 : memref<128xi32, #tpu.memory_space<vmem>>) semaphore(%run_scoped3A_254 : memref<!tpu.dma_semaphore, #tpu.memory_space<semaphore_mem>>) {add = true}
        %dma_wait3A_261 = arith.constant 0 : i32
        %dma_wait3A_262 = tpu.memref_slice %arg6[%run_scoped3A_95, %dma_wait3A_261] : memref<32x128xi32, #tpu.memory_space<vmem>> -> memref<1x128xi32, #tpu.memory_space<vmem>>
        %dma_wait3A_263 = tpu.memref_squeeze %dma_wait3A_262 : memref<1x128xi32, #tpu.memory_space<vmem>> -> memref<128xi32, #tpu.memory_space<vmem>>
        %dma_wait3A_264 = arith.constant 0 : i32
        %dma_wait3A_265 = arith.constant 0 : i32
        %dma_wait3A_266 = tpu.memref_slice %arg9[%dma_wait3A_264, %dma_wait3A_265] : memref<10112x128xf32, #tpu.memory_space<vmem_shared>> -> memref<10112x128xf32, #tpu.memory_space<vmem_shared>>
        tpu.wait_indirect_dma semaphore(%run_scoped3A_254 : memref<!tpu.dma_semaphore, #tpu.memory_space<semaphore_mem>>) src(%arg7 : memref<128x128xf32, #tpu.memory_space<vmem>>) dst(%dma_wait3A_266 : memref<10112x128xf32, #tpu.memory_space<vmem_shared>>)
        tpu.yield
      }) : () -> ()
      %dma_start3A_96 = arith.constant 6 : i32
      %dma_start3A_97 = arith.constant 0 : i32
      %dma_start3A_98 = tpu.memref_slice %arg6[%dma_start3A_96, %dma_start3A_97] : memref<32x128xi32, #tpu.memory_space<vmem>> -> memref<1x128xi32, #tpu.memory_space<vmem>>
      %dma_start3A_99 = tpu.memref_squeeze %dma_start3A_98 : memref<1x128xi32, #tpu.memory_space<vmem>> -> memref<128xi32, #tpu.memory_space<vmem>>
      %dma_start3A_100 = arith.constant 0 : i32
      %dma_start3A_101 = arith.constant 0 : i32
      %dma_start3A_102 = tpu.memref_slice %arg2[%dma_start3A_100, %dma_start3A_101] : memref<10000x128xf32, #tpu.memory_space<hbm>> -> memref<10000x128xf32, #tpu.memory_space<hbm>>
      tpu.enqueue_indirect_dma source(%dma_start3A_102 : memref<10000x128xf32, #tpu.memory_space<hbm>>) target(%arg7 : memref<128x128xf32, #tpu.memory_space<vmem>>) offsets(%dma_start3A_99 : memref<128xi32, #tpu.memory_space<vmem>>) semaphore(%arg10 : memref<!tpu.dma_semaphore, #tpu.memory_space<semaphore_mem>>)
      %dma_wait3A_103 = arith.constant 5 : i32
      %dma_wait3A_104 = arith.constant 0 : i32
      %dma_wait3A_105 = tpu.memref_slice %arg6[%dma_wait3A_103, %dma_wait3A_104] : memref<32x128xi32, #tpu.memory_space<vmem>> -> memref<1x128xi32, #tpu.memory_space<vmem>>
      %dma_wait3A_106 = tpu.memref_squeeze %dma_wait3A_105 : memref<1x128xi32, #tpu.memory_space<vmem>> -> memref<128xi32, #tpu.memory_space<vmem>>
      %dma_wait3A_107 = arith.constant 0 : i32
      %dma_wait3A_108 = arith.constant 0 : i32
      %dma_wait3A_109 = tpu.memref_slice %arg2[%dma_wait3A_107, %dma_wait3A_108] : memref<10000x128xf32, #tpu.memory_space<hbm>> -> memref<10000x128xf32, #tpu.memory_space<hbm>>
      tpu.wait_indirect_dma semaphore(%arg11 : memref<!tpu.dma_semaphore, #tpu.memory_space<semaphore_mem>>) src(%dma_wait3A_109 : memref<10000x128xf32, #tpu.memory_space<hbm>>) dst(%arg8 : memref<128x128xf32, #tpu.memory_space<vmem>>)
      %run_scoped3A_110 = arith.constant 21 : i32
      "tpu.region"() ({
        %run_scoped3A_254 = tpu.sem_alloc : memref<!tpu.dma_semaphore, #tpu.memory_space<semaphore_mem>>
        %dma_start3A_255 = arith.constant 0 : i32
        %dma_start3A_256 = tpu.memref_slice %arg6[%run_scoped3A_110, %dma_start3A_255] : memref<32x128xi32, #tpu.memory_space<vmem>> -> memref<1x128xi32, #tpu.memory_space<vmem>>
        %dma_start3A_257 = tpu.memref_squeeze %dma_start3A_256 : memref<1x128xi32, #tpu.memory_space<vmem>> -> memref<128xi32, #tpu.memory_space<vmem>>
        %dma_start3A_258 = arith.constant 0 : i32
        %dma_start3A_259 = arith.constant 0 : i32
        %dma_start3A_260 = tpu.memref_slice %arg9[%dma_start3A_258, %dma_start3A_259] : memref<10112x128xf32, #tpu.memory_space<vmem_shared>> -> memref<10112x128xf32, #tpu.memory_space<vmem_shared>>
        tpu.enqueue_indirect_dma source(%arg8 : memref<128x128xf32, #tpu.memory_space<vmem>>) target(%dma_start3A_260 : memref<10112x128xf32, #tpu.memory_space<vmem_shared>>) offsets(%dma_start3A_257 : memref<128xi32, #tpu.memory_space<vmem>>) semaphore(%run_scoped3A_254 : memref<!tpu.dma_semaphore, #tpu.memory_space<semaphore_mem>>) {add = true}
        %dma_wait3A_261 = arith.constant 0 : i32
        %dma_wait3A_262 = tpu.memref_slice %arg6[%run_scoped3A_110, %dma_wait3A_261] : memref<32x128xi32, #tpu.memory_space<vmem>> -> memref<1x128xi32, #tpu.memory_space<vmem>>
        %dma_wait3A_263 = tpu.memref_squeeze %dma_wait3A_262 : memref<1x128xi32, #tpu.memory_space<vmem>> -> memref<128xi32, #tpu.memory_space<vmem>>
        %dma_wait3A_264 = arith.constant 0 : i32
        %dma_wait3A_265 = arith.constant 0 : i32
        %dma_wait3A_266 = tpu.memref_slice %arg9[%dma_wait3A_264, %dma_wait3A_265] : memref<10112x128xf32, #tpu.memory_space<vmem_shared>> -> memref<10112x128xf32, #tpu.memory_space<vmem_shared>>
        tpu.wait_indirect_dma semaphore(%run_scoped3A_254 : memref<!tpu.dma_semaphore, #tpu.memory_space<semaphore_mem>>) src(%arg8 : memref<128x128xf32, #tpu.memory_space<vmem>>) dst(%dma_wait3A_266 : memref<10112x128xf32, #tpu.memory_space<vmem_shared>>)
        tpu.yield
      }) : () -> ()
      %dma_start3A_111 = arith.constant 7 : i32
      %dma_start3A_112 = arith.constant 0 : i32
      %dma_start3A_113 = tpu.memref_slice %arg6[%dma_start3A_111, %dma_start3A_112] : memref<32x128xi32, #tpu.memory_space<vmem>> -> memref<1x128xi32, #tpu.memory_space<vmem>>
      %dma_start3A_114 = tpu.memref_squeeze %dma_start3A_113 : memref<1x128xi32, #tpu.memory_space<vmem>> -> memref<128xi32, #tpu.memory_space<vmem>>
      %dma_start3A_115 = arith.constant 0 : i32
      %dma_start3A_116 = arith.constant 0 : i32
      %dma_start3A_117 = tpu.memref_slice %arg2[%dma_start3A_115, %dma_start3A_116] : memref<10000x128xf32, #tpu.memory_space<hbm>> -> memref<10000x128xf32, #tpu.memory_space<hbm>>
      tpu.enqueue_indirect_dma source(%dma_start3A_117 : memref<10000x128xf32, #tpu.memory_space<hbm>>) target(%arg8 : memref<128x128xf32, #tpu.memory_space<vmem>>) offsets(%dma_start3A_114 : memref<128xi32, #tpu.memory_space<vmem>>) semaphore(%arg11 : memref<!tpu.dma_semaphore, #tpu.memory_space<semaphore_mem>>)
      %dma_wait3A_118 = arith.constant 6 : i32
      %dma_wait3A_119 = arith.constant 0 : i32
      %dma_wait3A_120 = tpu.memref_slice %arg6[%dma_wait3A_118, %dma_wait3A_119] : memref<32x128xi32, #tpu.memory_space<vmem>> -> memref<1x128xi32, #tpu.memory_space<vmem>>
      %dma_wait3A_121 = tpu.memref_squeeze %dma_wait3A_120 : memref<1x128xi32, #tpu.memory_space<vmem>> -> memref<128xi32, #tpu.memory_space<vmem>>
      %dma_wait3A_122 = arith.constant 0 : i32
      %dma_wait3A_123 = arith.constant 0 : i32
      %dma_wait3A_124 = tpu.memref_slice %arg2[%dma_wait3A_122, %dma_wait3A_123] : memref<10000x128xf32, #tpu.memory_space<hbm>> -> memref<10000x128xf32, #tpu.memory_space<hbm>>
      tpu.wait_indirect_dma semaphore(%arg10 : memref<!tpu.dma_semaphore, #tpu.memory_space<semaphore_mem>>) src(%dma_wait3A_124 : memref<10000x128xf32, #tpu.memory_space<hbm>>) dst(%arg7 : memref<128x128xf32, #tpu.memory_space<vmem>>)
      %run_scoped3A_125 = arith.constant 22 : i32
      "tpu.region"() ({
        %run_scoped3A_254 = tpu.sem_alloc : memref<!tpu.dma_semaphore, #tpu.memory_space<semaphore_mem>>
        %dma_start3A_255 = arith.constant 0 : i32
        %dma_start3A_256 = tpu.memref_slice %arg6[%run_scoped3A_125, %dma_start3A_255] : memref<32x128xi32, #tpu.memory_space<vmem>> -> memref<1x128xi32, #tpu.memory_space<vmem>>
        %dma_start3A_257 = tpu.memref_squeeze %dma_start3A_256 : memref<1x128xi32, #tpu.memory_space<vmem>> -> memref<128xi32, #tpu.memory_space<vmem>>
        %dma_start3A_258 = arith.constant 0 : i32
        %dma_start3A_259 = arith.constant 0 : i32
        %dma_start3A_260 = tpu.memref_slice %arg9[%dma_start3A_258, %dma_start3A_259] : memref<10112x128xf32, #tpu.memory_space<vmem_shared>> -> memref<10112x128xf32, #tpu.memory_space<vmem_shared>>
        tpu.enqueue_indirect_dma source(%arg7 : memref<128x128xf32, #tpu.memory_space<vmem>>) target(%dma_start3A_260 : memref<10112x128xf32, #tpu.memory_space<vmem_shared>>) offsets(%dma_start3A_257 : memref<128xi32, #tpu.memory_space<vmem>>) semaphore(%run_scoped3A_254 : memref<!tpu.dma_semaphore, #tpu.memory_space<semaphore_mem>>) {add = true}
        %dma_wait3A_261 = arith.constant 0 : i32
        %dma_wait3A_262 = tpu.memref_slice %arg6[%run_scoped3A_125, %dma_wait3A_261] : memref<32x128xi32, #tpu.memory_space<vmem>> -> memref<1x128xi32, #tpu.memory_space<vmem>>
        %dma_wait3A_263 = tpu.memref_squeeze %dma_wait3A_262 : memref<1x128xi32, #tpu.memory_space<vmem>> -> memref<128xi32, #tpu.memory_space<vmem>>
        %dma_wait3A_264 = arith.constant 0 : i32
        %dma_wait3A_265 = arith.constant 0 : i32
        %dma_wait3A_266 = tpu.memref_slice %arg9[%dma_wait3A_264, %dma_wait3A_265] : memref<10112x128xf32, #tpu.memory_space<vmem_shared>> -> memref<10112x128xf32, #tpu.memory_space<vmem_shared>>
        tpu.wait_indirect_dma semaphore(%run_scoped3A_254 : memref<!tpu.dma_semaphore, #tpu.memory_space<semaphore_mem>>) src(%arg7 : memref<128x128xf32, #tpu.memory_space<vmem>>) dst(%dma_wait3A_266 : memref<10112x128xf32, #tpu.memory_space<vmem_shared>>)
        tpu.yield
      }) : () -> ()
      %dma_start3A_126 = arith.constant 8 : i32
      %dma_start3A_127 = arith.constant 0 : i32
      %dma_start3A_128 = tpu.memref_slice %arg6[%dma_start3A_126, %dma_start3A_127] : memref<32x128xi32, #tpu.memory_space<vmem>> -> memref<1x128xi32, #tpu.memory_space<vmem>>
      %dma_start3A_129 = tpu.memref_squeeze %dma_start3A_128 : memref<1x128xi32, #tpu.memory_space<vmem>> -> memref<128xi32, #tpu.memory_space<vmem>>
      %dma_start3A_130 = arith.constant 0 : i32
      %dma_start3A_131 = arith.constant 0 : i32
      %dma_start3A_132 = tpu.memref_slice %arg2[%dma_start3A_130, %dma_start3A_131] : memref<10000x128xf32, #tpu.memory_space<hbm>> -> memref<10000x128xf32, #tpu.memory_space<hbm>>
      tpu.enqueue_indirect_dma source(%dma_start3A_132 : memref<10000x128xf32, #tpu.memory_space<hbm>>) target(%arg7 : memref<128x128xf32, #tpu.memory_space<vmem>>) offsets(%dma_start3A_129 : memref<128xi32, #tpu.memory_space<vmem>>) semaphore(%arg10 : memref<!tpu.dma_semaphore, #tpu.memory_space<semaphore_mem>>)
      %dma_wait3A_133 = arith.constant 7 : i32
      %dma_wait3A_134 = arith.constant 0 : i32
      %dma_wait3A_135 = tpu.memref_slice %arg6[%dma_wait3A_133, %dma_wait3A_134] : memref<32x128xi32, #tpu.memory_space<vmem>> -> memref<1x128xi32, #tpu.memory_space<vmem>>
      %dma_wait3A_136 = tpu.memref_squeeze %dma_wait3A_135 : memref<1x128xi32, #tpu.memory_space<vmem>> -> memref<128xi32, #tpu.memory_space<vmem>>
      %dma_wait3A_137 = arith.constant 0 : i32
      %dma_wait3A_138 = arith.constant 0 : i32
      %dma_wait3A_139 = tpu.memref_slice %arg2[%dma_wait3A_137, %dma_wait3A_138] : memref<10000x128xf32, #tpu.memory_space<hbm>> -> memref<10000x128xf32, #tpu.memory_space<hbm>>
      tpu.wait_indirect_dma semaphore(%arg11 : memref<!tpu.dma_semaphore, #tpu.memory_space<semaphore_mem>>) src(%dma_wait3A_139 : memref<10000x128xf32, #tpu.memory_space<hbm>>) dst(%arg8 : memref<128x128xf32, #tpu.memory_space<vmem>>)
      %run_scoped3A_140 = arith.constant 23 : i32
      "tpu.region"() ({
        %run_scoped3A_254 = tpu.sem_alloc : memref<!tpu.dma_semaphore, #tpu.memory_space<semaphore_mem>>
        %dma_start3A_255 = arith.constant 0 : i32
        %dma_start3A_256 = tpu.memref_slice %arg6[%run_scoped3A_140, %dma_start3A_255] : memref<32x128xi32, #tpu.memory_space<vmem>> -> memref<1x128xi32, #tpu.memory_space<vmem>>
        %dma_start3A_257 = tpu.memref_squeeze %dma_start3A_256 : memref<1x128xi32, #tpu.memory_space<vmem>> -> memref<128xi32, #tpu.memory_space<vmem>>
        %dma_start3A_258 = arith.constant 0 : i32
        %dma_start3A_259 = arith.constant 0 : i32
        %dma_start3A_260 = tpu.memref_slice %arg9[%dma_start3A_258, %dma_start3A_259] : memref<10112x128xf32, #tpu.memory_space<vmem_shared>> -> memref<10112x128xf32, #tpu.memory_space<vmem_shared>>
        tpu.enqueue_indirect_dma source(%arg8 : memref<128x128xf32, #tpu.memory_space<vmem>>) target(%dma_start3A_260 : memref<10112x128xf32, #tpu.memory_space<vmem_shared>>) offsets(%dma_start3A_257 : memref<128xi32, #tpu.memory_space<vmem>>) semaphore(%run_scoped3A_254 : memref<!tpu.dma_semaphore, #tpu.memory_space<semaphore_mem>>) {add = true}
        %dma_wait3A_261 = arith.constant 0 : i32
        %dma_wait3A_262 = tpu.memref_slice %arg6[%run_scoped3A_140, %dma_wait3A_261] : memref<32x128xi32, #tpu.memory_space<vmem>> -> memref<1x128xi32, #tpu.memory_space<vmem>>
        %dma_wait3A_263 = tpu.memref_squeeze %dma_wait3A_262 : memref<1x128xi32, #tpu.memory_space<vmem>> -> memref<128xi32, #tpu.memory_space<vmem>>
        %dma_wait3A_264 = arith.constant 0 : i32
        %dma_wait3A_265 = arith.constant 0 : i32
        %dma_wait3A_266 = tpu.memref_slice %arg9[%dma_wait3A_264, %dma_wait3A_265] : memref<10112x128xf32, #tpu.memory_space<vmem_shared>> -> memref<10112x128xf32, #tpu.memory_space<vmem_shared>>
        tpu.wait_indirect_dma semaphore(%run_scoped3A_254 : memref<!tpu.dma_semaphore, #tpu.memory_space<semaphore_mem>>) src(%arg8 : memref<128x128xf32, #tpu.memory_space<vmem>>) dst(%dma_wait3A_266 : memref<10112x128xf32, #tpu.memory_space<vmem_shared>>)
        tpu.yield
      }) : () -> ()
      %dma_start3A_141 = arith.constant 9 : i32
      %dma_start3A_142 = arith.constant 0 : i32
      %dma_start3A_143 = tpu.memref_slice %arg6[%dma_start3A_141, %dma_start3A_142] : memref<32x128xi32, #tpu.memory_space<vmem>> -> memref<1x128xi32, #tpu.memory_space<vmem>>
      %dma_start3A_144 = tpu.memref_squeeze %dma_start3A_143 : memref<1x128xi32, #tpu.memory_space<vmem>> -> memref<128xi32, #tpu.memory_space<vmem>>
      %dma_start3A_145 = arith.constant 0 : i32
      %dma_start3A_146 = arith.constant 0 : i32
      %dma_start3A_147 = tpu.memref_slice %arg2[%dma_start3A_145, %dma_start3A_146] : memref<10000x128xf32, #tpu.memory_space<hbm>> -> memref<10000x128xf32, #tpu.memory_space<hbm>>
      tpu.enqueue_indirect_dma source(%dma_start3A_147 : memref<10000x128xf32, #tpu.memory_space<hbm>>) target(%arg8 : memref<128x128xf32, #tpu.memory_space<vmem>>) offsets(%dma_start3A_144 : memref<128xi32, #tpu.memory_space<vmem>>) semaphore(%arg11 : memref<!tpu.dma_semaphore, #tpu.memory_space<semaphore_mem>>)
      %dma_wait3A_148 = arith.constant 8 : i32
      %dma_wait3A_149 = arith.constant 0 : i32
      %dma_wait3A_150 = tpu.memref_slice %arg6[%dma_wait3A_148, %dma_wait3A_149] : memref<32x128xi32, #tpu.memory_space<vmem>> -> memref<1x128xi32, #tpu.memory_space<vmem>>
      %dma_wait3A_151 = tpu.memref_squeeze %dma_wait3A_150 : memref<1x128xi32, #tpu.memory_space<vmem>> -> memref<128xi32, #tpu.memory_space<vmem>>
      %dma_wait3A_152 = arith.constant 0 : i32
      %dma_wait3A_153 = arith.constant 0 : i32
      %dma_wait3A_154 = tpu.memref_slice %arg2[%dma_wait3A_152, %dma_wait3A_153] : memref<10000x128xf32, #tpu.memory_space<hbm>> -> memref<10000x128xf32, #tpu.memory_space<hbm>>
      tpu.wait_indirect_dma semaphore(%arg10 : memref<!tpu.dma_semaphore, #tpu.memory_space<semaphore_mem>>) src(%dma_wait3A_154 : memref<10000x128xf32, #tpu.memory_space<hbm>>) dst(%arg7 : memref<128x128xf32, #tpu.memory_space<vmem>>)
      %run_scoped3A_155 = arith.constant 24 : i32
      "tpu.region"() ({
        %run_scoped3A_254 = tpu.sem_alloc : memref<!tpu.dma_semaphore, #tpu.memory_space<semaphore_mem>>
        %dma_start3A_255 = arith.constant 0 : i32
        %dma_start3A_256 = tpu.memref_slice %arg6[%run_scoped3A_155, %dma_start3A_255] : memref<32x128xi32, #tpu.memory_space<vmem>> -> memref<1x128xi32, #tpu.memory_space<vmem>>
        %dma_start3A_257 = tpu.memref_squeeze %dma_start3A_256 : memref<1x128xi32, #tpu.memory_space<vmem>> -> memref<128xi32, #tpu.memory_space<vmem>>
        %dma_start3A_258 = arith.constant 0 : i32
        %dma_start3A_259 = arith.constant 0 : i32
        %dma_start3A_260 = tpu.memref_slice %arg9[%dma_start3A_258, %dma_start3A_259] : memref<10112x128xf32, #tpu.memory_space<vmem_shared>> -> memref<10112x128xf32, #tpu.memory_space<vmem_shared>>
        tpu.enqueue_indirect_dma source(%arg7 : memref<128x128xf32, #tpu.memory_space<vmem>>) target(%dma_start3A_260 : memref<10112x128xf32, #tpu.memory_space<vmem_shared>>) offsets(%dma_start3A_257 : memref<128xi32, #tpu.memory_space<vmem>>) semaphore(%run_scoped3A_254 : memref<!tpu.dma_semaphore, #tpu.memory_space<semaphore_mem>>) {add = true}
        %dma_wait3A_261 = arith.constant 0 : i32
        %dma_wait3A_262 = tpu.memref_slice %arg6[%run_scoped3A_155, %dma_wait3A_261] : memref<32x128xi32, #tpu.memory_space<vmem>> -> memref<1x128xi32, #tpu.memory_space<vmem>>
        %dma_wait3A_263 = tpu.memref_squeeze %dma_wait3A_262 : memref<1x128xi32, #tpu.memory_space<vmem>> -> memref<128xi32, #tpu.memory_space<vmem>>
        %dma_wait3A_264 = arith.constant 0 : i32
        %dma_wait3A_265 = arith.constant 0 : i32
        %dma_wait3A_266 = tpu.memref_slice %arg9[%dma_wait3A_264, %dma_wait3A_265] : memref<10112x128xf32, #tpu.memory_space<vmem_shared>> -> memref<10112x128xf32, #tpu.memory_space<vmem_shared>>
        tpu.wait_indirect_dma semaphore(%run_scoped3A_254 : memref<!tpu.dma_semaphore, #tpu.memory_space<semaphore_mem>>) src(%arg7 : memref<128x128xf32, #tpu.memory_space<vmem>>) dst(%dma_wait3A_266 : memref<10112x128xf32, #tpu.memory_space<vmem_shared>>)
        tpu.yield
      }) : () -> ()
      %dma_start3A_156 = arith.constant 10 : i32
      %dma_start3A_157 = arith.constant 0 : i32
      %dma_start3A_158 = tpu.memref_slice %arg6[%dma_start3A_156, %dma_start3A_157] : memref<32x128xi32, #tpu.memory_space<vmem>> -> memref<1x128xi32, #tpu.memory_space<vmem>>
      %dma_start3A_159 = tpu.memref_squeeze %dma_start3A_158 : memref<1x128xi32, #tpu.memory_space<vmem>> -> memref<128xi32, #tpu.memory_space<vmem>>
      %dma_start3A_160 = arith.constant 0 : i32
      %dma_start3A_161 = arith.constant 0 : i32
      %dma_start3A_162 = tpu.memref_slice %arg2[%dma_start3A_160, %dma_start3A_161] : memref<10000x128xf32, #tpu.memory_space<hbm>> -> memref<10000x128xf32, #tpu.memory_space<hbm>>
      tpu.enqueue_indirect_dma source(%dma_start3A_162 : memref<10000x128xf32, #tpu.memory_space<hbm>>) target(%arg7 : memref<128x128xf32, #tpu.memory_space<vmem>>) offsets(%dma_start3A_159 : memref<128xi32, #tpu.memory_space<vmem>>) semaphore(%arg10 : memref<!tpu.dma_semaphore, #tpu.memory_space<semaphore_mem>>)
      %dma_wait3A_163 = arith.constant 9 : i32
      %dma_wait3A_164 = arith.constant 0 : i32
      %dma_wait3A_165 = tpu.memref_slice %arg6[%dma_wait3A_163, %dma_wait3A_164] : memref<32x128xi32, #tpu.memory_space<vmem>> -> memref<1x128xi32, #tpu.memory_space<vmem>>
      %dma_wait3A_166 = tpu.memref_squeeze %dma_wait3A_165 : memref<1x128xi32, #tpu.memory_space<vmem>> -> memref<128xi32, #tpu.memory_space<vmem>>
      %dma_wait3A_167 = arith.constant 0 : i32
      %dma_wait3A_168 = arith.constant 0 : i32
      %dma_wait3A_169 = tpu.memref_slice %arg2[%dma_wait3A_167, %dma_wait3A_168] : memref<10000x128xf32, #tpu.memory_space<hbm>> -> memref<10000x128xf32, #tpu.memory_space<hbm>>
      tpu.wait_indirect_dma semaphore(%arg11 : memref<!tpu.dma_semaphore, #tpu.memory_space<semaphore_mem>>) src(%dma_wait3A_169 : memref<10000x128xf32, #tpu.memory_space<hbm>>) dst(%arg8 : memref<128x128xf32, #tpu.memory_space<vmem>>)
      %run_scoped3A_170 = arith.constant 25 : i32
      "tpu.region"() ({
        %run_scoped3A_254 = tpu.sem_alloc : memref<!tpu.dma_semaphore, #tpu.memory_space<semaphore_mem>>
        %dma_start3A_255 = arith.constant 0 : i32
        %dma_start3A_256 = tpu.memref_slice %arg6[%run_scoped3A_170, %dma_start3A_255] : memref<32x128xi32, #tpu.memory_space<vmem>> -> memref<1x128xi32, #tpu.memory_space<vmem>>
        %dma_start3A_257 = tpu.memref_squeeze %dma_start3A_256 : memref<1x128xi32, #tpu.memory_space<vmem>> -> memref<128xi32, #tpu.memory_space<vmem>>
        %dma_start3A_258 = arith.constant 0 : i32
        %dma_start3A_259 = arith.constant 0 : i32
        %dma_start3A_260 = tpu.memref_slice %arg9[%dma_start3A_258, %dma_start3A_259] : memref<10112x128xf32, #tpu.memory_space<vmem_shared>> -> memref<10112x128xf32, #tpu.memory_space<vmem_shared>>
        tpu.enqueue_indirect_dma source(%arg8 : memref<128x128xf32, #tpu.memory_space<vmem>>) target(%dma_start3A_260 : memref<10112x128xf32, #tpu.memory_space<vmem_shared>>) offsets(%dma_start3A_257 : memref<128xi32, #tpu.memory_space<vmem>>) semaphore(%run_scoped3A_254 : memref<!tpu.dma_semaphore, #tpu.memory_space<semaphore_mem>>) {add = true}
        %dma_wait3A_261 = arith.constant 0 : i32
        %dma_wait3A_262 = tpu.memref_slice %arg6[%run_scoped3A_170, %dma_wait3A_261] : memref<32x128xi32, #tpu.memory_space<vmem>> -> memref<1x128xi32, #tpu.memory_space<vmem>>
        %dma_wait3A_263 = tpu.memref_squeeze %dma_wait3A_262 : memref<1x128xi32, #tpu.memory_space<vmem>> -> memref<128xi32, #tpu.memory_space<vmem>>
        %dma_wait3A_264 = arith.constant 0 : i32
        %dma_wait3A_265 = arith.constant 0 : i32
        %dma_wait3A_266 = tpu.memref_slice %arg9[%dma_wait3A_264, %dma_wait3A_265] : memref<10112x128xf32, #tpu.memory_space<vmem_shared>> -> memref<10112x128xf32, #tpu.memory_space<vmem_shared>>
        tpu.wait_indirect_dma semaphore(%run_scoped3A_254 : memref<!tpu.dma_semaphore, #tpu.memory_space<semaphore_mem>>) src(%arg8 : memref<128x128xf32, #tpu.memory_space<vmem>>) dst(%dma_wait3A_266 : memref<10112x128xf32, #tpu.memory_space<vmem_shared>>)
        tpu.yield
      }) : () -> ()
      %dma_start3A_171 = arith.constant 11 : i32
      %dma_start3A_172 = arith.constant 0 : i32
      %dma_start3A_173 = tpu.memref_slice %arg6[%dma_start3A_171, %dma_start3A_172] : memref<32x128xi32, #tpu.memory_space<vmem>> -> memref<1x128xi32, #tpu.memory_space<vmem>>
      %dma_start3A_174 = tpu.memref_squeeze %dma_start3A_173 : memref<1x128xi32, #tpu.memory_space<vmem>> -> memref<128xi32, #tpu.memory_space<vmem>>
      %dma_start3A_175 = arith.constant 0 : i32
      %dma_start3A_176 = arith.constant 0 : i32
      %dma_start3A_177 = tpu.memref_slice %arg2[%dma_start3A_175, %dma_start3A_176] : memref<10000x128xf32, #tpu.memory_space<hbm>> -> memref<10000x128xf32, #tpu.memory_space<hbm>>
      tpu.enqueue_indirect_dma source(%dma_start3A_177 : memref<10000x128xf32, #tpu.memory_space<hbm>>) target(%arg8 : memref<128x128xf32, #tpu.memory_space<vmem>>) offsets(%dma_start3A_174 : memref<128xi32, #tpu.memory_space<vmem>>) semaphore(%arg11 : memref<!tpu.dma_semaphore, #tpu.memory_space<semaphore_mem>>)
      %dma_wait3A_178 = arith.constant 10 : i32
      %dma_wait3A_179 = arith.constant 0 : i32
      %dma_wait3A_180 = tpu.memref_slice %arg6[%dma_wait3A_178, %dma_wait3A_179] : memref<32x128xi32, #tpu.memory_space<vmem>> -> memref<1x128xi32, #tpu.memory_space<vmem>>
      %dma_wait3A_181 = tpu.memref_squeeze %dma_wait3A_180 : memref<1x128xi32, #tpu.memory_space<vmem>> -> memref<128xi32, #tpu.memory_space<vmem>>
      %dma_wait3A_182 = arith.constant 0 : i32
      %dma_wait3A_183 = arith.constant 0 : i32
      %dma_wait3A_184 = tpu.memref_slice %arg2[%dma_wait3A_182, %dma_wait3A_183] : memref<10000x128xf32, #tpu.memory_space<hbm>> -> memref<10000x128xf32, #tpu.memory_space<hbm>>
      tpu.wait_indirect_dma semaphore(%arg10 : memref<!tpu.dma_semaphore, #tpu.memory_space<semaphore_mem>>) src(%dma_wait3A_184 : memref<10000x128xf32, #tpu.memory_space<hbm>>) dst(%arg7 : memref<128x128xf32, #tpu.memory_space<vmem>>)
      %run_scoped3A_185 = arith.constant 26 : i32
      "tpu.region"() ({
        %run_scoped3A_254 = tpu.sem_alloc : memref<!tpu.dma_semaphore, #tpu.memory_space<semaphore_mem>>
        %dma_start3A_255 = arith.constant 0 : i32
        %dma_start3A_256 = tpu.memref_slice %arg6[%run_scoped3A_185, %dma_start3A_255] : memref<32x128xi32, #tpu.memory_space<vmem>> -> memref<1x128xi32, #tpu.memory_space<vmem>>
        %dma_start3A_257 = tpu.memref_squeeze %dma_start3A_256 : memref<1x128xi32, #tpu.memory_space<vmem>> -> memref<128xi32, #tpu.memory_space<vmem>>
        %dma_start3A_258 = arith.constant 0 : i32
        %dma_start3A_259 = arith.constant 0 : i32
        %dma_start3A_260 = tpu.memref_slice %arg9[%dma_start3A_258, %dma_start3A_259] : memref<10112x128xf32, #tpu.memory_space<vmem_shared>> -> memref<10112x128xf32, #tpu.memory_space<vmem_shared>>
        tpu.enqueue_indirect_dma source(%arg7 : memref<128x128xf32, #tpu.memory_space<vmem>>) target(%dma_start3A_260 : memref<10112x128xf32, #tpu.memory_space<vmem_shared>>) offsets(%dma_start3A_257 : memref<128xi32, #tpu.memory_space<vmem>>) semaphore(%run_scoped3A_254 : memref<!tpu.dma_semaphore, #tpu.memory_space<semaphore_mem>>) {add = true}
        %dma_wait3A_261 = arith.constant 0 : i32
        %dma_wait3A_262 = tpu.memref_slice %arg6[%run_scoped3A_185, %dma_wait3A_261] : memref<32x128xi32, #tpu.memory_space<vmem>> -> memref<1x128xi32, #tpu.memory_space<vmem>>
        %dma_wait3A_263 = tpu.memref_squeeze %dma_wait3A_262 : memref<1x128xi32, #tpu.memory_space<vmem>> -> memref<128xi32, #tpu.memory_space<vmem>>
        %dma_wait3A_264 = arith.constant 0 : i32
        %dma_wait3A_265 = arith.constant 0 : i32
        %dma_wait3A_266 = tpu.memref_slice %arg9[%dma_wait3A_264, %dma_wait3A_265] : memref<10112x128xf32, #tpu.memory_space<vmem_shared>> -> memref<10112x128xf32, #tpu.memory_space<vmem_shared>>
        tpu.wait_indirect_dma semaphore(%run_scoped3A_254 : memref<!tpu.dma_semaphore, #tpu.memory_space<semaphore_mem>>) src(%arg7 : memref<128x128xf32, #tpu.memory_space<vmem>>) dst(%dma_wait3A_266 : memref<10112x128xf32, #tpu.memory_space<vmem_shared>>)
        tpu.yield
      }) : () -> ()
      %dma_start3A_186 = arith.constant 12 : i32
      %dma_start3A_187 = arith.constant 0 : i32
      %dma_start3A_188 = tpu.memref_slice %arg6[%dma_start3A_186, %dma_start3A_187] : memref<32x128xi32, #tpu.memory_space<vmem>> -> memref<1x128xi32, #tpu.memory_space<vmem>>
      %dma_start3A_189 = tpu.memref_squeeze %dma_start3A_188 : memref<1x128xi32, #tpu.memory_space<vmem>> -> memref<128xi32, #tpu.memory_space<vmem>>
      %dma_start3A_190 = arith.constant 0 : i32
      %dma_start3A_191 = arith.constant 0 : i32
      %dma_start3A_192 = tpu.memref_slice %arg2[%dma_start3A_190, %dma_start3A_191] : memref<10000x128xf32, #tpu.memory_space<hbm>> -> memref<10000x128xf32, #tpu.memory_space<hbm>>
      tpu.enqueue_indirect_dma source(%dma_start3A_192 : memref<10000x128xf32, #tpu.memory_space<hbm>>) target(%arg7 : memref<128x128xf32, #tpu.memory_space<vmem>>) offsets(%dma_start3A_189 : memref<128xi32, #tpu.memory_space<vmem>>) semaphore(%arg10 : memref<!tpu.dma_semaphore, #tpu.memory_space<semaphore_mem>>)
      %dma_wait3A_193 = arith.constant 11 : i32
      %dma_wait3A_194 = arith.constant 0 : i32
      %dma_wait3A_195 = tpu.memref_slice %arg6[%dma_wait3A_193, %dma_wait3A_194] : memref<32x128xi32, #tpu.memory_space<vmem>> -> memref<1x128xi32, #tpu.memory_space<vmem>>
      %dma_wait3A_196 = tpu.memref_squeeze %dma_wait3A_195 : memref<1x128xi32, #tpu.memory_space<vmem>> -> memref<128xi32, #tpu.memory_space<vmem>>
      %dma_wait3A_197 = arith.constant 0 : i32
      %dma_wait3A_198 = arith.constant 0 : i32
      %dma_wait3A_199 = tpu.memref_slice %arg2[%dma_wait3A_197, %dma_wait3A_198] : memref<10000x128xf32, #tpu.memory_space<hbm>> -> memref<10000x128xf32, #tpu.memory_space<hbm>>
      tpu.wait_indirect_dma semaphore(%arg11 : memref<!tpu.dma_semaphore, #tpu.memory_space<semaphore_mem>>) src(%dma_wait3A_199 : memref<10000x128xf32, #tpu.memory_space<hbm>>) dst(%arg8 : memref<128x128xf32, #tpu.memory_space<vmem>>)
      %run_scoped3A_200 = arith.constant 27 : i32
      "tpu.region"() ({
        %run_scoped3A_254 = tpu.sem_alloc : memref<!tpu.dma_semaphore, #tpu.memory_space<semaphore_mem>>
        %dma_start3A_255 = arith.constant 0 : i32
        %dma_start3A_256 = tpu.memref_slice %arg6[%run_scoped3A_200, %dma_start3A_255] : memref<32x128xi32, #tpu.memory_space<vmem>> -> memref<1x128xi32, #tpu.memory_space<vmem>>
        %dma_start3A_257 = tpu.memref_squeeze %dma_start3A_256 : memref<1x128xi32, #tpu.memory_space<vmem>> -> memref<128xi32, #tpu.memory_space<vmem>>
        %dma_start3A_258 = arith.constant 0 : i32
        %dma_start3A_259 = arith.constant 0 : i32
        %dma_start3A_260 = tpu.memref_slice %arg9[%dma_start3A_258, %dma_start3A_259] : memref<10112x128xf32, #tpu.memory_space<vmem_shared>> -> memref<10112x128xf32, #tpu.memory_space<vmem_shared>>
        tpu.enqueue_indirect_dma source(%arg8 : memref<128x128xf32, #tpu.memory_space<vmem>>) target(%dma_start3A_260 : memref<10112x128xf32, #tpu.memory_space<vmem_shared>>) offsets(%dma_start3A_257 : memref<128xi32, #tpu.memory_space<vmem>>) semaphore(%run_scoped3A_254 : memref<!tpu.dma_semaphore, #tpu.memory_space<semaphore_mem>>) {add = true}
        %dma_wait3A_261 = arith.constant 0 : i32
        %dma_wait3A_262 = tpu.memref_slice %arg6[%run_scoped3A_200, %dma_wait3A_261] : memref<32x128xi32, #tpu.memory_space<vmem>> -> memref<1x128xi32, #tpu.memory_space<vmem>>
        %dma_wait3A_263 = tpu.memref_squeeze %dma_wait3A_262 : memref<1x128xi32, #tpu.memory_space<vmem>> -> memref<128xi32, #tpu.memory_space<vmem>>
        %dma_wait3A_264 = arith.constant 0 : i32
        %dma_wait3A_265 = arith.constant 0 : i32
        %dma_wait3A_266 = tpu.memref_slice %arg9[%dma_wait3A_264, %dma_wait3A_265] : memref<10112x128xf32, #tpu.memory_space<vmem_shared>> -> memref<10112x128xf32, #tpu.memory_space<vmem_shared>>
        tpu.wait_indirect_dma semaphore(%run_scoped3A_254 : memref<!tpu.dma_semaphore, #tpu.memory_space<semaphore_mem>>) src(%arg8 : memref<128x128xf32, #tpu.memory_space<vmem>>) dst(%dma_wait3A_266 : memref<10112x128xf32, #tpu.memory_space<vmem_shared>>)
        tpu.yield
      }) : () -> ()
      %dma_start3A_201 = arith.constant 13 : i32
      %dma_start3A_202 = arith.constant 0 : i32
      %dma_start3A_203 = tpu.memref_slice %arg6[%dma_start3A_201, %dma_start3A_202] : memref<32x128xi32, #tpu.memory_space<vmem>> -> memref<1x128xi32, #tpu.memory_space<vmem>>
      %dma_start3A_204 = tpu.memref_squeeze %dma_start3A_203 : memref<1x128xi32, #tpu.memory_space<vmem>> -> memref<128xi32, #tpu.memory_space<vmem>>
      %dma_start3A_205 = arith.constant 0 : i32
      %dma_start3A_206 = arith.constant 0 : i32
      %dma_start3A_207 = tpu.memref_slice %arg2[%dma_start3A_205, %dma_start3A_206] : memref<10000x128xf32, #tpu.memory_space<hbm>> -> memref<10000x128xf32, #tpu.memory_space<hbm>>
      tpu.enqueue_indirect_dma source(%dma_start3A_207 : memref<10000x128xf32, #tpu.memory_space<hbm>>) target(%arg8 : memref<128x128xf32, #tpu.memory_space<vmem>>) offsets(%dma_start3A_204 : memref<128xi32, #tpu.memory_space<vmem>>) semaphore(%arg11 : memref<!tpu.dma_semaphore, #tpu.memory_space<semaphore_mem>>)
      %dma_wait3A_208 = arith.constant 12 : i32
      %dma_wait3A_209 = arith.constant 0 : i32
      %dma_wait3A_210 = tpu.memref_slice %arg6[%dma_wait3A_208, %dma_wait3A_209] : memref<32x128xi32, #tpu.memory_space<vmem>> -> memref<1x128xi32, #tpu.memory_space<vmem>>
      %dma_wait3A_211 = tpu.memref_squeeze %dma_wait3A_210 : memref<1x128xi32, #tpu.memory_space<vmem>> -> memref<128xi32, #tpu.memory_space<vmem>>
      %dma_wait3A_212 = arith.constant 0 : i32
      %dma_wait3A_213 = arith.constant 0 : i32
      %dma_wait3A_214 = tpu.memref_slice %arg2[%dma_wait3A_212, %dma_wait3A_213] : memref<10000x128xf32, #tpu.memory_space<hbm>> -> memref<10000x128xf32, #tpu.memory_space<hbm>>
      tpu.wait_indirect_dma semaphore(%arg10 : memref<!tpu.dma_semaphore, #tpu.memory_space<semaphore_mem>>) src(%dma_wait3A_214 : memref<10000x128xf32, #tpu.memory_space<hbm>>) dst(%arg7 : memref<128x128xf32, #tpu.memory_space<vmem>>)
      %run_scoped3A_215 = arith.constant 28 : i32
      "tpu.region"() ({
        %run_scoped3A_254 = tpu.sem_alloc : memref<!tpu.dma_semaphore, #tpu.memory_space<semaphore_mem>>
        %dma_start3A_255 = arith.constant 0 : i32
        %dma_start3A_256 = tpu.memref_slice %arg6[%run_scoped3A_215, %dma_start3A_255] : memref<32x128xi32, #tpu.memory_space<vmem>> -> memref<1x128xi32, #tpu.memory_space<vmem>>
        %dma_start3A_257 = tpu.memref_squeeze %dma_start3A_256 : memref<1x128xi32, #tpu.memory_space<vmem>> -> memref<128xi32, #tpu.memory_space<vmem>>
        %dma_start3A_258 = arith.constant 0 : i32
        %dma_start3A_259 = arith.constant 0 : i32
        %dma_start3A_260 = tpu.memref_slice %arg9[%dma_start3A_258, %dma_start3A_259] : memref<10112x128xf32, #tpu.memory_space<vmem_shared>> -> memref<10112x128xf32, #tpu.memory_space<vmem_shared>>
        tpu.enqueue_indirect_dma source(%arg7 : memref<128x128xf32, #tpu.memory_space<vmem>>) target(%dma_start3A_260 : memref<10112x128xf32, #tpu.memory_space<vmem_shared>>) offsets(%dma_start3A_257 : memref<128xi32, #tpu.memory_space<vmem>>) semaphore(%run_scoped3A_254 : memref<!tpu.dma_semaphore, #tpu.memory_space<semaphore_mem>>) {add = true}
        %dma_wait3A_261 = arith.constant 0 : i32
        %dma_wait3A_262 = tpu.memref_slice %arg6[%run_scoped3A_215, %dma_wait3A_261] : memref<32x128xi32, #tpu.memory_space<vmem>> -> memref<1x128xi32, #tpu.memory_space<vmem>>
        %dma_wait3A_263 = tpu.memref_squeeze %dma_wait3A_262 : memref<1x128xi32, #tpu.memory_space<vmem>> -> memref<128xi32, #tpu.memory_space<vmem>>
        %dma_wait3A_264 = arith.constant 0 : i32
        %dma_wait3A_265 = arith.constant 0 : i32
        %dma_wait3A_266 = tpu.memref_slice %arg9[%dma_wait3A_264, %dma_wait3A_265] : memref<10112x128xf32, #tpu.memory_space<vmem_shared>> -> memref<10112x128xf32, #tpu.memory_space<vmem_shared>>
        tpu.wait_indirect_dma semaphore(%run_scoped3A_254 : memref<!tpu.dma_semaphore, #tpu.memory_space<semaphore_mem>>) src(%arg7 : memref<128x128xf32, #tpu.memory_space<vmem>>) dst(%dma_wait3A_266 : memref<10112x128xf32, #tpu.memory_space<vmem_shared>>)
        tpu.yield
      }) : () -> ()
      %dma_start3A_216 = arith.constant 14 : i32
      %dma_start3A_217 = arith.constant 0 : i32
      %dma_start3A_218 = tpu.memref_slice %arg6[%dma_start3A_216, %dma_start3A_217] : memref<32x128xi32, #tpu.memory_space<vmem>> -> memref<1x128xi32, #tpu.memory_space<vmem>>
      %dma_start3A_219 = tpu.memref_squeeze %dma_start3A_218 : memref<1x128xi32, #tpu.memory_space<vmem>> -> memref<128xi32, #tpu.memory_space<vmem>>
      %dma_start3A_220 = arith.constant 0 : i32
      %dma_start3A_221 = arith.constant 0 : i32
      %dma_start3A_222 = tpu.memref_slice %arg2[%dma_start3A_220, %dma_start3A_221] : memref<10000x128xf32, #tpu.memory_space<hbm>> -> memref<10000x128xf32, #tpu.memory_space<hbm>>
      tpu.enqueue_indirect_dma source(%dma_start3A_222 : memref<10000x128xf32, #tpu.memory_space<hbm>>) target(%arg7 : memref<128x128xf32, #tpu.memory_space<vmem>>) offsets(%dma_start3A_219 : memref<128xi32, #tpu.memory_space<vmem>>) semaphore(%arg10 : memref<!tpu.dma_semaphore, #tpu.memory_space<semaphore_mem>>)
      %dma_wait3A_223 = arith.constant 13 : i32
      %dma_wait3A_224 = arith.constant 0 : i32
      %dma_wait3A_225 = tpu.memref_slice %arg6[%dma_wait3A_223, %dma_wait3A_224] : memref<32x128xi32, #tpu.memory_space<vmem>> -> memref<1x128xi32, #tpu.memory_space<vmem>>
      %dma_wait3A_226 = tpu.memref_squeeze %dma_wait3A_225 : memref<1x128xi32, #tpu.memory_space<vmem>> -> memref<128xi32, #tpu.memory_space<vmem>>
      %dma_wait3A_227 = arith.constant 0 : i32
      %dma_wait3A_228 = arith.constant 0 : i32
      %dma_wait3A_229 = tpu.memref_slice %arg2[%dma_wait3A_227, %dma_wait3A_228] : memref<10000x128xf32, #tpu.memory_space<hbm>> -> memref<10000x128xf32, #tpu.memory_space<hbm>>
      tpu.wait_indirect_dma semaphore(%arg11 : memref<!tpu.dma_semaphore, #tpu.memory_space<semaphore_mem>>) src(%dma_wait3A_229 : memref<10000x128xf32, #tpu.memory_space<hbm>>) dst(%arg8 : memref<128x128xf32, #tpu.memory_space<vmem>>)
      %run_scoped3A_230 = arith.constant 29 : i32
      "tpu.region"() ({
        %run_scoped3A_254 = tpu.sem_alloc : memref<!tpu.dma_semaphore, #tpu.memory_space<semaphore_mem>>
        %dma_start3A_255 = arith.constant 0 : i32
        %dma_start3A_256 = tpu.memref_slice %arg6[%run_scoped3A_230, %dma_start3A_255] : memref<32x128xi32, #tpu.memory_space<vmem>> -> memref<1x128xi32, #tpu.memory_space<vmem>>
        %dma_start3A_257 = tpu.memref_squeeze %dma_start3A_256 : memref<1x128xi32, #tpu.memory_space<vmem>> -> memref<128xi32, #tpu.memory_space<vmem>>
        %dma_start3A_258 = arith.constant 0 : i32
        %dma_start3A_259 = arith.constant 0 : i32
        %dma_start3A_260 = tpu.memref_slice %arg9[%dma_start3A_258, %dma_start3A_259] : memref<10112x128xf32, #tpu.memory_space<vmem_shared>> -> memref<10112x128xf32, #tpu.memory_space<vmem_shared>>
        tpu.enqueue_indirect_dma source(%arg8 : memref<128x128xf32, #tpu.memory_space<vmem>>) target(%dma_start3A_260 : memref<10112x128xf32, #tpu.memory_space<vmem_shared>>) offsets(%dma_start3A_257 : memref<128xi32, #tpu.memory_space<vmem>>) semaphore(%run_scoped3A_254 : memref<!tpu.dma_semaphore, #tpu.memory_space<semaphore_mem>>) {add = true}
        %dma_wait3A_261 = arith.constant 0 : i32
        %dma_wait3A_262 = tpu.memref_slice %arg6[%run_scoped3A_230, %dma_wait3A_261] : memref<32x128xi32, #tpu.memory_space<vmem>> -> memref<1x128xi32, #tpu.memory_space<vmem>>
        %dma_wait3A_263 = tpu.memref_squeeze %dma_wait3A_262 : memref<1x128xi32, #tpu.memory_space<vmem>> -> memref<128xi32, #tpu.memory_space<vmem>>
        %dma_wait3A_264 = arith.constant 0 : i32
        %dma_wait3A_265 = arith.constant 0 : i32
        %dma_wait3A_266 = tpu.memref_slice %arg9[%dma_wait3A_264, %dma_wait3A_265] : memref<10112x128xf32, #tpu.memory_space<vmem_shared>> -> memref<10112x128xf32, #tpu.memory_space<vmem_shared>>
        tpu.wait_indirect_dma semaphore(%run_scoped3A_254 : memref<!tpu.dma_semaphore, #tpu.memory_space<semaphore_mem>>) src(%arg8 : memref<128x128xf32, #tpu.memory_space<vmem>>) dst(%dma_wait3A_266 : memref<10112x128xf32, #tpu.memory_space<vmem_shared>>)
        tpu.yield
      }) : () -> ()
      %dma_start3A_231 = arith.constant 15 : i32
      %dma_start3A_232 = arith.constant 0 : i32
      %dma_start3A_233 = tpu.memref_slice %arg6[%dma_start3A_231, %dma_start3A_232] : memref<32x128xi32, #tpu.memory_space<vmem>> -> memref<1x128xi32, #tpu.memory_space<vmem>>
      %dma_start3A_234 = tpu.memref_squeeze %dma_start3A_233 : memref<1x128xi32, #tpu.memory_space<vmem>> -> memref<128xi32, #tpu.memory_space<vmem>>
      %dma_start3A_235 = arith.constant 0 : i32
      %dma_start3A_236 = arith.constant 0 : i32
      %dma_start3A_237 = tpu.memref_slice %arg2[%dma_start3A_235, %dma_start3A_236] : memref<10000x128xf32, #tpu.memory_space<hbm>> -> memref<10000x128xf32, #tpu.memory_space<hbm>>
      tpu.enqueue_indirect_dma source(%dma_start3A_237 : memref<10000x128xf32, #tpu.memory_space<hbm>>) target(%arg8 : memref<128x128xf32, #tpu.memory_space<vmem>>) offsets(%dma_start3A_234 : memref<128xi32, #tpu.memory_space<vmem>>) semaphore(%arg11 : memref<!tpu.dma_semaphore, #tpu.memory_space<semaphore_mem>>)
      %dma_wait3A_238 = arith.constant 14 : i32
      %dma_wait3A_239 = arith.constant 0 : i32
      %dma_wait3A_240 = tpu.memref_slice %arg6[%dma_wait3A_238, %dma_wait3A_239] : memref<32x128xi32, #tpu.memory_space<vmem>> -> memref<1x128xi32, #tpu.memory_space<vmem>>
      %dma_wait3A_241 = tpu.memref_squeeze %dma_wait3A_240 : memref<1x128xi32, #tpu.memory_space<vmem>> -> memref<128xi32, #tpu.memory_space<vmem>>
      %dma_wait3A_242 = arith.constant 0 : i32
      %dma_wait3A_243 = arith.constant 0 : i32
      %dma_wait3A_244 = tpu.memref_slice %arg2[%dma_wait3A_242, %dma_wait3A_243] : memref<10000x128xf32, #tpu.memory_space<hbm>> -> memref<10000x128xf32, #tpu.memory_space<hbm>>
      tpu.wait_indirect_dma semaphore(%arg10 : memref<!tpu.dma_semaphore, #tpu.memory_space<semaphore_mem>>) src(%dma_wait3A_244 : memref<10000x128xf32, #tpu.memory_space<hbm>>) dst(%arg7 : memref<128x128xf32, #tpu.memory_space<vmem>>)
      %run_scoped3A_245 = arith.constant 30 : i32
      "tpu.region"() ({
        %run_scoped3A_254 = tpu.sem_alloc : memref<!tpu.dma_semaphore, #tpu.memory_space<semaphore_mem>>
        %dma_start3A_255 = arith.constant 0 : i32
        %dma_start3A_256 = tpu.memref_slice %arg6[%run_scoped3A_245, %dma_start3A_255] : memref<32x128xi32, #tpu.memory_space<vmem>> -> memref<1x128xi32, #tpu.memory_space<vmem>>
        %dma_start3A_257 = tpu.memref_squeeze %dma_start3A_256 : memref<1x128xi32, #tpu.memory_space<vmem>> -> memref<128xi32, #tpu.memory_space<vmem>>
        %dma_start3A_258 = arith.constant 0 : i32
        %dma_start3A_259 = arith.constant 0 : i32
        %dma_start3A_260 = tpu.memref_slice %arg9[%dma_start3A_258, %dma_start3A_259] : memref<10112x128xf32, #tpu.memory_space<vmem_shared>> -> memref<10112x128xf32, #tpu.memory_space<vmem_shared>>
        tpu.enqueue_indirect_dma source(%arg7 : memref<128x128xf32, #tpu.memory_space<vmem>>) target(%dma_start3A_260 : memref<10112x128xf32, #tpu.memory_space<vmem_shared>>) offsets(%dma_start3A_257 : memref<128xi32, #tpu.memory_space<vmem>>) semaphore(%run_scoped3A_254 : memref<!tpu.dma_semaphore, #tpu.memory_space<semaphore_mem>>) {add = true}
        %dma_wait3A_261 = arith.constant 0 : i32
        %dma_wait3A_262 = tpu.memref_slice %arg6[%run_scoped3A_245, %dma_wait3A_261] : memref<32x128xi32, #tpu.memory_space<vmem>> -> memref<1x128xi32, #tpu.memory_space<vmem>>
        %dma_wait3A_263 = tpu.memref_squeeze %dma_wait3A_262 : memref<1x128xi32, #tpu.memory_space<vmem>> -> memref<128xi32, #tpu.memory_space<vmem>>
        %dma_wait3A_264 = arith.constant 0 : i32
        %dma_wait3A_265 = arith.constant 0 : i32
        %dma_wait3A_266 = tpu.memref_slice %arg9[%dma_wait3A_264, %dma_wait3A_265] : memref<10112x128xf32, #tpu.memory_space<vmem_shared>> -> memref<10112x128xf32, #tpu.memory_space<vmem_shared>>
        tpu.wait_indirect_dma semaphore(%run_scoped3A_254 : memref<!tpu.dma_semaphore, #tpu.memory_space<semaphore_mem>>) src(%arg7 : memref<128x128xf32, #tpu.memory_space<vmem>>) dst(%dma_wait3A_266 : memref<10112x128xf32, #tpu.memory_space<vmem_shared>>)
        tpu.yield
      }) : () -> ()
      %dma_wait3A_246 = arith.constant 15 : i32
      %dma_wait3A_247 = arith.constant 0 : i32
      %dma_wait3A_248 = tpu.memref_slice %arg6[%dma_wait3A_246, %dma_wait3A_247] : memref<32x128xi32, #tpu.memory_space<vmem>> -> memref<1x128xi32, #tpu.memory_space<vmem>>
      %dma_wait3A_249 = tpu.memref_squeeze %dma_wait3A_248 : memref<1x128xi32, #tpu.memory_space<vmem>> -> memref<128xi32, #tpu.memory_space<vmem>>
      %dma_wait3A_250 = arith.constant 0 : i32
      %dma_wait3A_251 = arith.constant 0 : i32
      %dma_wait3A_252 = tpu.memref_slice %arg2[%dma_wait3A_250, %dma_wait3A_251] : memref<10000x128xf32, #tpu.memory_space<hbm>> -> memref<10000x128xf32, #tpu.memory_space<hbm>>
      tpu.wait_indirect_dma semaphore(%arg11 : memref<!tpu.dma_semaphore, #tpu.memory_space<semaphore_mem>>) src(%dma_wait3A_252 : memref<10000x128xf32, #tpu.memory_space<hbm>>) dst(%arg8 : memref<128x128xf32, #tpu.memory_space<vmem>>)
      %run_scoped3A_253 = arith.constant 31 : i32
      "tpu.region"() ({
        %run_scoped3A_254 = tpu.sem_alloc : memref<!tpu.dma_semaphore, #tpu.memory_space<semaphore_mem>>
        %dma_start3A_255 = arith.constant 0 : i32
        %dma_start3A_256 = tpu.memref_slice %arg6[%run_scoped3A_253, %dma_start3A_255] : memref<32x128xi32, #tpu.memory_space<vmem>> -> memref<1x128xi32, #tpu.memory_space<vmem>>
        %dma_start3A_257 = tpu.memref_squeeze %dma_start3A_256 : memref<1x128xi32, #tpu.memory_space<vmem>> -> memref<128xi32, #tpu.memory_space<vmem>>
        %dma_start3A_258 = arith.constant 0 : i32
        %dma_start3A_259 = arith.constant 0 : i32
        %dma_start3A_260 = tpu.memref_slice %arg9[%dma_start3A_258, %dma_start3A_259] : memref<10112x128xf32, #tpu.memory_space<vmem_shared>> -> memref<10112x128xf32, #tpu.memory_space<vmem_shared>>
        tpu.enqueue_indirect_dma source(%arg8 : memref<128x128xf32, #tpu.memory_space<vmem>>) target(%dma_start3A_260 : memref<10112x128xf32, #tpu.memory_space<vmem_shared>>) offsets(%dma_start3A_257 : memref<128xi32, #tpu.memory_space<vmem>>) semaphore(%run_scoped3A_254 : memref<!tpu.dma_semaphore, #tpu.memory_space<semaphore_mem>>) {add = true}
        %dma_wait3A_261 = arith.constant 0 : i32
        %dma_wait3A_262 = tpu.memref_slice %arg6[%run_scoped3A_253, %dma_wait3A_261] : memref<32x128xi32, #tpu.memory_space<vmem>> -> memref<1x128xi32, #tpu.memory_space<vmem>>
        %dma_wait3A_263 = tpu.memref_squeeze %dma_wait3A_262 : memref<1x128xi32, #tpu.memory_space<vmem>> -> memref<128xi32, #tpu.memory_space<vmem>>
        %dma_wait3A_264 = arith.constant 0 : i32
        %dma_wait3A_265 = arith.constant 0 : i32
        %dma_wait3A_266 = tpu.memref_slice %arg9[%dma_wait3A_264, %dma_wait3A_265] : memref<10112x128xf32, #tpu.memory_space<vmem_shared>> -> memref<10112x128xf32, #tpu.memory_space<vmem_shared>>
        tpu.wait_indirect_dma semaphore(%run_scoped3A_254 : memref<!tpu.dma_semaphore, #tpu.memory_space<semaphore_mem>>) src(%arg8 : memref<128x128xf32, #tpu.memory_space<vmem>>) dst(%dma_wait3A_266 : memref<10112x128xf32, #tpu.memory_space<vmem_shared>>)
        tpu.yield
      }) : () -> ()
    }
    %scan3A_7 = arith.constant 5 : i32
    %barrier3A_8 = arith.constant 0 : index
    tpu.barrier barrier_id(%barrier3A_8)
    "tpu.region"() ({
      %run_scoped3A = tpu.sem_alloc : memref<!tpu.dma_semaphore, #tpu.memory_space<semaphore_mem>>
      %dma_start3A = arith.constant 0 : i32
      %dma_start3A_9 = tpu.memref_slice %arg5[%mul3A_2, %arg0, %dma_start3A] : memref<10112x2x128xf32, #tpu.memory_space<hbm>> -> memref<632x1x128xf32, #tpu.memory_space<hbm>>
      %dma_start3A_10 = tpu.memref_squeeze %dma_start3A_9 : memref<632x1x128xf32, #tpu.memory_space<hbm>> -> memref<632x128xf32, #tpu.memory_space<hbm>>
      %dma_start3A_11 = arith.constant 0 : i32
      %dma_start3A_12 = tpu.memref_slice %arg9[%mul3A_2, %dma_start3A_11] : memref<10112x128xf32, #tpu.memory_space<vmem_shared>> -> memref<632x128xf32, #tpu.memory_space<vmem_shared>>
      tpu.enqueue_dma source(%dma_start3A_12 : memref<632x128xf32, #tpu.memory_space<vmem_shared>>) target(%dma_start3A_10 : memref<632x128xf32, #tpu.memory_space<hbm>>) target_semaphore(%run_scoped3A : memref<!tpu.dma_semaphore, #tpu.memory_space<semaphore_mem>>)
      %dma_wait3A = arith.constant 0 : i32
      %dma_wait3A_13 = tpu.memref_slice %arg5[%mul3A_2, %arg0, %dma_wait3A] : memref<10112x2x128xf32, #tpu.memory_space<hbm>> -> memref<632x1x128xf32, #tpu.memory_space<hbm>>
      %dma_wait3A_14 = tpu.memref_squeeze %dma_wait3A_13 : memref<632x1x128xf32, #tpu.memory_space<hbm>> -> memref<632x128xf32, #tpu.memory_space<hbm>>
      %dma_wait3A_15 = arith.constant 0 : i32
      %dma_wait3A_16 = tpu.memref_slice %arg9[%mul3A_2, %dma_wait3A_15] : memref<10112x128xf32, #tpu.memory_space<vmem_shared>> -> memref<632x128xf32, #tpu.memory_space<vmem_shared>>
      tpu.wait_dma2 semaphore(%run_scoped3A : memref<!tpu.dma_semaphore, #tpu.memory_space<semaphore_mem>>) src(%dma_wait3A_16 : memref<632x128xf32, #tpu.memory_space<vmem_shared>>) dst(%dma_wait3A_14 : memref<632x128xf32, #tpu.memory_space<hbm>>)
      tpu.yield
    }) : () -> ()
    return
  }
}

module attributes {stable_mosaic.version = 14 : i64} {
  func.func @_mid_body(%arg0: i32, %arg1: memref<1000x2x128xf32, #tpu.memory_space<vmem>>, %arg2: memref<1000x1xf32, #tpu.memory_space<vmem>>, %arg3: memref<1000x1xf32, #tpu.memory_space<vmem>>, %arg4: memref<1000x128xf32, #tpu.memory_space<vmem>>, %arg5: memref<128x128xf32, #tpu.memory_space<vmem>>, %arg6: memref<128x128xf32, #tpu.memory_space<vmem>>, %arg7: memref<1x128xf32, #tpu.memory_space<vmem>>, %arg8: memref<1000x128xf32, #tpu.memory_space<vmem>>) attributes {dimension_semantics = [#tpu.dimension_semantics<arbitrary>], iteration_bounds = array<i64: 10>, scalar_prefetch = 0 : i64, scratch_operands = 0 : i64, tpu.core_type = #tpu.core_type<tc>, window_params = [{transform_indices = @transform_0, window_bounds = array<i64: 1000, 2, 128>}, {transform_indices = @transform_1, window_bounds = array<i64: 1000, 1>}, {transform_indices = @transform_2, window_bounds = array<i64: 1000, 1>}, {transform_indices = @transform_3, window_bounds = array<i64: 1000, 128>}, {pipeline_mode = #tpu.pipeline_mode<synchronous>, transform_indices = @transform_4, window_bounds = array<i64: 128, 128>}, {pipeline_mode = #tpu.pipeline_mode<synchronous>, transform_indices = @transform_5, window_bounds = array<i64: 128, 128>}, {pipeline_mode = #tpu.pipeline_mode<synchronous>, transform_indices = @transform_6, window_bounds = array<i64: 1, 128>}, {transform_indices = @transform_7, window_bounds = array<i64: 1000, 128>}]} {
    %get3A = arith.constant 0 : index
    %get3A_0 = arith.constant 0 : index
    %get3A_1 = vector.load %arg2[%get3A, %get3A_0] : memref<1000x1xf32, #tpu.memory_space<vmem>>, vector<1000x1xf32>
    %get3A_2 = arith.constant 0 : index
    %get3A_3 = arith.constant 0 : index
    %get3A_4 = vector.load %arg3[%get3A_2, %get3A_3] : memref<1000x1xf32, #tpu.memory_space<vmem>>, vector<1000x1xf32>
    %add3A = arith.addf %get3A_1, %get3A_4 : vector<1000x1xf32>
    %max3A = arith.constant 1.000000e+00 : f32
    %max3A_5 = vector.broadcast %max3A : f32 to vector<1000x1xf32>
    %max3A_6 = arith.maximumf %add3A, %max3A_5 : vector<1000x1xf32>
    %div3A = arith.constant 1.000000e+00 : f32
    %div3A_7 = vector.broadcast %div3A : f32 to vector<1000x1xf32>
    %div3A_8 = arith.divf %div3A_7, %max3A_6 : vector<1000x1xf32>
    %get3A_9 = arith.constant 0 : index
    %get3A_10 = arith.constant 0 : index
    %get3A_11 = arith.constant 0 : index
    %get3A_12 = vector.load %arg1[%get3A_9, %get3A_10, %get3A_11] : memref<1000x2x128xf32, #tpu.memory_space<vmem>>, vector<1000x2x128xf32>
    %slice3A = vector.extract_strided_slice %get3A_12 {offsets = [0, 0, 0], sizes = [1000, 1, 128], strides = [1, 1, 1]} : vector<1000x2x128xf32> to vector<1000x1x128xf32>
    %squeeze3A = vector.shape_cast %slice3A : vector<1000x1x128xf32> to vector<1000x128xf32>
    %slice3A_13 = vector.extract_strided_slice %get3A_12 {offsets = [0, 1, 0], sizes = [1000, 1, 128], strides = [1, 1, 1]} : vector<1000x2x128xf32> to vector<1000x1x128xf32>
    %squeeze3A_14 = vector.shape_cast %slice3A_13 : vector<1000x1x128xf32> to vector<1000x128xf32>
    %add3A_15 = arith.addf %squeeze3A, %squeeze3A_14 : vector<1000x128xf32>
    %mul3A = vector.broadcast %div3A_8 : vector<1000x1xf32> to vector<1000x128xf32>
    %mul3A_16 = arith.mulf %add3A_15, %mul3A : vector<1000x128xf32>
    %get3A_17 = arith.constant 0 : index
    %get3A_18 = arith.constant 0 : index
    %get3A_19 = vector.load %arg5[%get3A_17, %get3A_18] : memref<128x128xf32, #tpu.memory_space<vmem>>, vector<128x128xf32>
    %dot_general3A = arith.constant dense<0.000000e+00> : vector<1000x128xf32>
    %dot_general3A_20 = tpu.matmul %mul3A_16, %get3A_19, %dot_general3A {dimension_numbers = #tpu.dot_dimension_numbers<[1], [1], [0], [0], [0, 0, 1, 0], [], []>, precision = #tpu.contract_precision<fp32>, transpose_lhs_hint = false} : vector<1000x128xf32>, vector<128x128xf32>, vector<1000x128xf32> -> vector<1000x128xf32>
    %get3A_21 = arith.constant 0 : index
    %get3A_22 = arith.constant 0 : index
    %get3A_23 = vector.load %arg7[%get3A_21, %get3A_22] : memref<1x128xf32, #tpu.memory_space<vmem>>, vector<1x128xf32>
    %add3A_24 = vector.broadcast %get3A_23 : vector<1x128xf32> to vector<1000x128xf32>
    %add3A_25 = arith.addf %dot_general3A_20, %add3A_24 : vector<1000x128xf32>
    %get3A_26 = arith.constant 0 : index
    %get3A_27 = arith.constant 0 : index
    %get3A_28 = vector.load %arg4[%get3A_26, %get3A_27] : memref<1000x128xf32, #tpu.memory_space<vmem>>, vector<1000x128xf32>
    %get3A_29 = arith.constant 0 : index
    %get3A_30 = arith.constant 0 : index
    %get3A_31 = vector.load %arg6[%get3A_29, %get3A_30] : memref<128x128xf32, #tpu.memory_space<vmem>>, vector<128x128xf32>
    %dot_general3A_32 = arith.constant dense<0.000000e+00> : vector<1000x128xf32>
    %dot_general3A_33 = tpu.matmul %get3A_28, %get3A_31, %dot_general3A_32 {dimension_numbers = #tpu.dot_dimension_numbers<[1], [1], [0], [0], [0, 0, 1, 0], [], []>, precision = #tpu.contract_precision<fp32>, transpose_lhs_hint = false} : vector<1000x128xf32>, vector<128x128xf32>, vector<1000x128xf32> -> vector<1000x128xf32>
    %add3A_34 = arith.addf %add3A_25, %dot_general3A_33 : vector<1000x128xf32>
    %max3A_35 = arith.constant 0.000000e+00 : f32
    %max3A_36 = vector.broadcast %max3A_35 : f32 to vector<1000x128xf32>
    %max3A_37 = arith.maximumf %add3A_34, %max3A_36 : vector<1000x128xf32>
    %swap3A = arith.constant 0 : index
    %swap3A_38 = arith.constant 0 : index
    %swap3A_39 = vector.load %arg8[%swap3A, %swap3A_38] : memref<1000x128xf32, #tpu.memory_space<vmem>>, vector<1000x128xf32>
    tpu.vector_store %arg8[%swap3A, %swap3A_38], %max3A_37 {strides = array<i32>} : memref<1000x128xf32, #tpu.memory_space<vmem>>, vector<1000x128xf32>,
    return
  }
  func.func @transform_0(%arg0: i32) -> (i32, i32, i32) {
    %c0_i32 = arith.constant 0 : i32
    %c0_i32_0 = arith.constant 0 : i32
    %c0_i32_1 = arith.constant 0 : i32
    return %arg0, %c0_i32, %c0_i32_0 : i32, i32, i32
  }
  func.func @transform_1(%arg0: i32) -> (i32, i32) {
    %c0_i32 = arith.constant 0 : i32
    %c0_i32_0 = arith.constant 0 : i32
    return %arg0, %c0_i32 : i32, i32
  }
  func.func @transform_2(%arg0: i32) -> (i32, i32) {
    %c0_i32 = arith.constant 0 : i32
    %c0_i32_0 = arith.constant 0 : i32
    return %arg0, %c0_i32 : i32, i32
  }
  func.func @transform_3(%arg0: i32) -> (i32, i32) {
    %c0_i32 = arith.constant 0 : i32
    %c0_i32_0 = arith.constant 0 : i32
    return %arg0, %c0_i32 : i32, i32
  }
  func.func @transform_4(%arg0: i32) -> (i32, i32) {
    %c0_i32 = arith.constant 0 : i32
    %c0_i32_0 = arith.constant 0 : i32
    %c0_i32_1 = arith.constant 0 : i32
    return %c0_i32, %c0_i32_0 : i32, i32
  }
  func.func @transform_5(%arg0: i32) -> (i32, i32) {
    %c0_i32 = arith.constant 0 : i32
    %c0_i32_0 = arith.constant 0 : i32
    %c0_i32_1 = arith.constant 0 : i32
    return %c0_i32, %c0_i32_0 : i32, i32
  }
  func.func @transform_6(%arg0: i32) -> (i32, i32) {
    %c0_i32 = arith.constant 0 : i32
    %c0_i32_0 = arith.constant 0 : i32
    %c0_i32_1 = arith.constant 0 : i32
    return %c0_i32, %c0_i32_0 : i32, i32
  }
  func.func @transform_7(%arg0: i32) -> (i32, i32) {
    %c0_i32 = arith.constant 0 : i32
    %c0_i32_0 = arith.constant 0 : i32
    return %arg0, %c0_i32 : i32, i32
  }
}

module attributes {stable_mosaic.version = 14 : i64} {
  func.func @_fin_body(%arg0: i32, %arg1: memref<1000x2x128xf32, #tpu.memory_space<vmem>>, %arg2: memref<1000x1xf32, #tpu.memory_space<vmem>>, %arg3: memref<1000x1xf32, #tpu.memory_space<vmem>>, %arg4: memref<1000x128xf32, #tpu.memory_space<vmem>>, %arg5: memref<128x128xf32, #tpu.memory_space<vmem>>, %arg6: memref<128x128xf32, #tpu.memory_space<vmem>>, %arg7: memref<1x128xf32, #tpu.memory_space<vmem>>, %arg8: memref<1000x128xf32, #tpu.memory_space<vmem>>) attributes {dimension_semantics = [#tpu.dimension_semantics<arbitrary>], iteration_bounds = array<i64: 10>, scalar_prefetch = 0 : i64, scratch_operands = 0 : i64, tpu.core_type = #tpu.core_type<tc>, window_params = [{transform_indices = @transform_0, window_bounds = array<i64: 1000, 2, 128>}, {transform_indices = @transform_1, window_bounds = array<i64: 1000, 1>}, {transform_indices = @transform_2, window_bounds = array<i64: 1000, 1>}, {transform_indices = @transform_3, window_bounds = array<i64: 1000, 128>}, {pipeline_mode = #tpu.pipeline_mode<synchronous>, transform_indices = @transform_4, window_bounds = array<i64: 128, 128>}, {pipeline_mode = #tpu.pipeline_mode<synchronous>, transform_indices = @transform_5, window_bounds = array<i64: 128, 128>}, {pipeline_mode = #tpu.pipeline_mode<synchronous>, transform_indices = @transform_6, window_bounds = array<i64: 1, 128>}, {transform_indices = @transform_7, window_bounds = array<i64: 1000, 128>}]} {
    %get3A = arith.constant 0 : index
    %get3A_0 = arith.constant 0 : index
    %get3A_1 = vector.load %arg2[%get3A, %get3A_0] : memref<1000x1xf32, #tpu.memory_space<vmem>>, vector<1000x1xf32>
    %get3A_2 = arith.constant 0 : index
    %get3A_3 = arith.constant 0 : index
    %get3A_4 = vector.load %arg3[%get3A_2, %get3A_3] : memref<1000x1xf32, #tpu.memory_space<vmem>>, vector<1000x1xf32>
    %add3A = arith.addf %get3A_1, %get3A_4 : vector<1000x1xf32>
    %max3A = arith.constant 1.000000e+00 : f32
    %max3A_5 = vector.broadcast %max3A : f32 to vector<1000x1xf32>
    %max3A_6 = arith.maximumf %add3A, %max3A_5 : vector<1000x1xf32>
    %div3A = arith.constant 1.000000e+00 : f32
    %div3A_7 = vector.broadcast %div3A : f32 to vector<1000x1xf32>
    %div3A_8 = arith.divf %div3A_7, %max3A_6 : vector<1000x1xf32>
    %get3A_9 = arith.constant 0 : index
    %get3A_10 = arith.constant 0 : index
    %get3A_11 = arith.constant 0 : index
    %get3A_12 = vector.load %arg1[%get3A_9, %get3A_10, %get3A_11] : memref<1000x2x128xf32, #tpu.memory_space<vmem>>, vector<1000x2x128xf32>
    %slice3A = vector.extract_strided_slice %get3A_12 {offsets = [0, 0, 0], sizes = [1000, 1, 128], strides = [1, 1, 1]} : vector<1000x2x128xf32> to vector<1000x1x128xf32>
    %squeeze3A = vector.shape_cast %slice3A : vector<1000x1x128xf32> to vector<1000x128xf32>
    %slice3A_13 = vector.extract_strided_slice %get3A_12 {offsets = [0, 1, 0], sizes = [1000, 1, 128], strides = [1, 1, 1]} : vector<1000x2x128xf32> to vector<1000x1x128xf32>
    %squeeze3A_14 = vector.shape_cast %slice3A_13 : vector<1000x1x128xf32> to vector<1000x128xf32>
    %add3A_15 = arith.addf %squeeze3A, %squeeze3A_14 : vector<1000x128xf32>
    %mul3A = vector.broadcast %div3A_8 : vector<1000x1xf32> to vector<1000x128xf32>
    %mul3A_16 = arith.mulf %add3A_15, %mul3A : vector<1000x128xf32>
    %get3A_17 = arith.constant 0 : index
    %get3A_18 = arith.constant 0 : index
    %get3A_19 = vector.load %arg5[%get3A_17, %get3A_18] : memref<128x128xf32, #tpu.memory_space<vmem>>, vector<128x128xf32>
    %dot_general3A = arith.constant dense<0.000000e+00> : vector<1000x128xf32>
    %dot_general3A_20 = tpu.matmul %mul3A_16, %get3A_19, %dot_general3A {dimension_numbers = #tpu.dot_dimension_numbers<[1], [1], [0], [0], [0, 0, 1, 0], [], []>, precision = #tpu.contract_precision<fp32>, transpose_lhs_hint = false} : vector<1000x128xf32>, vector<128x128xf32>, vector<1000x128xf32> -> vector<1000x128xf32>
    %get3A_21 = arith.constant 0 : index
    %get3A_22 = arith.constant 0 : index
    %get3A_23 = vector.load %arg7[%get3A_21, %get3A_22] : memref<1x128xf32, #tpu.memory_space<vmem>>, vector<1x128xf32>
    %add3A_24 = vector.broadcast %get3A_23 : vector<1x128xf32> to vector<1000x128xf32>
    %add3A_25 = arith.addf %dot_general3A_20, %add3A_24 : vector<1000x128xf32>
    %get3A_26 = arith.constant 0 : index
    %get3A_27 = arith.constant 0 : index
    %get3A_28 = vector.load %arg4[%get3A_26, %get3A_27] : memref<1000x128xf32, #tpu.memory_space<vmem>>, vector<1000x128xf32>
    %get3A_29 = arith.constant 0 : index
    %get3A_30 = arith.constant 0 : index
    %get3A_31 = vector.load %arg6[%get3A_29, %get3A_30] : memref<128x128xf32, #tpu.memory_space<vmem>>, vector<128x128xf32>
    %dot_general3A_32 = arith.constant dense<0.000000e+00> : vector<1000x128xf32>
    %dot_general3A_33 = tpu.matmul %get3A_28, %get3A_31, %dot_general3A_32 {dimension_numbers = #tpu.dot_dimension_numbers<[1], [1], [0], [0], [0, 0, 1, 0], [], []>, precision = #tpu.contract_precision<fp32>, transpose_lhs_hint = false} : vector<1000x128xf32>, vector<128x128xf32>, vector<1000x128xf32> -> vector<1000x128xf32>
    %add3A_34 = arith.addf %add3A_25, %dot_general3A_33 : vector<1000x128xf32>
    %swap3A = arith.constant 0 : index
    %swap3A_35 = arith.constant 0 : index
    %swap3A_36 = vector.load %arg8[%swap3A, %swap3A_35] : memref<1000x128xf32, #tpu.memory_space<vmem>>, vector<1000x128xf32>
    tpu.vector_store %arg8[%swap3A, %swap3A_35], %add3A_34 {strides = array<i32>} : memref<1000x128xf32, #tpu.memory_space<vmem>>, vector<1000x128xf32>,
    return
  }
  func.func @transform_0(%arg0: i32) -> (i32, i32, i32) {
    %c0_i32 = arith.constant 0 : i32
    %c0_i32_0 = arith.constant 0 : i32
    %c0_i32_1 = arith.constant 0 : i32
    return %arg0, %c0_i32, %c0_i32_0 : i32, i32, i32
  }
  func.func @transform_1(%arg0: i32) -> (i32, i32) {
    %c0_i32 = arith.constant 0 : i32
    %c0_i32_0 = arith.constant 0 : i32
    return %arg0, %c0_i32 : i32, i32
  }
  func.func @transform_2(%arg0: i32) -> (i32, i32) {
    %c0_i32 = arith.constant 0 : i32
    %c0_i32_0 = arith.constant 0 : i32
    return %arg0, %c0_i32 : i32, i32
  }
  func.func @transform_3(%arg0: i32) -> (i32, i32) {
    %c0_i32 = arith.constant 0 : i32
    %c0_i32_0 = arith.constant 0 : i32
    return %arg0, %c0_i32 : i32, i32
  }
  func.func @transform_4(%arg0: i32) -> (i32, i32) {
    %c0_i32 = arith.constant 0 : i32
    %c0_i32_0 = arith.constant 0 : i32
    %c0_i32_1 = arith.constant 0 : i32
    return %c0_i32, %c0_i32_0 : i32, i32
  }
  func.func @transform_5(%arg0: i32) -> (i32, i32) {
    %c0_i32 = arith.constant 0 : i32
    %c0_i32_0 = arith.constant 0 : i32
    %c0_i32_1 = arith.constant 0 : i32
    return %c0_i32, %c0_i32_0 : i32, i32
  }
  func.func @transform_6(%arg0: i32) -> (i32, i32) {
    %c0_i32 = arith.constant 0 : i32
    %c0_i32_0 = arith.constant 0 : i32
    %c0_i32_1 = arith.constant 0 : i32
    return %c0_i32, %c0_i32_0 : i32, i32
  }
  func.func @transform_7(%arg0: i32) -> (i32, i32) {
    %c0_i32 = arith.constant 0 : i32
    %c0_i32_0 = arith.constant 0 : i32
    return %arg0, %c0_i32 : i32, i32
  }
}

</mosaic_0001>

<sc_bundles>
// kernel: kernel.10.cloned.1.call-start
scs
__scs_entry_jumppad:
0x0: {  	(pc) =	sbr.rel $0x88, $3  }
0x1: {  	(tag) =	ssettag $0x0;
	lr =	simm.s32 $0x1  }
0x2: {  	[smem:$0x3F99] =	sst lr;
	_ =	strace $0xD0000000  }
0x3: {  	_ = 	snop  }
0x4: {  	_ = 	snop  }
0x5: {  	_ = 	snop  }
0x6: {  	_ = 	snop  }
0x7: {  	_ = 	snop  }
__scs_overlays_trampoline_lowered:
0x8: {  	[smem:$0x3FA8] =	sst s0  }
0x9: {  	[smem:$0x3FA9] =	sst s1  }
0xa: {  	[smem:$0x3FAA] =	sst s2  }
0xb: {  	[smem:$0x3FAB] =	sst s3  }
0xc: {  	[smem:$0x3FAC] =	sst s4  }
0xd: {  	[smem:$0x3FAD] =	sst s5  }
0xe: {  	[smem:$0x3FAE] =	sst s6  }
0xf: {  	[smem:$0x3FAF] =	sst s7  }
0x10: {  	[smem:$0x3FB0] =	sst s8  }
0x11: {  	[smem:$0x3FB1] =	sst s9;
	s0 =	simm.s32 @!p0 $0x0  }
0x12: {  	s1 =	sld [smem:$0x3F97];
	s0 =	simm.s32 @p0 $0x1  }
0x13: {  	[smem:$0x3FB2] =	sst s0;
	s0 =	simm.s32 @!p1 $0x0  }
0x14: {  	s2 =	sld [smem:$0x3F96];
	s0 =	simm.s32 @p1 $0x1  }
0x15: {  	[smem:$0x3FB3] =	sst s0;
	s0 =	simm.s32 @!p2 $0x0  }
0x16: {  	s3 =	sld [smem:$0x3FDB];
	s0 =	simm.s32 @p2 $0x1  }
0x17: {  	s4 =	simm.s32 $0x1BF5;
	[smem:$0x3FB5] =	sst s0  }
0x18: {  	s0 =	sld [smem:$0x3F98];
	_ =	swait.ge [sflag:s4], $0x0  }
0x19: {  	s7 =	sld [smem:$0x3F99]  }
0x1a: {  	s8 =	sadd.s32 $0xFFFFE003, lr  }
0x1b: {  	s9 =	sadd.s32 $0xFFFFFEF7, lr;
	s5 =	simm.s32 $0xFFFFFFFF;
	p2 =	slt.u32 s8, $0xFFFFF086  }
0x1c: {  	p1 =	slt.u32 s9, $0xF7A;
	s5 =	simm.s32 @!p2 $0x0  }
0x1d: {  	s5 =	simm.s32 @p1 $0x1;
	p0 =	seq.s32 s7, s2  }
0x1e: {  	s7 =	smul.u32 @!p0 $0xF7A, s2;
	p2 =	seq.s32 @!p0 s5, $0x0  }
0x1f: {  	s9 =	smul.u32 $0xF7A, s1;
	s8 =	simm.s32 @!p0 $0x1BF5;
	p2 =	por !p2, p0  }
0x20: {  	[sflag:s8] =	ssyncset.s32 @!p0 $0xFFFFF086;
	s6 =	sadd.s32 @!p0 s3, s7;
	s7 =	simm.s32 @!p0 $0x108  }
0x21: {  	s3 =	sadd.s32 s3, s9;
	s6 =	sadd.s32 @!p0 $0x88, s6;
	s7 =	simm.s32 @p2 $0x1082  }
0x22: {  	[simem:s7], [sflag:s8] =	dma.local @!p0 [hbm:s6], $0xF7A  }
0x23: {  	s9 =	sor.u32 $0xD0000000, s2;
	s6 =	simm.s32 $0x108;
	_ =	swait.ge @!p0 [sflag:s8], $0x0  }
0x24: {  	s3 =	sadd.s32 $0x88, s3;
	s6 =	simm.s32 @!p1 $0x1082;
	[sflag:s4] =	ssyncset.s32 $0xFFFFF086  }
0x25: {  	[simem:s6], [sflag:s4] =	dma.local [hbm:s3], $0xF7A  }
0x26: {  	[smem:$0x3F99] =	sst s1;
	(tag) =	ssettag s2;
	_ =	strace s9  }
0x27: {  	s1 =	sld [smem:$0x3FA9]  }
0x28: {  	s2 =	sld [smem:$0x3FAA]  }
0x29: {  	s4 =	sld [smem:$0x3FAC]  }
0x2a: {  	p0 =	seq.s32 s5, $0x0;
	s5 =	sld [smem:$0x3FAD]  }
0x2b: {  	s6 =	sld [smem:$0x3FAE]  }
0x2c: {  	s7 =	sld [smem:$0x3FAF]  }
0x2d: {  	s3 =	simm.s32 $0x108;
	s8 =	sld [smem:$0x3FB0]  }
0x2e: {  	s3 =	simm.s32 @!p0 $0x1082;
	s9 =	sld [smem:$0x3FB1]  }
0x2f: {  	lr =	sadd.s32 s0, s3;
	s0 =	sld [smem:$0x3FA8]  }
0x30: {  	s3 =	sld [smem:$0x3FAB]  }
0x31: {  	[smem:$0x3FB4] =	sst s10  }
0x32: {  	s10 =	sld [smem:$0x3FB2];
	_ =	sdelay $0x3  }
0x33: {  	p0 =	seq.s32 s10, $0x1;
	s10 =	sld [smem:$0x3FB4];
	_ =	sdelay $0x3  }
0x34: {  	[smem:$0x3FB4] =	sst s10  }
0x35: {  	s10 =	sld [smem:$0x3FB3];
	_ =	sdelay $0x3  }
0x36: {  	p1 =	seq.s32 s10, $0x1;
	s10 =	sld [smem:$0x3FB4];
	_ =	sdelay $0x3  }
0x37: {  	[smem:$0x3FB4] =	sst s10  }
0x38: {  	s10 =	sld [smem:$0x3FB5]  }
0x39: {  	_ = 	snop;
	(pc) =	sbr.ind lr, $3  }
0x3a: {  	_ = 	snop  }
0x3b: {  	_ = 	snop  }
0x3c: {  	p2 =	seq.s32 s10, $0x1;
	s10 =	sld [smem:$0x3FB4]  }
0x3d: {  	_ =	shalt  }
0x3e: {  	_ =	shalt  }
0x3f: {  	_ =	shalt  }
0x40: {  	_ =	shalt  }
0x41: {  	_ =	shalt  }
0x42: {  	_ =	shalt  }
0x43: {  	_ =	shalt  }
0x44: {  	_ =	shalt  }
0x45: {  	_ =	shalt  }
0x46: {  	_ =	shalt  }
0x47: {  	_ =	shalt  }
0x48: {  	_ =	shalt  }
0x49: {  	_ =	shalt  }
0x4a: {  	_ =	shalt  }
0x4b: {  	_ =	shalt  }
0x4c: {  	_ =	shalt  }
0x4d: {  	_ =	shalt  }
0x4e: {  	_ =	shalt  }
0x4f: {  	_ =	shalt  }
0x50: {  	_ =	shalt  }
0x51: {  	_ =	shalt  }
0x52: {  	_ =	shalt  }
0x53: {  	_ =	shalt  }
0x54: {  	_ =	shalt  }
0x55: {  	_ =	shalt  }
0x56: {  	_ =	shalt  }
0x57: {  	_ =	shalt  }
0x58: {  	_ =	shalt  }
0x59: {  	_ =	shalt  }
0x5a: {  	_ =	shalt  }
0x5b: {  	_ =	shalt  }
0x5c: {  	_ =	shalt  }
0x5d: {  	_ =	shalt  }
0x5e: {  	_ =	shalt  }
0x5f: {  	_ =	shalt  }
0x60: {  	_ =	shalt  }
0x61: {  	_ =	shalt  }
0x62: {  	_ =	shalt  }
0x63: {  	_ =	shalt  }
0x64: {  	_ =	shalt  }
0x65: {  	_ =	shalt  }
0x66: {  	_ =	shalt  }
0x67: {  	_ =	shalt  }
0x68: {  	_ =	shalt  }
0x69: {  	_ =	shalt  }
0x6a: {  	_ =	shalt  }
0x6b: {  	_ =	shalt  }
0x6c: {  	_ =	shalt  }
0x6d: {  	_ =	shalt  }
0x6e: {  	_ =	shalt  }
0x6f: {  	_ =	shalt  }
0x70: {  	_ =	shalt  }
0x71: {  	_ =	shalt  }
0x72: {  	_ =	shalt  }
0x73: {  	_ =	shalt  }
0x74: {  	_ =	shalt  }
0x75: {  	_ =	shalt  }
0x76: {  	_ =	shalt  }
0x77: {  	_ =	shalt  }
0x78: {  	_ =	shalt  }
0x79: {  	_ =	shalt  }
0x7a: {  	_ =	shalt  }
0x7b: {  	_ =	shalt  }
0x7c: {  	_ =	shalt  }
0x7d: {  	_ =	shalt  }
0x7e: {  	_ =	shalt  }
0x7f: {  	_ =	shalt  }
0x80: {  	_ =	shalt  }
0x81: {  	_ =	shalt  }
0x82: {  	_ =	shalt  }
0x83: {  	_ =	shalt  }
0x84: {  	_ =	shalt  }
0x85: {  	_ =	shalt  }
0x86: {  	_ =	shalt  }
0x87: {  	_ =	shalt  }
.Lfunc_end0:
.L_simem_size_0:
called_computation.1_lowered:
.L_overlay_start_0:
0x88: {  	s2 =	sld [smem:$0x3FD9]  }
0x89: {  	s3 =	sld [smem:$0x3FFE];
	_ =	sdelay $0x1  }
0x8a: {  	s1 =	srdreg.scid  }
0x8b: {  	s0 =	sand.u32 $0x1, s1  }
0x8c: {  	s17 =	sshll.u32 s0, $0xA;
	s2 =	sadd.s32 s3, s2  }
0x8d: {  	s2 =	sadd.s32 s2, s17  }
0x8e: {  	[smem:$0x3FC0] =	sst s2  }
0x8f: {  	_ = 	snop  }
0x90: {  	s18 =	sld [smem:$0x3FC9];
	(tm) =	ssettm $0x1  }
0x91: {  	s19 =	sld [smem:$0x3FFB];
	_ =	sdelay $0x3  }
0x92: {  	_ =	strace s19  }
0x93: {  	s2 =	sld [smem:$0x3FFC];
	_ =	sdelay $0x3  }
0x94: {  	_ =	strace s2  }
0x95: {  	s2 =	sld [smem:$0x3FFD];
	_ =	sdelay $0x3  }
0x96: {  	_ =	strace s2  }
0x97: {  	_ =	strace $0x8FFFFFFF  }
0x98: {  	s20 =	sld [smem:$0x3FDB];
	_ =	sdelay $0x1  }
0x99: {  	s4 =	simm.s32 $_scs_section_size  }
0x9a: {  	s5 =	simm.s32 $_size__tile_overlayer_lowered;
	s6 =	simm.s32 $_tile_overlayer_lowered  }
0x9b: {  	s7 =	simm.s32 $0x1BFF;
	s21 =	sshll.u32 s6, $0x1;
	s4 =	sadd.s32 s4, s20  }
0x9c: {  	s22 =	simm.s32 $0x0;
	s5 =	sshll.u32 s5, $0x1;
	s6 =	sadd.s32 s21, s4  }
0x9d: {  	[timem:s22], [sflag:s7] =	dma.local [hbm:s6], s5  }
0x9e: {  	_ =	swait.ge [sflag:s7], s5  }
0x9f: {  	s5 =	ssub.s32 $0x0, s5;
	[sflag:s7] =	ssyncset.done $0x0  }
0xa0: {  	[sflag:s7] =	ssyncadd.s32 s5;
	_ =	sdelay $0x1  }
0xa1: {  	s23 =	simm.s32 $0x1B8B  }
0xa2: {  	_ =	swait.ge [sflag:s23], $0x1  }
0xa3: {  	[sflag:s23] =	ssyncset.done $0x0  }
0xa4: {  	[sflag:s23] =	ssyncadd.s32 $0xFFFFFFFF  }
0xa5: {  	s5 =	sld [smem:$0x0]  }
0xa6: {  	s6 =	sand.u32 $0xFFFFFFFE, s1  }
0xa7: {  	p0 =	sne.s32 s1, s6  }
0xa8: {  	s6 =	sshll.u32 @p0 s6, $0xE  }
0xa9: {  	s6 =	sadd.s32 @p0 $0x11B8D, s6;
	s7 =	sshll.u32 @p0 s5, $0x11  }
0xaa: {  	s6 =	sor.u32 @p0 s7, s6  }
0xab: {  	[sflag:s6] =	ssyncadd.remote.s32 @p0 $0x1;
	_ =	sdelay $0x1  }
0xac: {  	s6 =	simm.s32 @p0 $0x1B8D  }
0xad: {  	_ =	swait.eq @p0 [sflag:s6], $0x1  }
0xae: {  	[sflag:s6] =	ssyncadd.s32 @p0 $0xFFFFFFFF  }
0xaf: {  	s7 =	sshll.u32 @!p0 s1, $0xE  }
0xb0: {  	s7 =	sor.u32 @!p0 $0x4000, s7;
	s6 =	simm.s32 @!p0 $0x1B8D  }
0xb1: {  	s5 =	sshll.u32 @!p0 s5, $0x11;
	s7 =	sadd.s32 @!p0 $0x11B8D, s7;
	_ =	swait.eq @!p0 [sflag:s6], $0x1  }
0xb2: {  	s5 =	sor.u32 @!p0 s5, s7;
	[sflag:s6] =	ssyncadd.s32 @!p0 $0xFFFFFFFF  }
0xb3: {  	s25 =	simm.s32 $0x1B8E;
	s24 =	sld [smem:$0x3FFE];
	[sflag:s5] =	ssyncadd.remote.s32 @!p0 $0x1  }
0xb4: {  	s26 =	simm.s32 $execute0_lowered;
	[smem:$0x3FD2] =	sst s25  }
0xb5: {  	s6 =	sshll.u32 s26, $0x1;
	_ =	strace $0x80000049;
	[dreg:$0x1] =	wrdreg $0xFFFFFFFF  }
0xb6: {  	s28 =	simm.s32 $_size_execute0_lowered;
	s4 =	sadd.s32 s4, s6;
	[dreg:$0x0] =	wrdreg $0x0  }
0xb7: {  	s6 =	sshll.u32 s28, $0x1;
	[dreg:$0x2] =	wrdreg s4  }
0xb8: {  	[dreg:$0x3] =	wrdreg s6  }
0xb9: {  	[dreg:$0x4] =	wrdreg $0xC0  }
0xba: {  	_ =	task [dreg:s22], $0x5FFFF  }
0xbb: {  	[dreg:$0x1] =	wrdreg $0xFFFFFFFF  }
0xbc: {  	[dreg:$0x0] =	wrdreg $0x60  }
0xbd: {  	[dreg:$0x2] =	wrdreg s18  }
0xbe: {  	[dreg:$0x3] =	wrdreg s24  }
0xbf: {  	[dreg:$0x4] =	wrdreg $0x90000  }
0xc0: {  	[dreg:$0x5] =	wrdreg $0xA  }
0xc1: {  	_ =	task.clear_ibuf [dreg:s22], $0x6FFFF;
	_ =	strace $0x90000049  }
0xc2: {  	s29 =	simm.s32 $0xA;
	_ =	strace $0x8000004B  }
0xc3: {  	_ =	swait.ge [sflag:s29], $0x1  }
0xc4: {  	[sflag:s29] =	ssyncadd.s32 $0xFFFFFFFF  }
0xc5: {  	_ =	strace $0x9000004B  }
0xc6: {  	_ =	sfence  }
0xc7: {  	s30 =	sld [smem:$0x0];
	_ =	sdelay $0x2  }
0xc8: {  	s31 =	sshll.u32 s1, $0xD;
	s1 =	sshrl.u32 s1, $0x2  }
0xc9: {  	s4 =	sand.u32 $0x4000, s31;
	s1 =	sadd.s32 s1, s30  }
0xca: {  	s0 =	sor.u32 s4, s0;
	s1 =	sshll.u32 s1, $0x11  }
0xcb: {  	s0 =	sor.u32 s1, s0  }
0xcc: {  	s0 =	sadd.s32 $0x8F2B, s0  }
0xcd: {  	[sflag:s0] =	ssyncadd.remote.s32 $0x1  }
0xce: {  	_ =	sfence.sel $0xFFFF  }
0xcf: {  	[dreg:$0x0] =	wrdreg $0xFFFFFFFF;
	(pc) =	sbr.abs _section_cstart, $3  }
0xd0: {  	[dreg:$0x1] =	wrdreg $0xFFFFFFFF  }
0xd1: {  	_ =	task.clear_ibuf [dreg:s22], $0x2FFFF;
	_ =	strace $0x9FFFFFFF  }
0xd2: {  	(tm) =	ssettm $0x7FFFFFFF  }
0xd3: {  	_ =	shalt  }
tec
execute0_lowered:
.L_overlay_start_1:
0x0: {  	(tag) =	ssettag $0x1  }
0x1: {  	s0 =	rddreg [dreg:$0x0]  }
0x2: {  	s1 =	rddreg [dreg:$0x1];
	s2 =	srdreg.scid  }
0x3: {  	s3 =	rddreg [dreg:$0x2];
	s10 =	stileid.u32;
	s4 =	simm.s32 $0x0  }
0x4: {  	s14 =	simm.s32 $0x800;
	s16 =	simm.s32 $0x100;
	s17 =	simm.s32 $0x880  }
0x5: {  	s18 =	simm.s32 $0x180;
	s19 =	simm.s32 $0x900;
	[smem:$0x7FF] =	sst s4  }
0x6: {  	s21 =	simm.s32 $0x200;
	_ =	strace $0x8000004A;
	[dreg:$0x5] =	wrdreg s14  }
0x7: {  	s22 =	simm.s32 $0x980;
	s23 =	simm.s32 $0x280;
	[dreg:$0x6] =	wrdreg s16  }
0x8: {  	s24 =	simm.s32 $0xA00;
	s25 =	simm.s32 $0x300;
	[dreg:$0x7] =	wrdreg s17  }
0x9: {  	s26 =	simm.s32 $0xA80;
	s28 =	simm.s32 $0xD80;
	[dreg:$0x8] =	wrdreg s18  }
0xa: {  	s29 =	simm.s32 $0x680;
	s6 =	smul.u32 $0x27800, s10;
	[dreg:$0x9] =	wrdreg s19  }
0xb: {  	s30 =	simm.s32 $0xE00;
	s7 =	smul.u32 $0x2780, s10;
	[dreg:$0xa] =	wrdreg s21  }
0xc: {  	s31 =	simm.s32 $0x700;
	s11 =	smul.u32 $0x4F000, s10;
	[dreg:$0xb] =	wrdreg s22  }
0xd: {  	s2 =	sand.u32 $0x1, s2;
	s9 =	smul.u32 $0xA00, s10;
	[dreg:$0xc] =	wrdreg s23  }
0xe: {  	s15 =	sshll.u32 s10, $0x6;
	s10 =	simm.s32 $0x3;
	[dreg:$0xd] =	wrdreg s24  }
0xf: {  	s5 =	smul.u32 $0xA000, s2;
	s8 =	sshll.u32 s2, $0x7;
	[dreg:$0xe] =	wrdreg s25  }
0x10: {  	s2 =	ssub.s32 $0x2, s2;
	s14 =	simm.s32 $0x1;
	[dreg:$0xf] =	wrdreg s26  }
0x11: {  	s16 =	simm.s32 $0x380;
	s17 =	simm.s32 $0xB00;
	s18 =	simm.s32 $0x400  }
0x12: {  	s19 =	simm.s32 $0xB80;
	s21 =	simm.s32 $0xC00;
	s22 =	simm.s32 $0x500  }
0x13: {  	s23 =	simm.s32 $0xC80;
	s24 =	simm.s32 $0x580;
	s25 =	simm.s32 $0xD00  }
0x14: {  	s26 =	simm.s32 $0x600;
	s6 =	sor.u32 s8, s6;
	s7 =	sadd.s32 s7, s1  }
0x15: {  	s12 =	sshrl.u32 s2, $0x1;
	s8 =	sshrl.u32 s11, $0x2;
	s11 =	simm.s32 $0x80  }
0x16: {  	s5 =	sadd.s32 s5, s1;
	s6 =	sshrl.u32 s6, $0x3;
	s2 =	ssub.s32 s2, s12  }
0x17: {  	s13 =	sadd.s32 s8, s3;
	s7 =	sadd.s32 $0x16000, s7;
	s12 =	simm.s32 $0x1000  }
0x18: {  	s8 =	simm.s32 $0x0;
	s1 =	sadd.s32 s6, s1;
	s5 =	sadd.s32 s9, s5  }
0x19: {  	[dreg:$0x10] =	wrdreg s7;
	s9 =	sor.u32 $0x1C03, s15;
	s2 =	smax.u32 s2, $0x1  }
0x1a: {  	s20 =	sshrl.u32 s13, $0x3;
	s13 =	simm.s32 $0x5000;
	[dreg:$0x13] =	wrdreg s2  }
0x1b: {  	s15 =	simm.s32 $0x2;
	s7 =	simm.s32 $0xF80;
	[dreg:$0x14] =	wrdreg s20  }
0x1c: {  	s5 =	sadd.s32 $0x2000, s5;
	s1 =	sadd.s32 $0x8C800, s1;
	[dreg:$0x11] =	wrdreg s9  }
0x1d: {  	s20 =	simm.s32 $0x480;
	s2 =	simm.s32 $0x780;
	[dreg:$0x4] =	wrdreg s5  }
0x1e: {  	[dreg:$0x12] =	wrdreg s1;
	s1 =	simm.s32 $0xE80;
	s5 =	simm.s32 $0xF00  }
.LBB2_1:
0x1f: {  	[dreg:$0x15] =	wrdreg s8  }
0x20: {  	s6 =	rddreg [dreg:$0x10]  }
0x21: {  	s8 =	rddreg [dreg:$0x14]  }
0x22: {  	[spmem:s8], [sflag:s9] =	dma.local [hbm:s6], $0x2780  }
0x23: {  	_ =	swait.ge [sflag:s10], $0x2780  }
0x24: {  	[sflag:s10] =	ssyncset.done $0x0  }
0x25: {  	[sflag:s10] =	ssyncadd.s32 $0xFFFFD880  }
0x26: {  	[bflag:$0x0] =	sbarrier.arrive $0xFFFF  }
0x27: {  	s8 =	rddreg [dreg:$0x4]  }
0x28: {  	s6 =	sadd.s32 $0x0, s8  }
0x29: {  	[tilespmem:s4], [sflag:$0x3] =	stream.linear.gather [hbm4b:s6+s4], $0x1000, $0x38;
	[tilespmem:$0x1CC00] =	vst v63  }
0x2a: {  	_ =	swait.ge [sflag:s10], $0x1000  }
0x2b: {  	[sflag:s10] =	ssyncset.done $0x0  }
0x2c: {  	[sflag:s10] =	ssyncadd.s32 $0xFFFFF000  }
0x2d: {  	[tilespmem:s12], [sflag:$0x1] =	stream.indirect.gather [hbm4b:s0+s11], $0x80, s4, s11, $0xb8;
	[tilespmem:$0x1CC00] =	vst v63  }
0x2e: {  	_ = 	snop  }
0x2f: {  	[tilespmem:s13], [sflag:$0x2] =	stream.indirect.gather [hbm4b:s0+s11], $0x80, s11, s11, $0xb8;
	[tilespmem:$0x1CC00] =	vst v63  }
0x30: {  	_ =	swait.ge [sflag:s14], $0x4000  }
0x31: {  	[sflag:s14] =	ssyncset.done $0x0  }
0x32: {  	s9 =	rddreg [dreg:$0x5];
	[sflag:s14] =	ssyncadd.s32 $0xFFFFC000  }
0x33: {  	[spmem:s3] =	stream.indirect.scatter.add.f32 [tilespmem:s12], [sflag:$0x3], $0x80, s9, s11, $0xb8;
	[tilespmem:$0x1CC00] =	vst v63  }
0x34: {  	_ =	swait.ge [sflag:s10], $0x4000  }
0x35: {  	[sflag:s10] =	ssyncset.done $0x0  }
0x36: {  	s8 =	rddreg [dreg:$0x6];
	[sflag:s10] =	ssyncadd.s32 $0xFFFFC000  }
0x37: {  	[tilespmem:s12], [sflag:$0x1] =	stream.indirect.gather [hbm4b:s0+s11], $0x80, s8, s11, $0xb8;
	[tilespmem:$0x1CC00] =	vst v63  }
0x38: {  	_ =	swait.ge [sflag:s15], $0x4000  }
0x39: {  	[sflag:s15] =	ssyncset.done $0x0  }
0x3a: {  	s9 =	rddreg [dreg:$0x7];
	[sflag:s15] =	ssyncadd.s32 $0xFFFFC000  }
0x3b: {  	[spmem:s3] =	stream.indirect.scatter.add.f32 [tilespmem:s13], [sflag:$0x3], $0x80, s9, s11, $0xb8;
	[tilespmem:$0x1CC00] =	vst v63  }
0x3c: {  	_ =	swait.ge [sflag:s10], $0x4000  }
0x3d: {  	[sflag:s10] =	ssyncset.done $0x0  }
0x3e: {  	s8 =	rddreg [dreg:$0x8];
	[sflag:s10] =	ssyncadd.s32 $0xFFFFC000  }
0x3f: {  	[tilespmem:s13], [sflag:$0x2] =	stream.indirect.gather [hbm4b:s0+s11], $0x80, s8, s11, $0xb8;
	[tilespmem:$0x1CC00] =	vst v63  }
0x40: {  	_ =	swait.ge [sflag:s14], $0x4000  }
0x41: {  	[sflag:s14] =	ssyncset.done $0x0  }
0x42: {  	s9 =	rddreg [dreg:$0x9];
	[sflag:s14] =	ssyncadd.s32 $0xFFFFC000  }
0x43: {  	[spmem:s3] =	stream.indirect.scatter.add.f32 [tilespmem:s12], [sflag:$0x3], $0x80, s9, s11, $0xb8;
	[tilespmem:$0x1CC00] =	vst v63  }
0x44: {  	_ =	swait.ge [sflag:s10], $0x4000  }
0x45: {  	[sflag:s10] =	ssyncset.done $0x0  }
0x46: {  	s8 =	rddreg [dreg:$0xa];
	[sflag:s10] =	ssyncadd.s32 $0xFFFFC000  }
0x47: {  	[tilespmem:s12], [sflag:$0x1] =	stream.indirect.gather [hbm4b:s0+s11], $0x80, s8, s11, $0xb8;
	[tilespmem:$0x1CC00] =	vst v63  }
0x48: {  	_ =	swait.ge [sflag:s15], $0x4000  }
0x49: {  	[sflag:s15] =	ssyncset.done $0x0  }
0x4a: {  	s9 =	rddreg [dreg:$0xb];
	[sflag:s15] =	ssyncadd.s32 $0xFFFFC000  }
0x4b: {  	[spmem:s3] =	stream.indirect.scatter.add.f32 [tilespmem:s13], [sflag:$0x3], $0x80, s9, s11, $0xb8;
	[tilespmem:$0x1CC00] =	vst v63  }
0x4c: {  	_ =	swait.ge [sflag:s10], $0x4000  }
0x4d: {  	[sflag:s10] =	ssyncset.done $0x0  }
0x4e: {  	s8 =	rddreg [dreg:$0xc];
	[sflag:s10] =	ssyncadd.s32 $0xFFFFC000  }
0x4f: {  	[tilespmem:s13], [sflag:$0x2] =	stream.indirect.gather [hbm4b:s0+s11], $0x80, s8, s11, $0xb8;
	[tilespmem:$0x1CC00] =	vst v63  }
0x50: {  	_ =	swait.ge [sflag:s14], $0x4000  }
0x51: {  	[sflag:s14] =	ssyncset.done $0x0  }
0x52: {  	s9 =	rddreg [dreg:$0xd];
	[sflag:s14] =	ssyncadd.s32 $0xFFFFC000  }
0x53: {  	[spmem:s3] =	stream.indirect.scatter.add.f32 [tilespmem:s12], [sflag:$0x3], $0x80, s9, s11, $0xb8;
	[tilespmem:$0x1CC00] =	vst v63  }
0x54: {  	_ =	swait.ge [sflag:s10], $0x4000  }
0x55: {  	[sflag:s10] =	ssyncset.done $0x0  }
0x56: {  	s8 =	rddreg [dreg:$0xe];
	[sflag:s10] =	ssyncadd.s32 $0xFFFFC000  }
0x57: {  	[tilespmem:s12], [sflag:$0x1] =	stream.indirect.gather [hbm4b:s0+s11], $0x80, s8, s11, $0xb8;
	[tilespmem:$0x1CC00] =	vst v63  }
0x58: {  	_ =	swait.ge [sflag:s15], $0x4000  }
0x59: {  	[sflag:s15] =	ssyncset.done $0x0  }
0x5a: {  	s9 =	rddreg [dreg:$0xf];
	[sflag:s15] =	ssyncadd.s32 $0xFFFFC000  }
0x5b: {  	[spmem:s3] =	stream.indirect.scatter.add.f32 [tilespmem:s13], [sflag:$0x3], $0x80, s9, s11, $0xb8;
	[tilespmem:$0x1CC00] =	vst v63  }
0x5c: {  	_ =	swait.ge [sflag:s10], $0x4000  }
0x5d: {  	[sflag:s10] =	ssyncset.done $0x0  }
0x5e: {  	[sflag:s10] =	ssyncadd.s32 $0xFFFFC000  }
0x5f: {  	[tilespmem:s13], [sflag:$0x2] =	stream.indirect.gather [hbm4b:s0+s11], $0x80, s16, s11, $0xb8;
	[tilespmem:$0x1CC00] =	vst v63  }
0x60: {  	_ =	swait.ge [sflag:s14], $0x4000  }
0x61: {  	[sflag:s14] =	ssyncset.done $0x0  }
0x62: {  	[sflag:s14] =	ssyncadd.s32 $0xFFFFC000  }
0x63: {  	[spmem:s3] =	stream.indirect.scatter.add.f32 [tilespmem:s12], [sflag:$0x3], $0x80, s17, s11, $0xb8;
	[tilespmem:$0x1CC00] =	vst v63  }
0x64: {  	_ =	swait.ge [sflag:s10], $0x4000  }
0x65: {  	[sflag:s10] =	ssyncset.done $0x0  }
0x66: {  	[sflag:s10] =	ssyncadd.s32 $0xFFFFC000  }
0x67: {  	[tilespmem:s12], [sflag:$0x1] =	stream.indirect.gather [hbm4b:s0+s11], $0x80, s18, s11, $0xb8;
	[tilespmem:$0x1CC00] =	vst v63  }
0x68: {  	_ =	swait.ge [sflag:s15], $0x4000  }
0x69: {  	[sflag:s15] =	ssyncset.done $0x0  }
0x6a: {  	[sflag:s15] =	ssyncadd.s32 $0xFFFFC000  }
0x6b: {  	[spmem:s3] =	stream.indirect.scatter.add.f32 [tilespmem:s13], [sflag:$0x3], $0x80, s19, s11, $0xb8;
	[tilespmem:$0x1CC00] =	vst v63  }
0x6c: {  	_ =	swait.ge [sflag:s10], $0x4000  }
0x6d: {  	[sflag:s10] =	ssyncset.done $0x0  }
0x6e: {  	[sflag:s10] =	ssyncadd.s32 $0xFFFFC000  }
0x6f: {  	[tilespmem:s13], [sflag:$0x2] =	stream.indirect.gather [hbm4b:s0+s11], $0x80, s20, s11, $0xb8;
	[tilespmem:$0x1CC00] =	vst v63  }
0x70: {  	_ =	swait.ge [sflag:s14], $0x4000  }
0x71: {  	[sflag:s14] =	ssyncset.done $0x0  }
0x72: {  	[sflag:s14] =	ssyncadd.s32 $0xFFFFC000  }
0x73: {  	[spmem:s3] =	stream.indirect.scatter.add.f32 [tilespmem:s12], [sflag:$0x3], $0x80, s21, s11, $0xb8;
	[tilespmem:$0x1CC00] =	vst v63  }
0x74: {  	_ =	swait.ge [sflag:s10], $0x4000  }
0x75: {  	[sflag:s10] =	ssyncset.done $0x0  }
0x76: {  	[sflag:s10] =	ssyncadd.s32 $0xFFFFC000  }
0x77: {  	[tilespmem:s12], [sflag:$0x1] =	stream.indirect.gather [hbm4b:s0+s11], $0x80, s22, s11, $0xb8;
	[tilespmem:$0x1CC00] =	vst v63  }
0x78: {  	_ =	swait.ge [sflag:s15], $0x4000  }
0x79: {  	[sflag:s15] =	ssyncset.done $0x0  }
0x7a: {  	[sflag:s15] =	ssyncadd.s32 $0xFFFFC000  }
0x7b: {  	[spmem:s3] =	stream.indirect.scatter.add.f32 [tilespmem:s13], [sflag:$0x3], $0x80, s23, s11, $0xb8;
	[tilespmem:$0x1CC00] =	vst v63  }
0x7c: {  	_ =	swait.ge [sflag:s10], $0x4000  }
0x7d: {  	[sflag:s10] =	ssyncset.done $0x0  }
0x7e: {  	[sflag:s10] =	ssyncadd.s32 $0xFFFFC000  }
0x7f: {  	[tilespmem:s13], [sflag:$0x2] =	stream.indirect.gather [hbm4b:s0+s11], $0x80, s24, s11, $0xb8;
	[tilespmem:$0x1CC00] =	vst v63  }
0x80: {  	_ =	swait.ge [sflag:s14], $0x4000  }
0x81: {  	[sflag:s14] =	ssyncset.done $0x0  }
0x82: {  	[sflag:s14] =	ssyncadd.s32 $0xFFFFC000  }
0x83: {  	[spmem:s3] =	stream.indirect.scatter.add.f32 [tilespmem:s12], [sflag:$0x3], $0x80, s25, s11, $0xb8;
	[tilespmem:$0x1CC00] =	vst v63  }
0x84: {  	_ =	swait.ge [sflag:s10], $0x4000  }
0x85: {  	[sflag:s10] =	ssyncset.done $0x0  }
0x86: {  	[sflag:s10] =	ssyncadd.s32 $0xFFFFC000  }
0x87: {  	[tilespmem:s12], [sflag:$0x1] =	stream.indirect.gather [hbm4b:s0+s11], $0x80, s26, s11, $0xb8;
	[tilespmem:$0x1CC00] =	vst v63  }
0x88: {  	_ =	swait.ge [sflag:s15], $0x4000  }
0x89: {  	[sflag:s15] =	ssyncset.done $0x0  }
0x8a: {  	[sflag:s15] =	ssyncadd.s32 $0xFFFFC000  }
0x8b: {  	[spmem:s3] =	stream.indirect.scatter.add.f32 [tilespmem:s13], [sflag:$0x3], $0x80, s28, s11, $0xb8;
	[tilespmem:$0x1CC00] =	vst v63  }
0x8c: {  	_ =	swait.ge [sflag:s10], $0x4000  }
0x8d: {  	[sflag:s10] =	ssyncset.done $0x0  }
0x8e: {  	[sflag:s10] =	ssyncadd.s32 $0xFFFFC000  }
0x8f: {  	[tilespmem:s13], [sflag:$0x2] =	stream.indirect.gather [hbm4b:s0+s11], $0x80, s29, s11, $0xb8;
	[tilespmem:$0x1CC00] =	vst v63  }
0x90: {  	_ =	swait.ge [sflag:s14], $0x4000  }
0x91: {  	[sflag:s14] =	ssyncset.done $0x0  }
0x92: {  	[sflag:s14] =	ssyncadd.s32 $0xFFFFC000  }
0x93: {  	[spmem:s3] =	stream.indirect.scatter.add.f32 [tilespmem:s12], [sflag:$0x3], $0x80, s30, s11, $0xb8;
	[tilespmem:$0x1CC00] =	vst v63  }
0x94: {  	_ =	swait.ge [sflag:s10], $0x4000  }
0x95: {  	[sflag:s10] =	ssyncset.done $0x0  }
0x96: {  	[sflag:s10] =	ssyncadd.s32 $0xFFFFC000  }
0x97: {  	[tilespmem:s12], [sflag:$0x1] =	stream.indirect.gather [hbm4b:s0+s11], $0x80, s31, s11, $0xb8;
	[tilespmem:$0x1CC00] =	vst v63  }
0x98: {  	_ =	swait.ge [sflag:s15], $0x4000  }
0x99: {  	[sflag:s15] =	ssyncset.done $0x0  }
0x9a: {  	[sflag:s15] =	ssyncadd.s32 $0xFFFFC000  }
0x9b: {  	[spmem:s3] =	stream.indirect.scatter.add.f32 [tilespmem:s13], [sflag:$0x3], $0x80, s1, s11, $0xb8;
	[tilespmem:$0x1CC00] =	vst v63  }
0x9c: {  	_ =	swait.ge [sflag:s10], $0x4000  }
0x9d: {  	[sflag:s10] =	ssyncset.done $0x0  }
0x9e: {  	[sflag:s10] =	ssyncadd.s32 $0xFFFFC000  }
0x9f: {  	[tilespmem:s13], [sflag:$0x2] =	stream.indirect.gather [hbm4b:s0+s11], $0x80, s2, s11, $0xb8;
	[tilespmem:$0x1CC00] =	vst v63  }
0xa0: {  	_ =	swait.ge [sflag:s14], $0x4000  }
0xa1: {  	[sflag:s14] =	ssyncset.done $0x0  }
0xa2: {  	[sflag:s14] =	ssyncadd.s32 $0xFFFFC000  }
0xa3: {  	[spmem:s3] =	stream.indirect.scatter.add.f32 [tilespmem:s12], [sflag:$0x3], $0x80, s5, s11, $0xb8;
	[tilespmem:$0x1CC00] =	vst v63  }
0xa4: {  	_ =	swait.ge [sflag:s10], $0x4000  }
0xa5: {  	[sflag:s10] =	ssyncset.done $0x0  }
0xa6: {  	[sflag:s10] =	ssyncadd.s32 $0xFFFFC000  }
0xa7: {  	_ =	swait.ge [sflag:s15], $0x4000  }
0xa8: {  	[sflag:s15] =	ssyncset.done $0x0  }
0xa9: {  	[sflag:s15] =	ssyncadd.s32 $0xFFFFC000  }
0xaa: {  	[spmem:s3] =	stream.indirect.scatter.add.f32 [tilespmem:s13], [sflag:$0x3], $0x80, s7, s11, $0xb8;
	[tilespmem:$0x1CC00] =	vst v63  }
0xab: {  	s6 =	simm.s32 $0x200;
	_ =	swait.ge [sflag:s10], $0x4000  }
.LBB2_2:
0xac: {  	s9 =	rddreg [dreg:$0x4];
	s8 =	smov.u32 s6;
	[sflag:s10] =	ssyncset.done $0x0  }
0xad: {  	s8 =	sadd.s32 s8, s9;
	[sflag:s10] =	ssyncadd.s32 $0xFFFFC000  }
0xae: {  	[tilespmem:s4], [sflag:$0x3] =	stream.linear.gather [hbm4b:s8+s4], $0x1000, $0x38;
	[tilespmem:$0x1CC00] =	vst v63  }
0xaf: {  	_ =	swait.ge [sflag:s10], $0x1000  }
0xb0: {  	[sflag:s10] =	ssyncset.done $0x0  }
0xb1: {  	[sflag:s10] =	ssyncadd.s32 $0xFFFFF000  }
0xb2: {  	[tilespmem:s12], [sflag:$0x1] =	stream.indirect.gather [hbm4b:s0+s11], $0x80, s4, s11, $0xb8;
	[tilespmem:$0x1CC00] =	vst v63  }
0xb3: {  	_ = 	snop  }
0xb4: {  	[tilespmem:s13], [sflag:$0x2] =	stream.indirect.gather [hbm4b:s0+s11], $0x80, s11, s11, $0xb8;
	[tilespmem:$0x1CC00] =	vst v63  }
0xb5: {  	_ =	swait.ge [sflag:s14], $0x4000  }
0xb6: {  	[sflag:s14] =	ssyncset.done $0x0  }
0xb7: {  	s9 =	rddreg [dreg:$0x5];
	[sflag:s14] =	ssyncadd.s32 $0xFFFFC000  }
0xb8: {  	[spmem:s3] =	stream.indirect.scatter.add.f32 [tilespmem:s12], [sflag:$0x3], $0x80, s9, s11, $0xb8;
	[tilespmem:$0x1CC00] =	vst v63  }
0xb9: {  	_ =	swait.ge [sflag:s10], $0x4000  }
0xba: {  	[sflag:s10] =	ssyncset.done $0x0  }
0xbb: {  	s9 =	rddreg [dreg:$0x6];
	[sflag:s10] =	ssyncadd.s32 $0xFFFFC000  }
0xbc: {  	[tilespmem:s12], [sflag:$0x1] =	stream.indirect.gather [hbm4b:s0+s11], $0x80, s9, s11, $0xb8;
	[tilespmem:$0x1CC00] =	vst v63  }
0xbd: {  	_ =	swait.ge [sflag:s15], $0x4000  }
0xbe: {  	[sflag:s15] =	ssyncset.done $0x0  }
0xbf: {  	s9 =	rddreg [dreg:$0x7];
	[sflag:s15] =	ssyncadd.s32 $0xFFFFC000  }
0xc0: {  	[spmem:s3] =	stream.indirect.scatter.add.f32 [tilespmem:s13], [sflag:$0x3], $0x80, s9, s11, $0xb8;
	[tilespmem:$0x1CC00] =	vst v63  }
0xc1: {  	_ =	swait.ge [sflag:s10], $0x4000  }
0xc2: {  	[sflag:s10] =	ssyncset.done $0x0  }
0xc3: {  	s9 =	rddreg [dreg:$0x8];
	[sflag:s10] =	ssyncadd.s32 $0xFFFFC000  }
0xc4: {  	[tilespmem:s13], [sflag:$0x2] =	stream.indirect.gather [hbm4b:s0+s11], $0x80, s9, s11, $0xb8;
	[tilespmem:$0x1CC00] =	vst v63  }
0xc5: {  	_ =	swait.ge [sflag:s14], $0x4000  }
0xc6: {  	[sflag:s14] =	ssyncset.done $0x0  }
0xc7: {  	s9 =	rddreg [dreg:$0x9];
	[sflag:s14] =	ssyncadd.s32 $0xFFFFC000  }
0xc8: {  	[spmem:s3] =	stream.indirect.scatter.add.f32 [tilespmem:s12], [sflag:$0x3], $0x80, s9, s11, $0xb8;
	[tilespmem:$0x1CC00] =	vst v63  }
0xc9: {  	_ =	swait.ge [sflag:s10], $0x4000  }
0xca: {  	[sflag:s10] =	ssyncset.done $0x0  }
0xcb: {  	s9 =	rddreg [dreg:$0xa];
	[sflag:s10] =	ssyncadd.s32 $0xFFFFC000  }
0xcc: {  	[tilespmem:s12], [sflag:$0x1] =	stream.indirect.gather [hbm4b:s0+s11], $0x80, s9, s11, $0xb8;
	[tilespmem:$0x1CC00] =	vst v63  }
0xcd: {  	_ =	swait.ge [sflag:s15], $0x4000  }
0xce: {  	[sflag:s15] =	ssyncset.done $0x0  }
0xcf: {  	s9 =	rddreg [dreg:$0xb];
	[sflag:s15] =	ssyncadd.s32 $0xFFFFC000  }
0xd0: {  	[spmem:s3] =	stream.indirect.scatter.add.f32 [tilespmem:s13], [sflag:$0x3], $0x80, s9, s11, $0xb8;
	[tilespmem:$0x1CC00] =	vst v63  }
0xd1: {  	_ =	swait.ge [sflag:s10], $0x4000  }
0xd2: {  	[sflag:s10] =	ssyncset.done $0x0  }
0xd3: {  	s9 =	rddreg [dreg:$0xc];
	[sflag:s10] =	ssyncadd.s32 $0xFFFFC000  }
0xd4: {  	[tilespmem:s13], [sflag:$0x2] =	stream.indirect.gather [hbm4b:s0+s11], $0x80, s9, s11, $0xb8;
	[tilespmem:$0x1CC00] =	vst v63  }
0xd5: {  	_ =	swait.ge [sflag:s14], $0x4000  }
0xd6: {  	[sflag:s14] =	ssyncset.done $0x0  }
0xd7: {  	s9 =	rddreg [dreg:$0xd];
	[sflag:s14] =	ssyncadd.s32 $0xFFFFC000  }
0xd8: {  	[spmem:s3] =	stream.indirect.scatter.add.f32 [tilespmem:s12], [sflag:$0x3], $0x80, s9, s11, $0xb8;
	[tilespmem:$0x1CC00] =	vst v63  }
0xd9: {  	_ =	swait.ge [sflag:s10], $0x4000  }
0xda: {  	[sflag:s10] =	ssyncset.done $0x0  }
0xdb: {  	s9 =	rddreg [dreg:$0xe];
	[sflag:s10] =	ssyncadd.s32 $0xFFFFC000  }
0xdc: {  	[tilespmem:s12], [sflag:$0x1] =	stream.indirect.gather [hbm4b:s0+s11], $0x80, s9, s11, $0xb8;
	[tilespmem:$0x1CC00] =	vst v63  }
0xdd: {  	_ =	swait.ge [sflag:s15], $0x4000  }
0xde: {  	[sflag:s15] =	ssyncset.done $0x0  }
0xdf: {  	s9 =	rddreg [dreg:$0xf];
	[sflag:s15] =	ssyncadd.s32 $0xFFFFC000  }
0xe0: {  	[spmem:s3] =	stream.indirect.scatter.add.f32 [tilespmem:s13], [sflag:$0x3], $0x80, s9, s11, $0xb8;
	[tilespmem:$0x1CC00] =	vst v63  }
0xe1: {  	_ =	swait.ge [sflag:s10], $0x4000  }
0xe2: {  	[sflag:s10] =	ssyncset.done $0x0  }
0xe3: {  	[sflag:s10] =	ssyncadd.s32 $0xFFFFC000  }
0xe4: {  	[tilespmem:s13], [sflag:$0x2] =	stream.indirect.gather [hbm4b:s0+s11], $0x80, s16, s11, $0xb8;
	[tilespmem:$0x1CC00] =	vst v63  }
0xe5: {  	_ =	swait.ge [sflag:s14], $0x4000  }
0xe6: {  	[sflag:s14] =	ssyncset.done $0x0  }
0xe7: {  	[sflag:s14] =	ssyncadd.s32 $0xFFFFC000  }
0xe8: {  	[spmem:s3] =	stream.indirect.scatter.add.f32 [tilespmem:s12], [sflag:$0x3], $0x80, s17, s11, $0xb8;
	[tilespmem:$0x1CC00] =	vst v63  }
0xe9: {  	_ =	swait.ge [sflag:s10], $0x4000  }
0xea: {  	[sflag:s10] =	ssyncset.done $0x0  }
0xeb: {  	[sflag:s10] =	ssyncadd.s32 $0xFFFFC000  }
0xec: {  	[tilespmem:s12], [sflag:$0x1] =	stream.indirect.gather [hbm4b:s0+s11], $0x80, s18, s11, $0xb8;
	[tilespmem:$0x1CC00] =	vst v63  }
0xed: {  	_ =	swait.ge [sflag:s15], $0x4000  }
0xee: {  	[sflag:s15] =	ssyncset.done $0x0  }
0xef: {  	[sflag:s15] =	ssyncadd.s32 $0xFFFFC000  }
0xf0: {  	[spmem:s3] =	stream.indirect.scatter.add.f32 [tilespmem:s13], [sflag:$0x3], $0x80, s19, s11, $0xb8;
	[tilespmem:$0x1CC00] =	vst v63  }
0xf1: {  	_ =	swait.ge [sflag:s10], $0x4000  }
0xf2: {  	[sflag:s10] =	ssyncset.done $0x0  }
0xf3: {  	[sflag:s10] =	ssyncadd.s32 $0xFFFFC000  }
0xf4: {  	[tilespmem:s13], [sflag:$0x2] =	stream.indirect.gather [hbm4b:s0+s11], $0x80, s20, s11, $0xb8;
	[tilespmem:$0x1CC00] =	vst v63  }
0xf5: {  	_ =	swait.ge [sflag:s14], $0x4000  }
0xf6: {  	[sflag:s14] =	ssyncset.done $0x0  }
0xf7: {  	[sflag:s14] =	ssyncadd.s32 $0xFFFFC000  }
0xf8: {  	[spmem:s3] =	stream.indirect.scatter.add.f32 [tilespmem:s12], [sflag:$0x3], $0x80, s21, s11, $0xb8;
	[tilespmem:$0x1CC00] =	vst v63  }
0xf9: {  	_ =	swait.ge [sflag:s10], $0x4000  }
0xfa: {  	[sflag:s10] =	ssyncset.done $0x0  }
0xfb: {  	[sflag:s10] =	ssyncadd.s32 $0xFFFFC000  }
0xfc: {  	[tilespmem:s12], [sflag:$0x1] =	stream.indirect.gather [hbm4b:s0+s11], $0x80, s22, s11, $0xb8;
	[tilespmem:$0x1CC00] =	vst v63  }
0xfd: {  	_ =	swait.ge [sflag:s15], $0x4000  }
0xfe: {  	[sflag:s15] =	ssyncset.done $0x0  }
0xff: {  	[sflag:s15] =	ssyncadd.s32 $0xFFFFC000  }
0x100: {  	[spmem:s3] =	stream.indirect.scatter.add.f32 [tilespmem:s13], [sflag:$0x3], $0x80, s23, s11, $0xb8;
	[tilespmem:$0x1CC00] =	vst v63  }
0x101: {  	_ =	swait.ge [sflag:s10], $0x4000  }
0x102: {  	[sflag:s10] =	ssyncset.done $0x0  }
0x103: {  	[sflag:s10] =	ssyncadd.s32 $0xFFFFC000  }
0x104: {  	[tilespmem:s13], [sflag:$0x2] =	stream.indirect.gather [hbm4b:s0+s11], $0x80, s24, s11, $0xb8;
	[tilespmem:$0x1CC00] =	vst v63  }
0x105: {  	_ =	swait.ge [sflag:s14], $0x4000  }
0x106: {  	[sflag:s14] =	ssyncset.done $0x0  }
0x107: {  	[sflag:s14] =	ssyncadd.s32 $0xFFFFC000  }
0x108: {  	[spmem:s3] =	stream.indirect.scatter.add.f32 [tilespmem:s12], [sflag:$0x3], $0x80, s25, s11, $0xb8;
	[tilespmem:$0x1CC00] =	vst v63  }
0x109: {  	_ =	swait.ge [sflag:s10], $0x4000  }
0x10a: {  	[sflag:s10] =	ssyncset.done $0x0  }
0x10b: {  	[sflag:s10] =	ssyncadd.s32 $0xFFFFC000  }
0x10c: {  	[tilespmem:s12], [sflag:$0x1] =	stream.indirect.gather [hbm4b:s0+s11], $0x80, s26, s11, $0xb8;
	[tilespmem:$0x1CC00] =	vst v63  }
0x10d: {  	_ =	swait.ge [sflag:s15], $0x4000  }
0x10e: {  	[sflag:s15] =	ssyncset.done $0x0  }
0x10f: {  	[sflag:s15] =	ssyncadd.s32 $0xFFFFC000  }
0x110: {  	[spmem:s3] =	stream.indirect.scatter.add.f32 [tilespmem:s13], [sflag:$0x3], $0x80, s28, s11, $0xb8;
	[tilespmem:$0x1CC00] =	vst v63  }
0x111: {  	_ =	swait.ge [sflag:s10], $0x4000  }
0x112: {  	[sflag:s10] =	ssyncset.done $0x0  }
0x113: {  	[sflag:s10] =	ssyncadd.s32 $0xFFFFC000  }
0x114: {  	[tilespmem:s13], [sflag:$0x2] =	stream.indirect.gather [hbm4b:s0+s11], $0x80, s29, s11, $0xb8;
	[tilespmem:$0x1CC00] =	vst v63  }
0x115: {  	_ =	swait.ge [sflag:s14], $0x4000  }
0x116: {  	[sflag:s14] =	ssyncset.done $0x0  }
0x117: {  	[sflag:s14] =	ssyncadd.s32 $0xFFFFC000  }
0x118: {  	[spmem:s3] =	stream.indirect.scatter.add.f32 [tilespmem:s12], [sflag:$0x3], $0x80, s30, s11, $0xb8;
	[tilespmem:$0x1CC00] =	vst v63  }
0x119: {  	_ =	swait.ge [sflag:s10], $0x4000  }
0x11a: {  	[sflag:s10] =	ssyncset.done $0x0  }
0x11b: {  	[sflag:s10] =	ssyncadd.s32 $0xFFFFC000  }
0x11c: {  	[tilespmem:s12], [sflag:$0x1] =	stream.indirect.gather [hbm4b:s0+s11], $0x80, s31, s11, $0xb8;
	[tilespmem:$0x1CC00] =	vst v63  }
0x11d: {  	_ =	swait.ge [sflag:s15], $0x4000  }
0x11e: {  	[sflag:s15] =	ssyncset.done $0x0  }
0x11f: {  	[sflag:s15] =	ssyncadd.s32 $0xFFFFC000  }
0x120: {  	[spmem:s3] =	stream.indirect.scatter.add.f32 [tilespmem:s13], [sflag:$0x3], $0x80, s1, s11, $0xb8;
	[tilespmem:$0x1CC00] =	vst v63  }
0x121: {  	_ =	swait.ge [sflag:s10], $0x4000  }
0x122: {  	[sflag:s10] =	ssyncset.done $0x0  }
0x123: {  	[sflag:s10] =	ssyncadd.s32 $0xFFFFC000  }
0x124: {  	[tilespmem:s13], [sflag:$0x2] =	stream.indirect.gather [hbm4b:s0+s11], $0x80, s2, s11, $0xb8;
	[tilespmem:$0x1CC00] =	vst v63  }
0x125: {  	_ =	swait.ge [sflag:s14], $0x4000  }
0x126: {  	[sflag:s14] =	ssyncset.done $0x0  }
0x127: {  	[sflag:s14] =	ssyncadd.s32 $0xFFFFC000  }
0x128: {  	[spmem:s3] =	stream.indirect.scatter.add.f32 [tilespmem:s12], [sflag:$0x3], $0x80, s5, s11, $0xb8;
	[tilespmem:$0x1CC00] =	vst v63  }
0x129: {  	_ =	swait.ge [sflag:s10], $0x4000  }
0x12a: {  	[sflag:s10] =	ssyncset.done $0x0  }
0x12b: {  	p0 =	sne.s32 s6, $0x800;
	[sflag:s10] =	ssyncadd.s32 $0xFFFFC000  }
.Ltmp0:
0x12c: {  	_ =	swait.ge [sflag:s15], $0x4000;
	(pc) =	sbr.rel @p0 .LBB2_2-.Ltmp0, $4  }
0x12d: {  	[sflag:s15] =	ssyncset.done $0x0  }
0x12e: {  	[sflag:s15] =	ssyncadd.s32 $0xFFFFC000  }
0x12f: {  	[spmem:s3] =	stream.indirect.scatter.add.f32 [tilespmem:s13], [sflag:$0x3], $0x80, s7, s11, $0xb8;
	[tilespmem:$0x1CC00] =	vst v63  }
0x130: {  	s6 =	sadd.s32 $0x200, s6;
	_ =	swait.ge [sflag:s10], $0x4000  }
0x131: {  	[sflag:s10] =	ssyncset.done $0x0  }
0x132: {  	[sflag:s10] =	ssyncadd.s32 $0xFFFFC000  }
0x133: {  	[bflag:$0x0] =	sbarrier.arrive $0xFFFF  }
0x134: {  	s6 =	rddreg [dreg:$0x12]  }
0x135: {  	s16 =	rddreg [dreg:$0x11]  }
0x136: {  	s8 =	simm.s32 $0x20;
	s9 =	simm.s32 $0x10;
	s17 =	rddreg [dreg:$0x14]  }
0x137: {  	[hbm:s6@s8], [sflag:s16] =	dma.strided [spmem:s17@s9], $0x2780, s14, $0x10   }
0x138: {  	s9 =	rddreg [dreg:$0x11];
	_ =	swait.ge [sflag:s10], $0x2780  }
0x139: {  	s6 =	rddreg [dreg:$0x15]  }
0x13a: {  	s8 =	sadd.s32 $0x1, s6;
	s6 =	rddreg [dreg:$0x13]  }
0x13b: {  	p0 =	sne.s32 s8, s6  }
.Ltmp1:
0x13c: {  	_ = 	snop;
	(pc) =	sbr.rel @p0 .LBB2_1-.Ltmp1, $3  }
0x13d: {  	_ =	sdelay $0x1  }
0x13e: {  	[sflag:s10] =	ssyncset.done $0x0  }
0x13f: {  	s17 =	simm.s32 $0xB00;
	s16 =	simm.s32 $0x380;
	[sflag:s10] =	ssyncadd.s32 $0xFFFFD880  }
0x140: {  	_ =	sfence.sel $0x180000  }
0x141: {  	[bflag:$0x0] =	sbarrier.arrive $0xFFFF  }
0x142: {  	_ =	strace $0x9000004A  }
0x143: {  	s0 =	stileid.u32;
	[bflag:$0x2] =	sbarrier.arrive $0xFFFF  }
0x144: {  	p0 =	sne.s32 s0, $0x0;
	s0 =	rddreg [dreg:$0x3]  }
0x145: {  	s0 =	sadd.s32 @!p0 $0x100000, s0  }
0x146: {  	[sflag:s0] =	ssyncadd.tile.s32 @!p0 $0x1;
	_ =	shalt  }
.Lfunc_end2:
_tile_overlayer_lowered:
.L_overlay_start_2:
0x147: {  	(tag) =	ssettag $0x2  }
0x148: {  	s0 =	rddreg [dreg:$0x0];
	s2 =	stileid.u32  }
0x149: {  	s1 =	rddreg [dreg:$0x1];
	p0 =	sne.s32 s2, $0x0  }
0x14a: {  	s3 =	rddreg [dreg:$0x2];
	[bflag:$0x3] =	sbarrier.arrive $0xFFFF;
	s2 =	simm.s32 @!p0 $0x1C03  }
0x14b: {  	[timem:s3], [sflag:s2] =	dma.local @!p0 [hbm:s0], s1  }
0x14c: {  	s0 =	simm.s32 @!p0 $0x3  }
0x14d: {  	_ =	swait.ge @!p0 [sflag:s0], s1  }
0x14e: {  	s1 =	ssub.s32 @!p0 $0x0, s1;
	[sflag:s0] =	ssyncset.done @!p0 $0x0  }
0x14f: {  	[sflag:s0] =	ssyncadd.s32 @!p0 s1  }
0x150: {  	[bflag:$0x3] =	sbarrier.arrive $0xFFFF  }
0x151: {  	_ =	shalt  }

// kernel: kernel.13.cloned.1.call-start
scs
__scs_entry_jumppad:
0x0: {  	(pc) =	sbr.rel $0x88, $3  }
0x1: {  	(tag) =	ssettag $0x0;
	lr =	simm.s32 $0x1  }
0x2: {  	[smem:$0x3F99] =	sst lr;
	_ =	strace $0xD0000000  }
0x3: {  	_ = 	snop  }
0x4: {  	_ = 	snop  }
0x5: {  	_ = 	snop  }
0x6: {  	_ = 	snop  }
0x7: {  	_ = 	snop  }
__scs_overlays_trampoline_lowered:
0x8: {  	[smem:$0x3FA8] =	sst s0  }
0x9: {  	[smem:$0x3FA9] =	sst s1  }
0xa: {  	[smem:$0x3FAA] =	sst s2  }
0xb: {  	[smem:$0x3FAB] =	sst s3  }
0xc: {  	[smem:$0x3FAC] =	sst s4  }
0xd: {  	[smem:$0x3FAD] =	sst s5  }
0xe: {  	[smem:$0x3FAE] =	sst s6  }
0xf: {  	[smem:$0x3FAF] =	sst s7  }
0x10: {  	[smem:$0x3FB0] =	sst s8  }
0x11: {  	[smem:$0x3FB1] =	sst s9;
	s0 =	simm.s32 @!p0 $0x0  }
0x12: {  	s1 =	sld [smem:$0x3F97];
	s0 =	simm.s32 @p0 $0x1  }
0x13: {  	[smem:$0x3FB2] =	sst s0;
	s0 =	simm.s32 @!p1 $0x0  }
0x14: {  	s2 =	sld [smem:$0x3F96];
	s0 =	simm.s32 @p1 $0x1  }
0x15: {  	[smem:$0x3FB3] =	sst s0;
	s0 =	simm.s32 @!p2 $0x0  }
0x16: {  	s3 =	sld [smem:$0x3FDB];
	s0 =	simm.s32 @p2 $0x1  }
0x17: {  	s4 =	simm.s32 $0x1BF5;
	[smem:$0x3FB5] =	sst s0  }
0x18: {  	s0 =	sld [smem:$0x3F98];
	_ =	swait.ge [sflag:s4], $0x0  }
0x19: {  	s7 =	sld [smem:$0x3F99]  }
0x1a: {  	s8 =	sadd.s32 $0xFFFFE003, lr  }
0x1b: {  	s9 =	sadd.s32 $0xFFFFFEF7, lr;
	s5 =	simm.s32 $0xFFFFFFFF;
	p2 =	slt.u32 s8, $0xFFFFF086  }
0x1c: {  	p1 =	slt.u32 s9, $0xF7A;
	s5 =	simm.s32 @!p2 $0x0  }
0x1d: {  	s5 =	simm.s32 @p1 $0x1;
	p0 =	seq.s32 s7, s2  }
0x1e: {  	s7 =	smul.u32 @!p0 $0xF7A, s2;
	p2 =	seq.s32 @!p0 s5, $0x0  }
0x1f: {  	s9 =	smul.u32 $0xF7A, s1;
	s8 =	simm.s32 @!p0 $0x1BF5;
	p2 =	por !p2, p0  }
0x20: {  	[sflag:s8] =	ssyncset.s32 @!p0 $0xFFFFF086;
	s6 =	sadd.s32 @!p0 s3, s7;
	s7 =	simm.s32 @!p0 $0x108  }
0x21: {  	s3 =	sadd.s32 s3, s9;
	s6 =	sadd.s32 @!p0 $0x88, s6;
	s7 =	simm.s32 @p2 $0x1082  }
0x22: {  	[simem:s7], [sflag:s8] =	dma.local @!p0 [hbm:s6], $0xF7A  }
0x23: {  	s9 =	sor.u32 $0xD0000000, s2;
	s6 =	simm.s32 $0x108;
	_ =	swait.ge @!p0 [sflag:s8], $0x0  }
0x24: {  	s3 =	sadd.s32 $0x88, s3;
	s6 =	simm.s32 @!p1 $0x1082;
	[sflag:s4] =	ssyncset.s32 $0xFFFFF086  }
0x25: {  	[simem:s6], [sflag:s4] =	dma.local [hbm:s3], $0xF7A  }
0x26: {  	[smem:$0x3F99] =	sst s1;
	(tag) =	ssettag s2;
	_ =	strace s9  }
0x27: {  	s1 =	sld [smem:$0x3FA9]  }
0x28: {  	s2 =	sld [smem:$0x3FAA]  }
0x29: {  	s4 =	sld [smem:$0x3FAC]  }
0x2a: {  	p0 =	seq.s32 s5, $0x0;
	s5 =	sld [smem:$0x3FAD]  }
0x2b: {  	s6 =	sld [smem:$0x3FAE]  }
0x2c: {  	s7 =	sld [smem:$0x3FAF]  }
0x2d: {  	s3 =	simm.s32 $0x108;
	s8 =	sld [smem:$0x3FB0]  }
0x2e: {  	s3 =	simm.s32 @!p0 $0x1082;
	s9 =	sld [smem:$0x3FB1]  }
0x2f: {  	lr =	sadd.s32 s0, s3;
	s0 =	sld [smem:$0x3FA8]  }
0x30: {  	s3 =	sld [smem:$0x3FAB]  }
0x31: {  	[smem:$0x3FB4] =	sst s10  }
0x32: {  	s10 =	sld [smem:$0x3FB2];
	_ =	sdelay $0x3  }
0x33: {  	p0 =	seq.s32 s10, $0x1;
	s10 =	sld [smem:$0x3FB4];
	_ =	sdelay $0x3  }
0x34: {  	[smem:$0x3FB4] =	sst s10  }
0x35: {  	s10 =	sld [smem:$0x3FB3];
	_ =	sdelay $0x3  }
0x36: {  	p1 =	seq.s32 s10, $0x1;
	s10 =	sld [smem:$0x3FB4];
	_ =	sdelay $0x3  }
0x37: {  	[smem:$0x3FB4] =	sst s10  }
0x38: {  	s10 =	sld [smem:$0x3FB5]  }
0x39: {  	_ = 	snop;
	(pc) =	sbr.ind lr, $3  }
0x3a: {  	_ = 	snop  }
0x3b: {  	_ = 	snop  }
0x3c: {  	p2 =	seq.s32 s10, $0x1;
	s10 =	sld [smem:$0x3FB4]  }
0x3d: {  	_ =	shalt  }
0x3e: {  	_ =	shalt  }
0x3f: {  	_ =	shalt  }
0x40: {  	_ =	shalt  }
0x41: {  	_ =	shalt  }
0x42: {  	_ =	shalt  }
0x43: {  	_ =	shalt  }
0x44: {  	_ =	shalt  }
0x45: {  	_ =	shalt  }
0x46: {  	_ =	shalt  }
0x47: {  	_ =	shalt  }
0x48: {  	_ =	shalt  }
0x49: {  	_ =	shalt  }
0x4a: {  	_ =	shalt  }
0x4b: {  	_ =	shalt  }
0x4c: {  	_ =	shalt  }
0x4d: {  	_ =	shalt  }
0x4e: {  	_ =	shalt  }
0x4f: {  	_ =	shalt  }
0x50: {  	_ =	shalt  }
0x51: {  	_ =	shalt  }
0x52: {  	_ =	shalt  }
0x53: {  	_ =	shalt  }
0x54: {  	_ =	shalt  }
0x55: {  	_ =	shalt  }
0x56: {  	_ =	shalt  }
0x57: {  	_ =	shalt  }
0x58: {  	_ =	shalt  }
0x59: {  	_ =	shalt  }
0x5a: {  	_ =	shalt  }
0x5b: {  	_ =	shalt  }
0x5c: {  	_ =	shalt  }
0x5d: {  	_ =	shalt  }
0x5e: {  	_ =	shalt  }
0x5f: {  	_ =	shalt  }
0x60: {  	_ =	shalt  }
0x61: {  	_ =	shalt  }
0x62: {  	_ =	shalt  }
0x63: {  	_ =	shalt  }
0x64: {  	_ =	shalt  }
0x65: {  	_ =	shalt  }
0x66: {  	_ =	shalt  }
0x67: {  	_ =	shalt  }
0x68: {  	_ =	shalt  }
0x69: {  	_ =	shalt  }
0x6a: {  	_ =	shalt  }
0x6b: {  	_ =	shalt  }
0x6c: {  	_ =	shalt  }
0x6d: {  	_ =	shalt  }
0x6e: {  	_ =	shalt  }
0x6f: {  	_ =	shalt  }
0x70: {  	_ =	shalt  }
0x71: {  	_ =	shalt  }
0x72: {  	_ =	shalt  }
0x73: {  	_ =	shalt  }
0x74: {  	_ =	shalt  }
0x75: {  	_ =	shalt  }
0x76: {  	_ =	shalt  }
0x77: {  	_ =	shalt  }
0x78: {  	_ =	shalt  }
0x79: {  	_ =	shalt  }
0x7a: {  	_ =	shalt  }
0x7b: {  	_ =	shalt  }
0x7c: {  	_ =	shalt  }
0x7d: {  	_ =	shalt  }
0x7e: {  	_ =	shalt  }
0x7f: {  	_ =	shalt  }
0x80: {  	_ =	shalt  }
0x81: {  	_ =	shalt  }
0x82: {  	_ =	shalt  }
0x83: {  	_ =	shalt  }
0x84: {  	_ =	shalt  }
0x85: {  	_ =	shalt  }
0x86: {  	_ =	shalt  }
0x87: {  	_ =	shalt  }
.Lfunc_end0:
.L_simem_size_0:
called_computation.2_lowered:
.L_overlay_start_0:
0x88: {  	s2 =	sld [smem:$0x3FD9]  }
0x89: {  	s3 =	sld [smem:$0x3FFE];
	_ =	sdelay $0x1  }
0x8a: {  	s1 =	srdreg.scid  }
0x8b: {  	s0 =	sand.u32 $0x1, s1  }
0x8c: {  	s17 =	sshll.u32 s0, $0xA;
	s2 =	sadd.s32 s3, s2  }
0x8d: {  	s2 =	sadd.s32 s2, s17  }
0x8e: {  	[smem:$0x3FC0] =	sst s2  }
0x8f: {  	_ = 	snop  }
0x90: {  	s2 =	sld [smem:$0x3FD0];
	(tm) =	ssettm $0x1  }
0x91: {  	s18 =	sld [smem:$0x3FFB];
	_ =	sdelay $0x3  }
0x92: {  	_ =	strace s18  }
0x93: {  	s3 =	sld [smem:$0x3FFC];
	_ =	sdelay $0x3  }
0x94: {  	_ =	strace s3  }
0x95: {  	s3 =	sld [smem:$0x3FFD];
	_ =	sdelay $0x3  }
0x96: {  	_ =	strace s3  }
0x97: {  	_ =	strace $0x8FFFFFFF  }
0x98: {  	s19 =	sld [smem:$0x3FDB];
	_ =	sdelay $0x1  }
0x99: {  	s4 =	simm.s32 $_scs_section_size  }
0x9a: {  	s5 =	simm.s32 $_size__tile_overlayer_lowered;
	s6 =	simm.s32 $_tile_overlayer_lowered  }
0x9b: {  	s22 =	simm.s32 $0x1BFF;
	s21 =	sshll.u32 s6, $0x1;
	s3 =	sadd.s32 s4, s19  }
0x9c: {  	s7 =	simm.s32 $0x0;
	s20 =	sshll.u32 s5, $0x1;
	s5 =	sadd.s32 s21, s3  }
0x9d: {  	[timem:s7], [sflag:s22] =	dma.local [hbm:s5], s20  }
0x9e: {  	_ =	swait.ge [sflag:s22], s20  }
0x9f: {  	s4 =	ssub.s32 $0x0, s20;
	[sflag:s22] =	ssyncset.done $0x0  }
0xa0: {  	[sflag:s22] =	ssyncadd.s32 s4;
	_ =	sdelay $0x1  }
0xa1: {  	s23 =	simm.s32 $0x1B8B  }
0xa2: {  	_ =	swait.ge [sflag:s23], $0x1  }
0xa3: {  	[sflag:s23] =	ssyncset.done $0x0  }
0xa4: {  	s25 =	simm.s32 $0x1B8E;
	s24 =	sld [smem:$0x3FFE];
	[sflag:s23] =	ssyncadd.s32 $0xFFFFFFFF  }
0xa5: {  	s26 =	simm.s32 $execute0_lowered;
	[smem:$0x3FD2] =	sst s25  }
0xa6: {  	s5 =	sshll.u32 s26, $0x1;
	_ =	strace $0x8000004C;
	[dreg:$0x1] =	wrdreg $0xFFFFFFFF  }
0xa7: {  	s28 =	simm.s32 $_size_execute0_lowered;
	s3 =	sadd.s32 s3, s5;
	[dreg:$0x0] =	wrdreg $0x0  }
0xa8: {  	s5 =	sshll.u32 s28, $0x1;
	[dreg:$0x2] =	wrdreg s3  }
0xa9: {  	[dreg:$0x3] =	wrdreg s5  }
0xaa: {  	[dreg:$0x4] =	wrdreg $0xC0  }
0xab: {  	_ =	task [dreg:s7], $0x5FFFF  }
0xac: {  	[dreg:$0x1] =	wrdreg $0xFFFFFFFF  }
0xad: {  	[dreg:$0x0] =	wrdreg $0x60  }
0xae: {  	[dreg:$0x2] =	wrdreg s2  }
0xaf: {  	[dreg:$0x3] =	wrdreg s24  }
0xb0: {  	[dreg:$0x4] =	wrdreg $0x90000  }
0xb1: {  	[dreg:$0x5] =	wrdreg $0x9  }
0xb2: {  	_ =	task.clear_ibuf [dreg:s7], $0x6FFFF;
	_ =	strace $0x9000004C  }
0xb3: {  	s29 =	simm.s32 $0x9;
	_ =	strace $0x8000004E  }
0xb4: {  	_ =	swait.ge [sflag:s29], $0x1  }
0xb5: {  	[sflag:s29] =	ssyncadd.s32 $0xFFFFFFFF  }
0xb6: {  	_ =	strace $0x9000004E  }
0xb7: {  	_ =	sfence  }
0xb8: {  	s30 =	sld [smem:$0x0];
	_ =	sdelay $0x2  }
0xb9: {  	s31 =	sshll.u32 s1, $0xD;
	s1 =	sshrl.u32 s1, $0x2  }
0xba: {  	s3 =	sand.u32 $0x4000, s31;
	s1 =	sadd.s32 s1, s30  }
0xbb: {  	s0 =	sor.u32 s3, s0;
	s1 =	sshll.u32 s1, $0x11  }
0xbc: {  	s0 =	sor.u32 s1, s0  }
0xbd: {  	s0 =	sadd.s32 $0x8F2B, s0  }
0xbe: {  	[sflag:s0] =	ssyncadd.remote.s32 $0x1  }
0xbf: {  	_ =	sfence.sel $0xFFFF  }
0xc0: {  	[dreg:$0x0] =	wrdreg $0xFFFFFFFF;
	(pc) =	sbr.abs _section_cstart, $3  }
0xc1: {  	[dreg:$0x1] =	wrdreg $0xFFFFFFFF  }
0xc2: {  	_ =	task.clear_ibuf [dreg:s7], $0x2FFFF;
	_ =	strace $0x9FFFFFFF  }
0xc3: {  	(tm) =	ssettm $0x7FFFFFFF  }
tec
execute0_lowered:
.L_overlay_start_1:
0x0: {  	(tag) =	ssettag $0x1  }
0x1: {  	s0 =	rddreg [dreg:$0x0]  }
0x2: {  	s1 =	rddreg [dreg:$0x1];
	s2 =	srdreg.scid  }
0x3: {  	s3 =	rddreg [dreg:$0x2];
	s10 =	stileid.u32;
	s4 =	simm.s32 $0x0  }
0x4: {  	s14 =	simm.s32 $0x800;
	s16 =	simm.s32 $0x100;
	s17 =	simm.s32 $0x880  }
0x5: {  	s18 =	simm.s32 $0x180;
	s19 =	simm.s32 $0x900;
	[smem:$0x7FF] =	sst s4  }
0x6: {  	s21 =	simm.s32 $0x200;
	_ =	strace $0x8000004D;
	[dreg:$0x5] =	wrdreg s14  }
0x7: {  	s22 =	simm.s32 $0x980;
	s23 =	simm.s32 $0x280;
	[dreg:$0x6] =	wrdreg s16  }
0x8: {  	s24 =	simm.s32 $0xA00;
	s25 =	simm.s32 $0x300;
	[dreg:$0x7] =	wrdreg s17  }
0x9: {  	s26 =	simm.s32 $0xA80;
	s28 =	simm.s32 $0xD80;
	[dreg:$0x8] =	wrdreg s18  }
0xa: {  	s29 =	simm.s32 $0x680;
	s6 =	smul.u32 $0x27800, s10;
	[dreg:$0x9] =	wrdreg s19  }
0xb: {  	s30 =	simm.s32 $0xE00;
	s7 =	smul.u32 $0x2780, s10;
	[dreg:$0xa] =	wrdreg s21  }
0xc: {  	s31 =	simm.s32 $0x700;
	s11 =	smul.u32 $0x4F000, s10;
	[dreg:$0xb] =	wrdreg s22  }
0xd: {  	s2 =	sand.u32 $0x1, s2;
	s9 =	smul.u32 $0xA00, s10;
	[dreg:$0xc] =	wrdreg s23  }
0xe: {  	s15 =	sshll.u32 s10, $0x6;
	s10 =	simm.s32 $0x3;
	[dreg:$0xd] =	wrdreg s24  }
0xf: {  	s5 =	smul.u32 $0xA000, s2;
	s8 =	sshll.u32 s2, $0x7;
	[dreg:$0xe] =	wrdreg s25  }
0x10: {  	s2 =	ssub.s32 $0x2, s2;
	s14 =	simm.s32 $0x1;
	[dreg:$0xf] =	wrdreg s26  }
0x11: {  	s16 =	simm.s32 $0x380;
	s17 =	simm.s32 $0xB00;
	s18 =	simm.s32 $0x400  }
0x12: {  	s19 =	simm.s32 $0xB80;
	s21 =	simm.s32 $0xC00;
	s22 =	simm.s32 $0x500  }
0x13: {  	s23 =	simm.s32 $0xC80;
	s24 =	simm.s32 $0x580;
	s25 =	simm.s32 $0xD00  }
0x14: {  	s26 =	simm.s32 $0x600;
	s6 =	sor.u32 s8, s6;
	s7 =	sadd.s32 s7, s1  }
0x15: {  	s12 =	sshrl.u32 s2, $0x1;
	s8 =	sshrl.u32 s11, $0x2;
	s11 =	simm.s32 $0x80  }
0x16: {  	s5 =	sadd.s32 s5, s1;
	s6 =	sshrl.u32 s6, $0x3;
	s2 =	ssub.s32 s2, s12  }
0x17: {  	s13 =	sadd.s32 s8, s3;
	s7 =	sadd.s32 $0x16000, s7;
	s12 =	simm.s32 $0x1000  }
0x18: {  	s8 =	simm.s32 $0x0;
	s1 =	sadd.s32 s6, s1;
	s5 =	sadd.s32 s9, s5  }
0x19: {  	[dreg:$0x10] =	wrdreg s7;
	s9 =	sor.u32 $0x1C03, s15;
	s2 =	smax.u32 s2, $0x1  }
0x1a: {  	s20 =	sshrl.u32 s13, $0x3;
	s13 =	simm.s32 $0x5000;
	[dreg:$0x13] =	wrdreg s2  }
0x1b: {  	s15 =	simm.s32 $0x2;
	s7 =	simm.s32 $0xF80;
	[dreg:$0x14] =	wrdreg s20  }
0x1c: {  	s5 =	sadd.s32 $0x2000, s5;
	s1 =	sadd.s32 $0x3D800, s1;
	[dreg:$0x11] =	wrdreg s9  }
0x1d: {  	s20 =	simm.s32 $0x480;
	s2 =	simm.s32 $0x780;
	[dreg:$0x4] =	wrdreg s5  }
0x1e: {  	[dreg:$0x12] =	wrdreg s1;
	s1 =	simm.s32 $0xE80;
	s5 =	simm.s32 $0xF00  }
.LBB2_1:
0x1f: {  	[dreg:$0x15] =	wrdreg s8  }
0x20: {  	s6 =	rddreg [dreg:$0x10]  }
0x21: {  	s8 =	rddreg [dreg:$0x14]  }
0x22: {  	[spmem:s8], [sflag:s9] =	dma.local [hbm:s6], $0x2780  }
0x23: {  	_ =	swait.ge [sflag:s10], $0x2780  }
0x24: {  	[sflag:s10] =	ssyncset.done $0x0  }
0x25: {  	[sflag:s10] =	ssyncadd.s32 $0xFFFFD880  }
0x26: {  	[bflag:$0x0] =	sbarrier.arrive $0xFFFF  }
0x27: {  	s8 =	rddreg [dreg:$0x4]  }
0x28: {  	s6 =	sadd.s32 $0x0, s8  }
0x29: {  	[tilespmem:s4], [sflag:$0x3] =	stream.linear.gather [hbm4b:s6+s4], $0x1000, $0x38;
	[tilespmem:$0x1CC00] =	vst v63  }
0x2a: {  	_ =	swait.ge [sflag:s10], $0x1000  }
0x2b: {  	[sflag:s10] =	ssyncset.done $0x0  }
0x2c: {  	[sflag:s10] =	ssyncadd.s32 $0xFFFFF000  }
0x2d: {  	[tilespmem:s12], [sflag:$0x1] =	stream.indirect.gather [hbm4b:s0+s11], $0x80, s4, s11, $0xb8;
	[tilespmem:$0x1CC00] =	vst v63  }
0x2e: {  	_ = 	snop  }
0x2f: {  	[tilespmem:s13], [sflag:$0x2] =	stream.indirect.gather [hbm4b:s0+s11], $0x80, s11, s11, $0xb8;
	[tilespmem:$0x1CC00] =	vst v63  }
0x30: {  	_ =	swait.ge [sflag:s14], $0x4000  }
0x31: {  	[sflag:s14] =	ssyncset.done $0x0  }
0x32: {  	s9 =	rddreg [dreg:$0x5];
	[sflag:s14] =	ssyncadd.s32 $0xFFFFC000  }
0x33: {  	[spmem:s3] =	stream.indirect.scatter.add.f32 [tilespmem:s12], [sflag:$0x3], $0x80, s9, s11, $0xb8;
	[tilespmem:$0x1CC00] =	vst v63  }
0x34: {  	_ =	swait.ge [sflag:s10], $0x4000  }
0x35: {  	[sflag:s10] =	ssyncset.done $0x0  }
0x36: {  	s8 =	rddreg [dreg:$0x6];
	[sflag:s10] =	ssyncadd.s32 $0xFFFFC000  }
0x37: {  	[tilespmem:s12], [sflag:$0x1] =	stream.indirect.gather [hbm4b:s0+s11], $0x80, s8, s11, $0xb8;
	[tilespmem:$0x1CC00] =	vst v63  }
0x38: {  	_ =	swait.ge [sflag:s15], $0x4000  }
0x39: {  	[sflag:s15] =	ssyncset.done $0x0  }
0x3a: {  	s9 =	rddreg [dreg:$0x7];
	[sflag:s15] =	ssyncadd.s32 $0xFFFFC000  }
0x3b: {  	[spmem:s3] =	stream.indirect.scatter.add.f32 [tilespmem:s13], [sflag:$0x3], $0x80, s9, s11, $0xb8;
	[tilespmem:$0x1CC00] =	vst v63  }
0x3c: {  	_ =	swait.ge [sflag:s10], $0x4000  }
0x3d: {  	[sflag:s10] =	ssyncset.done $0x0  }
0x3e: {  	s8 =	rddreg [dreg:$0x8];
	[sflag:s10] =	ssyncadd.s32 $0xFFFFC000  }
0x3f: {  	[tilespmem:s13], [sflag:$0x2] =	stream.indirect.gather [hbm4b:s0+s11], $0x80, s8, s11, $0xb8;
	[tilespmem:$0x1CC00] =	vst v63  }
0x40: {  	_ =	swait.ge [sflag:s14], $0x4000  }
0x41: {  	[sflag:s14] =	ssyncset.done $0x0  }
0x42: {  	s9 =	rddreg [dreg:$0x9];
	[sflag:s14] =	ssyncadd.s32 $0xFFFFC000  }
0x43: {  	[spmem:s3] =	stream.indirect.scatter.add.f32 [tilespmem:s12], [sflag:$0x3], $0x80, s9, s11, $0xb8;
	[tilespmem:$0x1CC00] =	vst v63  }
0x44: {  	_ =	swait.ge [sflag:s10], $0x4000  }
0x45: {  	[sflag:s10] =	ssyncset.done $0x0  }
0x46: {  	s8 =	rddreg [dreg:$0xa];
	[sflag:s10] =	ssyncadd.s32 $0xFFFFC000  }
0x47: {  	[tilespmem:s12], [sflag:$0x1] =	stream.indirect.gather [hbm4b:s0+s11], $0x80, s8, s11, $0xb8;
	[tilespmem:$0x1CC00] =	vst v63  }
0x48: {  	_ =	swait.ge [sflag:s15], $0x4000  }
0x49: {  	[sflag:s15] =	ssyncset.done $0x0  }
0x4a: {  	s9 =	rddreg [dreg:$0xb];
	[sflag:s15] =	ssyncadd.s32 $0xFFFFC000  }
0x4b: {  	[spmem:s3] =	stream.indirect.scatter.add.f32 [tilespmem:s13], [sflag:$0x3], $0x80, s9, s11, $0xb8;
	[tilespmem:$0x1CC00] =	vst v63  }
0x4c: {  	_ =	swait.ge [sflag:s10], $0x4000  }
0x4d: {  	[sflag:s10] =	ssyncset.done $0x0  }
0x4e: {  	s8 =	rddreg [dreg:$0xc];
	[sflag:s10] =	ssyncadd.s32 $0xFFFFC000  }
0x4f: {  	[tilespmem:s13], [sflag:$0x2] =	stream.indirect.gather [hbm4b:s0+s11], $0x80, s8, s11, $0xb8;
	[tilespmem:$0x1CC00] =	vst v63  }
0x50: {  	_ =	swait.ge [sflag:s14], $0x4000  }
0x51: {  	[sflag:s14] =	ssyncset.done $0x0  }
0x52: {  	s9 =	rddreg [dreg:$0xd];
	[sflag:s14] =	ssyncadd.s32 $0xFFFFC000  }
0x53: {  	[spmem:s3] =	stream.indirect.scatter.add.f32 [tilespmem:s12], [sflag:$0x3], $0x80, s9, s11, $0xb8;
	[tilespmem:$0x1CC00] =	vst v63  }
0x54: {  	_ =	swait.ge [sflag:s10], $0x4000  }
0x55: {  	[sflag:s10] =	ssyncset.done $0x0  }
0x56: {  	s8 =	rddreg [dreg:$0xe];
	[sflag:s10] =	ssyncadd.s32 $0xFFFFC000  }
0x57: {  	[tilespmem:s12], [sflag:$0x1] =	stream.indirect.gather [hbm4b:s0+s11], $0x80, s8, s11, $0xb8;
	[tilespmem:$0x1CC00] =	vst v63  }
0x58: {  	_ =	swait.ge [sflag:s15], $0x4000  }
0x59: {  	[sflag:s15] =	ssyncset.done $0x0  }
0x5a: {  	s9 =	rddreg [dreg:$0xf];
	[sflag:s15] =	ssyncadd.s32 $0xFFFFC000  }
0x5b: {  	[spmem:s3] =	stream.indirect.scatter.add.f32 [tilespmem:s13], [sflag:$0x3], $0x80, s9, s11, $0xb8;
	[tilespmem:$0x1CC00] =	vst v63  }
0x5c: {  	_ =	swait.ge [sflag:s10], $0x4000  }
0x5d: {  	[sflag:s10] =	ssyncset.done $0x0  }
0x5e: {  	[sflag:s10] =	ssyncadd.s32 $0xFFFFC000  }
0x5f: {  	[tilespmem:s13], [sflag:$0x2] =	stream.indirect.gather [hbm4b:s0+s11], $0x80, s16, s11, $0xb8;
	[tilespmem:$0x1CC00] =	vst v63  }
0x60: {  	_ =	swait.ge [sflag:s14], $0x4000  }
0x61: {  	[sflag:s14] =	ssyncset.done $0x0  }
0x62: {  	[sflag:s14] =	ssyncadd.s32 $0xFFFFC000  }
0x63: {  	[spmem:s3] =	stream.indirect.scatter.add.f32 [tilespmem:s12], [sflag:$0x3], $0x80, s17, s11, $0xb8;
	[tilespmem:$0x1CC00] =	vst v63  }
0x64: {  	_ =	swait.ge [sflag:s10], $0x4000  }
0x65: {  	[sflag:s10] =	ssyncset.done $0x0  }
0x66: {  	[sflag:s10] =	ssyncadd.s32 $0xFFFFC000  }
0x67: {  	[tilespmem:s12], [sflag:$0x1] =	stream.indirect.gather [hbm4b:s0+s11], $0x80, s18, s11, $0xb8;
	[tilespmem:$0x1CC00] =	vst v63  }
0x68: {  	_ =	swait.ge [sflag:s15], $0x4000  }
0x69: {  	[sflag:s15] =	ssyncset.done $0x0  }
0x6a: {  	[sflag:s15] =	ssyncadd.s32 $0xFFFFC000  }
0x6b: {  	[spmem:s3] =	stream.indirect.scatter.add.f32 [tilespmem:s13], [sflag:$0x3], $0x80, s19, s11, $0xb8;
	[tilespmem:$0x1CC00] =	vst v63  }
0x6c: {  	_ =	swait.ge [sflag:s10], $0x4000  }
0x6d: {  	[sflag:s10] =	ssyncset.done $0x0  }
0x6e: {  	[sflag:s10] =	ssyncadd.s32 $0xFFFFC000  }
0x6f: {  	[tilespmem:s13], [sflag:$0x2] =	stream.indirect.gather [hbm4b:s0+s11], $0x80, s20, s11, $0xb8;
	[tilespmem:$0x1CC00] =	vst v63  }
0x70: {  	_ =	swait.ge [sflag:s14], $0x4000  }
0x71: {  	[sflag:s14] =	ssyncset.done $0x0  }
0x72: {  	[sflag:s14] =	ssyncadd.s32 $0xFFFFC000  }
0x73: {  	[spmem:s3] =	stream.indirect.scatter.add.f32 [tilespmem:s12], [sflag:$0x3], $0x80, s21, s11, $0xb8;
	[tilespmem:$0x1CC00] =	vst v63  }
0x74: {  	_ =	swait.ge [sflag:s10], $0x4000  }
0x75: {  	[sflag:s10] =	ssyncset.done $0x0  }
0x76: {  	[sflag:s10] =	ssyncadd.s32 $0xFFFFC000  }
0x77: {  	[tilespmem:s12], [sflag:$0x1] =	stream.indirect.gather [hbm4b:s0+s11], $0x80, s22, s11, $0xb8;
	[tilespmem:$0x1CC00] =	vst v63  }
0x78: {  	_ =	swait.ge [sflag:s15], $0x4000  }
0x79: {  	[sflag:s15] =	ssyncset.done $0x0  }
0x7a: {  	[sflag:s15] =	ssyncadd.s32 $0xFFFFC000  }
0x7b: {  	[spmem:s3] =	stream.indirect.scatter.add.f32 [tilespmem:s13], [sflag:$0x3], $0x80, s23, s11, $0xb8;
	[tilespmem:$0x1CC00] =	vst v63  }
0x7c: {  	_ =	swait.ge [sflag:s10], $0x4000  }
0x7d: {  	[sflag:s10] =	ssyncset.done $0x0  }
0x7e: {  	[sflag:s10] =	ssyncadd.s32 $0xFFFFC000  }
0x7f: {  	[tilespmem:s13], [sflag:$0x2] =	stream.indirect.gather [hbm4b:s0+s11], $0x80, s24, s11, $0xb8;
	[tilespmem:$0x1CC00] =	vst v63  }
0x80: {  	_ =	swait.ge [sflag:s14], $0x4000  }
0x81: {  	[sflag:s14] =	ssyncset.done $0x0  }
0x82: {  	[sflag:s14] =	ssyncadd.s32 $0xFFFFC000  }
0x83: {  	[spmem:s3] =	stream.indirect.scatter.add.f32 [tilespmem:s12], [sflag:$0x3], $0x80, s25, s11, $0xb8;
	[tilespmem:$0x1CC00] =	vst v63  }
0x84: {  	_ =	swait.ge [sflag:s10], $0x4000  }
0x85: {  	[sflag:s10] =	ssyncset.done $0x0  }
0x86: {  	[sflag:s10] =	ssyncadd.s32 $0xFFFFC000  }
0x87: {  	[tilespmem:s12], [sflag:$0x1] =	stream.indirect.gather [hbm4b:s0+s11], $0x80, s26, s11, $0xb8;
	[tilespmem:$0x1CC00] =	vst v63  }
0x88: {  	_ =	swait.ge [sflag:s15], $0x4000  }
0x89: {  	[sflag:s15] =	ssyncset.done $0x0  }
0x8a: {  	[sflag:s15] =	ssyncadd.s32 $0xFFFFC000  }
0x8b: {  	[spmem:s3] =	stream.indirect.scatter.add.f32 [tilespmem:s13], [sflag:$0x3], $0x80, s28, s11, $0xb8;
	[tilespmem:$0x1CC00] =	vst v63  }
0x8c: {  	_ =	swait.ge [sflag:s10], $0x4000  }
0x8d: {  	[sflag:s10] =	ssyncset.done $0x0  }
0x8e: {  	[sflag:s10] =	ssyncadd.s32 $0xFFFFC000  }
0x8f: {  	[tilespmem:s13], [sflag:$0x2] =	stream.indirect.gather [hbm4b:s0+s11], $0x80, s29, s11, $0xb8;
	[tilespmem:$0x1CC00] =	vst v63  }
0x90: {  	_ =	swait.ge [sflag:s14], $0x4000  }
0x91: {  	[sflag:s14] =	ssyncset.done $0x0  }
0x92: {  	[sflag:s14] =	ssyncadd.s32 $0xFFFFC000  }
0x93: {  	[spmem:s3] =	stream.indirect.scatter.add.f32 [tilespmem:s12], [sflag:$0x3], $0x80, s30, s11, $0xb8;
	[tilespmem:$0x1CC00] =	vst v63  }
0x94: {  	_ =	swait.ge [sflag:s10], $0x4000  }
0x95: {  	[sflag:s10] =	ssyncset.done $0x0  }
0x96: {  	[sflag:s10] =	ssyncadd.s32 $0xFFFFC000  }
0x97: {  	[tilespmem:s12], [sflag:$0x1] =	stream.indirect.gather [hbm4b:s0+s11], $0x80, s31, s11, $0xb8;
	[tilespmem:$0x1CC00] =	vst v63  }
0x98: {  	_ =	swait.ge [sflag:s15], $0x4000  }
0x99: {  	[sflag:s15] =	ssyncset.done $0x0  }
0x9a: {  	[sflag:s15] =	ssyncadd.s32 $0xFFFFC000  }
0x9b: {  	[spmem:s3] =	stream.indirect.scatter.add.f32 [tilespmem:s13], [sflag:$0x3], $0x80, s1, s11, $0xb8;
	[tilespmem:$0x1CC00] =	vst v63  }
0x9c: {  	_ =	swait.ge [sflag:s10], $0x4000  }
0x9d: {  	[sflag:s10] =	ssyncset.done $0x0  }
0x9e: {  	[sflag:s10] =	ssyncadd.s32 $0xFFFFC000  }
0x9f: {  	[tilespmem:s13], [sflag:$0x2] =	stream.indirect.gather [hbm4b:s0+s11], $0x80, s2, s11, $0xb8;
	[tilespmem:$0x1CC00] =	vst v63  }
0xa0: {  	_ =	swait.ge [sflag:s14], $0x4000  }
0xa1: {  	[sflag:s14] =	ssyncset.done $0x0  }
0xa2: {  	[sflag:s14] =	ssyncadd.s32 $0xFFFFC000  }
0xa3: {  	[spmem:s3] =	stream.indirect.scatter.add.f32 [tilespmem:s12], [sflag:$0x3], $0x80, s5, s11, $0xb8;
	[tilespmem:$0x1CC00] =	vst v63  }
0xa4: {  	_ =	swait.ge [sflag:s10], $0x4000  }
0xa5: {  	[sflag:s10] =	ssyncset.done $0x0  }
0xa6: {  	[sflag:s10] =	ssyncadd.s32 $0xFFFFC000  }
0xa7: {  	_ =	swait.ge [sflag:s15], $0x4000  }
0xa8: {  	[sflag:s15] =	ssyncset.done $0x0  }
0xa9: {  	[sflag:s15] =	ssyncadd.s32 $0xFFFFC000  }
0xaa: {  	[spmem:s3] =	stream.indirect.scatter.add.f32 [tilespmem:s13], [sflag:$0x3], $0x80, s7, s11, $0xb8;
	[tilespmem:$0x1CC00] =	vst v63  }
0xab: {  	s6 =	simm.s32 $0x200;
	_ =	swait.ge [sflag:s10], $0x4000  }
.LBB2_2:
0xac: {  	s9 =	rddreg [dreg:$0x4];
	s8 =	smov.u32 s6;
	[sflag:s10] =	ssyncset.done $0x0  }
0xad: {  	s8 =	sadd.s32 s8, s9;
	[sflag:s10] =	ssyncadd.s32 $0xFFFFC000  }
0xae: {  	[tilespmem:s4], [sflag:$0x3] =	stream.linear.gather [hbm4b:s8+s4], $0x1000, $0x38;
	[tilespmem:$0x1CC00] =	vst v63  }
0xaf: {  	_ =	swait.ge [sflag:s10], $0x1000  }
0xb0: {  	[sflag:s10] =	ssyncset.done $0x0  }
0xb1: {  	[sflag:s10] =	ssyncadd.s32 $0xFFFFF000  }
0xb2: {  	[tilespmem:s12], [sflag:$0x1] =	stream.indirect.gather [hbm4b:s0+s11], $0x80, s4, s11, $0xb8;
	[tilespmem:$0x1CC00] =	vst v63  }
0xb3: {  	_ = 	snop  }
0xb4: {  	[tilespmem:s13], [sflag:$0x2] =	stream.indirect.gather [hbm4b:s0+s11], $0x80, s11, s11, $0xb8;
	[tilespmem:$0x1CC00] =	vst v63  }
0xb5: {  	_ =	swait.ge [sflag:s14], $0x4000  }
0xb6: {  	[sflag:s14] =	ssyncset.done $0x0  }
0xb7: {  	s9 =	rddreg [dreg:$0x5];
	[sflag:s14] =	ssyncadd.s32 $0xFFFFC000  }
0xb8: {  	[spmem:s3] =	stream.indirect.scatter.add.f32 [tilespmem:s12], [sflag:$0x3], $0x80, s9, s11, $0xb8;
	[tilespmem:$0x1CC00] =	vst v63  }
0xb9: {  	_ =	swait.ge [sflag:s10], $0x4000  }
0xba: {  	[sflag:s10] =	ssyncset.done $0x0  }
0xbb: {  	s9 =	rddreg [dreg:$0x6];
	[sflag:s10] =	ssyncadd.s32 $0xFFFFC000  }
0xbc: {  	[tilespmem:s12], [sflag:$0x1] =	stream.indirect.gather [hbm4b:s0+s11], $0x80, s9, s11, $0xb8;
	[tilespmem:$0x1CC00] =	vst v63  }
0xbd: {  	_ =	swait.ge [sflag:s15], $0x4000  }
0xbe: {  	[sflag:s15] =	ssyncset.done $0x0  }
0xbf: {  	s9 =	rddreg [dreg:$0x7];
	[sflag:s15] =	ssyncadd.s32 $0xFFFFC000  }
0xc0: {  	[spmem:s3] =	stream.indirect.scatter.add.f32 [tilespmem:s13], [sflag:$0x3], $0x80, s9, s11, $0xb8;
	[tilespmem:$0x1CC00] =	vst v63  }
0xc1: {  	_ =	swait.ge [sflag:s10], $0x4000  }
0xc2: {  	[sflag:s10] =	ssyncset.done $0x0  }
0xc3: {  	s9 =	rddreg [dreg:$0x8];
	[sflag:s10] =	ssyncadd.s32 $0xFFFFC000  }
0xc4: {  	[tilespmem:s13], [sflag:$0x2] =	stream.indirect.gather [hbm4b:s0+s11], $0x80, s9, s11, $0xb8;
	[tilespmem:$0x1CC00] =	vst v63  }
0xc5: {  	_ =	swait.ge [sflag:s14], $0x4000  }
0xc6: {  	[sflag:s14] =	ssyncset.done $0x0  }
0xc7: {  	s9 =	rddreg [dreg:$0x9];
	[sflag:s14] =	ssyncadd.s32 $0xFFFFC000  }
0xc8: {  	[spmem:s3] =	stream.indirect.scatter.add.f32 [tilespmem:s12], [sflag:$0x3], $0x80, s9, s11, $0xb8;
	[tilespmem:$0x1CC00] =	vst v63  }
0xc9: {  	_ =	swait.ge [sflag:s10], $0x4000  }
0xca: {  	[sflag:s10] =	ssyncset.done $0x0  }
0xcb: {  	s9 =	rddreg [dreg:$0xa];
	[sflag:s10] =	ssyncadd.s32 $0xFFFFC000  }
0xcc: {  	[tilespmem:s12], [sflag:$0x1] =	stream.indirect.gather [hbm4b:s0+s11], $0x80, s9, s11, $0xb8;
	[tilespmem:$0x1CC00] =	vst v63  }
0xcd: {  	_ =	swait.ge [sflag:s15], $0x4000  }
0xce: {  	[sflag:s15] =	ssyncset.done $0x0  }
0xcf: {  	s9 =	rddreg [dreg:$0xb];
	[sflag:s15] =	ssyncadd.s32 $0xFFFFC000  }
0xd0: {  	[spmem:s3] =	stream.indirect.scatter.add.f32 [tilespmem:s13], [sflag:$0x3], $0x80, s9, s11, $0xb8;
	[tilespmem:$0x1CC00] =	vst v63  }
0xd1: {  	_ =	swait.ge [sflag:s10], $0x4000  }
0xd2: {  	[sflag:s10] =	ssyncset.done $0x0  }
0xd3: {  	s9 =	rddreg [dreg:$0xc];
	[sflag:s10] =	ssyncadd.s32 $0xFFFFC000  }
0xd4: {  	[tilespmem:s13], [sflag:$0x2] =	stream.indirect.gather [hbm4b:s0+s11], $0x80, s9, s11, $0xb8;
	[tilespmem:$0x1CC00] =	vst v63  }
0xd5: {  	_ =	swait.ge [sflag:s14], $0x4000  }
0xd6: {  	[sflag:s14] =	ssyncset.done $0x0  }
0xd7: {  	s9 =	rddreg [dreg:$0xd];
	[sflag:s14] =	ssyncadd.s32 $0xFFFFC000  }
0xd8: {  	[spmem:s3] =	stream.indirect.scatter.add.f32 [tilespmem:s12], [sflag:$0x3], $0x80, s9, s11, $0xb8;
	[tilespmem:$0x1CC00] =	vst v63  }
0xd9: {  	_ =	swait.ge [sflag:s10], $0x4000  }
0xda: {  	[sflag:s10] =	ssyncset.done $0x0  }
0xdb: {  	s9 =	rddreg [dreg:$0xe];
	[sflag:s10] =	ssyncadd.s32 $0xFFFFC000  }
0xdc: {  	[tilespmem:s12], [sflag:$0x1] =	stream.indirect.gather [hbm4b:s0+s11], $0x80, s9, s11, $0xb8;
	[tilespmem:$0x1CC00] =	vst v63  }
0xdd: {  	_ =	swait.ge [sflag:s15], $0x4000  }
0xde: {  	[sflag:s15] =	ssyncset.done $0x0  }
0xdf: {  	s9 =	rddreg [dreg:$0xf];
	[sflag:s15] =	ssyncadd.s32 $0xFFFFC000  }
0xe0: {  	[spmem:s3] =	stream.indirect.scatter.add.f32 [tilespmem:s13], [sflag:$0x3], $0x80, s9, s11, $0xb8;
	[tilespmem:$0x1CC00] =	vst v63  }
0xe1: {  	_ =	swait.ge [sflag:s10], $0x4000  }
0xe2: {  	[sflag:s10] =	ssyncset.done $0x0  }
0xe3: {  	[sflag:s10] =	ssyncadd.s32 $0xFFFFC000  }
0xe4: {  	[tilespmem:s13], [sflag:$0x2] =	stream.indirect.gather [hbm4b:s0+s11], $0x80, s16, s11, $0xb8;
	[tilespmem:$0x1CC00] =	vst v63  }
0xe5: {  	_ =	swait.ge [sflag:s14], $0x4000  }
0xe6: {  	[sflag:s14] =	ssyncset.done $0x0  }
0xe7: {  	[sflag:s14] =	ssyncadd.s32 $0xFFFFC000  }
0xe8: {  	[spmem:s3] =	stream.indirect.scatter.add.f32 [tilespmem:s12], [sflag:$0x3], $0x80, s17, s11, $0xb8;
	[tilespmem:$0x1CC00] =	vst v63  }
0xe9: {  	_ =	swait.ge [sflag:s10], $0x4000  }
0xea: {  	[sflag:s10] =	ssyncset.done $0x0  }
0xeb: {  	[sflag:s10] =	ssyncadd.s32 $0xFFFFC000  }
0xec: {  	[tilespmem:s12], [sflag:$0x1] =	stream.indirect.gather [hbm4b:s0+s11], $0x80, s18, s11, $0xb8;
	[tilespmem:$0x1CC00] =	vst v63  }
0xed: {  	_ =	swait.ge [sflag:s15], $0x4000  }
0xee: {  	[sflag:s15] =	ssyncset.done $0x0  }
0xef: {  	[sflag:s15] =	ssyncadd.s32 $0xFFFFC000  }
0xf0: {  	[spmem:s3] =	stream.indirect.scatter.add.f32 [tilespmem:s13], [sflag:$0x3], $0x80, s19, s11, $0xb8;
	[tilespmem:$0x1CC00] =	vst v63  }
0xf1: {  	_ =	swait.ge [sflag:s10], $0x4000  }
0xf2: {  	[sflag:s10] =	ssyncset.done $0x0  }
0xf3: {  	[sflag:s10] =	ssyncadd.s32 $0xFFFFC000  }
0xf4: {  	[tilespmem:s13], [sflag:$0x2] =	stream.indirect.gather [hbm4b:s0+s11], $0x80, s20, s11, $0xb8;
	[tilespmem:$0x1CC00] =	vst v63  }
0xf5: {  	_ =	swait.ge [sflag:s14], $0x4000  }
0xf6: {  	[sflag:s14] =	ssyncset.done $0x0  }
0xf7: {  	[sflag:s14] =	ssyncadd.s32 $0xFFFFC000  }
0xf8: {  	[spmem:s3] =	stream.indirect.scatter.add.f32 [tilespmem:s12], [sflag:$0x3], $0x80, s21, s11, $0xb8;
	[tilespmem:$0x1CC00] =	vst v63  }
0xf9: {  	_ =	swait.ge [sflag:s10], $0x4000  }
0xfa: {  	[sflag:s10] =	ssyncset.done $0x0  }
0xfb: {  	[sflag:s10] =	ssyncadd.s32 $0xFFFFC000  }
0xfc: {  	[tilespmem:s12], [sflag:$0x1] =	stream.indirect.gather [hbm4b:s0+s11], $0x80, s22, s11, $0xb8;
	[tilespmem:$0x1CC00] =	vst v63  }
0xfd: {  	_ =	swait.ge [sflag:s15], $0x4000  }
0xfe: {  	[sflag:s15] =	ssyncset.done $0x0  }
0xff: {  	[sflag:s15] =	ssyncadd.s32 $0xFFFFC000  }
0x100: {  	[spmem:s3] =	stream.indirect.scatter.add.f32 [tilespmem:s13], [sflag:$0x3], $0x80, s23, s11, $0xb8;
	[tilespmem:$0x1CC00] =	vst v63  }
0x101: {  	_ =	swait.ge [sflag:s10], $0x4000  }
0x102: {  	[sflag:s10] =	ssyncset.done $0x0  }
0x103: {  	[sflag:s10] =	ssyncadd.s32 $0xFFFFC000  }
0x104: {  	[tilespmem:s13], [sflag:$0x2] =	stream.indirect.gather [hbm4b:s0+s11], $0x80, s24, s11, $0xb8;
	[tilespmem:$0x1CC00] =	vst v63  }
0x105: {  	_ =	swait.ge [sflag:s14], $0x4000  }
0x106: {  	[sflag:s14] =	ssyncset.done $0x0  }
0x107: {  	[sflag:s14] =	ssyncadd.s32 $0xFFFFC000  }
0x108: {  	[spmem:s3] =	stream.indirect.scatter.add.f32 [tilespmem:s12], [sflag:$0x3], $0x80, s25, s11, $0xb8;
	[tilespmem:$0x1CC00] =	vst v63  }
0x109: {  	_ =	swait.ge [sflag:s10], $0x4000  }
0x10a: {  	[sflag:s10] =	ssyncset.done $0x0  }
0x10b: {  	[sflag:s10] =	ssyncadd.s32 $0xFFFFC000  }
0x10c: {  	[tilespmem:s12], [sflag:$0x1] =	stream.indirect.gather [hbm4b:s0+s11], $0x80, s26, s11, $0xb8;
	[tilespmem:$0x1CC00] =	vst v63  }
0x10d: {  	_ =	swait.ge [sflag:s15], $0x4000  }
0x10e: {  	[sflag:s15] =	ssyncset.done $0x0  }
0x10f: {  	[sflag:s15] =	ssyncadd.s32 $0xFFFFC000  }
0x110: {  	[spmem:s3] =	stream.indirect.scatter.add.f32 [tilespmem:s13], [sflag:$0x3], $0x80, s28, s11, $0xb8;
	[tilespmem:$0x1CC00] =	vst v63  }
0x111: {  	_ =	swait.ge [sflag:s10], $0x4000  }
0x112: {  	[sflag:s10] =	ssyncset.done $0x0  }
0x113: {  	[sflag:s10] =	ssyncadd.s32 $0xFFFFC000  }
0x114: {  	[tilespmem:s13], [sflag:$0x2] =	stream.indirect.gather [hbm4b:s0+s11], $0x80, s29, s11, $0xb8;
	[tilespmem:$0x1CC00] =	vst v63  }
0x115: {  	_ =	swait.ge [sflag:s14], $0x4000  }
0x116: {  	[sflag:s14] =	ssyncset.done $0x0  }
0x117: {  	[sflag:s14] =	ssyncadd.s32 $0xFFFFC000  }
0x118: {  	[spmem:s3] =	stream.indirect.scatter.add.f32 [tilespmem:s12], [sflag:$0x3], $0x80, s30, s11, $0xb8;
	[tilespmem:$0x1CC00] =	vst v63  }
0x119: {  	_ =	swait.ge [sflag:s10], $0x4000  }
0x11a: {  	[sflag:s10] =	ssyncset.done $0x0  }
0x11b: {  	[sflag:s10] =	ssyncadd.s32 $0xFFFFC000  }
0x11c: {  	[tilespmem:s12], [sflag:$0x1] =	stream.indirect.gather [hbm4b:s0+s11], $0x80, s31, s11, $0xb8;
	[tilespmem:$0x1CC00] =	vst v63  }
0x11d: {  	_ =	swait.ge [sflag:s15], $0x4000  }
0x11e: {  	[sflag:s15] =	ssyncset.done $0x0  }
0x11f: {  	[sflag:s15] =	ssyncadd.s32 $0xFFFFC000  }
0x120: {  	[spmem:s3] =	stream.indirect.scatter.add.f32 [tilespmem:s13], [sflag:$0x3], $0x80, s1, s11, $0xb8;
	[tilespmem:$0x1CC00] =	vst v63  }
0x121: {  	_ =	swait.ge [sflag:s10], $0x4000  }
0x122: {  	[sflag:s10] =	ssyncset.done $0x0  }
0x123: {  	[sflag:s10] =	ssyncadd.s32 $0xFFFFC000  }
0x124: {  	[tilespmem:s13], [sflag:$0x2] =	stream.indirect.gather [hbm4b:s0+s11], $0x80, s2, s11, $0xb8;
	[tilespmem:$0x1CC00] =	vst v63  }
0x125: {  	_ =	swait.ge [sflag:s14], $0x4000  }
0x126: {  	[sflag:s14] =	ssyncset.done $0x0  }
0x127: {  	[sflag:s14] =	ssyncadd.s32 $0xFFFFC000  }
0x128: {  	[spmem:s3] =	stream.indirect.scatter.add.f32 [tilespmem:s12], [sflag:$0x3], $0x80, s5, s11, $0xb8;
	[tilespmem:$0x1CC00] =	vst v63  }
0x129: {  	_ =	swait.ge [sflag:s10], $0x4000  }
0x12a: {  	[sflag:s10] =	ssyncset.done $0x0  }
0x12b: {  	p0 =	sne.s32 s6, $0x800;
	[sflag:s10] =	ssyncadd.s32 $0xFFFFC000  }
.Ltmp0:
0x12c: {  	_ =	swait.ge [sflag:s15], $0x4000;
	(pc) =	sbr.rel @p0 .LBB2_2-.Ltmp0, $4  }
0x12d: {  	[sflag:s15] =	ssyncset.done $0x0  }
0x12e: {  	[sflag:s15] =	ssyncadd.s32 $0xFFFFC000  }
0x12f: {  	[spmem:s3] =	stream.indirect.scatter.add.f32 [tilespmem:s13], [sflag:$0x3], $0x80, s7, s11, $0xb8;
	[tilespmem:$0x1CC00] =	vst v63  }
0x130: {  	s6 =	sadd.s32 $0x200, s6;
	_ =	swait.ge [sflag:s10], $0x4000  }
0x131: {  	[sflag:s10] =	ssyncset.done $0x0  }
0x132: {  	[sflag:s10] =	ssyncadd.s32 $0xFFFFC000  }
0x133: {  	[bflag:$0x0] =	sbarrier.arrive $0xFFFF  }
0x134: {  	s6 =	rddreg [dreg:$0x12]  }
0x135: {  	s16 =	rddreg [dreg:$0x11]  }
0x136: {  	s8 =	simm.s32 $0x20;
	s9 =	simm.s32 $0x10;
	s17 =	rddreg [dreg:$0x14]  }
0x137: {  	[hbm:s6@s8], [sflag:s16] =	dma.strided [spmem:s17@s9], $0x2780, s14, $0x10   }
0x138: {  	s9 =	rddreg [dreg:$0x11];
	_ =	swait.ge [sflag:s10], $0x2780  }
0x139: {  	s6 =	rddreg [dreg:$0x15]  }
0x13a: {  	s8 =	sadd.s32 $0x1, s6;
	s6 =	rddreg [dreg:$0x13]  }
0x13b: {  	p0 =	sne.s32 s8, s6  }
.Ltmp1:
0x13c: {  	_ = 	snop;
	(pc) =	sbr.rel @p0 .LBB2_1-.Ltmp1, $3  }
0x13d: {  	_ =	sdelay $0x1  }
0x13e: {  	[sflag:s10] =	ssyncset.done $0x0  }
0x13f: {  	s17 =	simm.s32 $0xB00;
	s16 =	simm.s32 $0x380;
	[sflag:s10] =	ssyncadd.s32 $0xFFFFD880  }
0x140: {  	_ =	sfence.sel $0x180000  }
0x141: {  	[bflag:$0x0] =	sbarrier.arrive $0xFFFF  }
0x142: {  	_ =	strace $0x9000004D  }
0x143: {  	s0 =	stileid.u32;
	[bflag:$0x2] =	sbarrier.arrive $0xFFFF  }
0x144: {  	p0 =	sne.s32 s0, $0x0;
	s0 =	rddreg [dreg:$0x3]  }
0x145: {  	s0 =	sadd.s32 @!p0 $0x100000, s0  }
0x146: {  	[sflag:s0] =	ssyncadd.tile.s32 @!p0 $0x1;
	_ =	shalt  }
.Lfunc_end2:
_tile_overlayer_lowered:
.L_overlay_start_2:
0x147: {  	(tag) =	ssettag $0x2  }
0x148: {  	s0 =	rddreg [dreg:$0x0];
	s2 =	stileid.u32  }
0x149: {  	s1 =	rddreg [dreg:$0x1];
	p0 =	sne.s32 s2, $0x0  }
0x14a: {  	s3 =	rddreg [dreg:$0x2];
	[bflag:$0x3] =	sbarrier.arrive $0xFFFF;
	s2 =	simm.s32 @!p0 $0x1C03  }
0x14b: {  	[timem:s3], [sflag:s2] =	dma.local @!p0 [hbm:s0], s1  }
0x14c: {  	s0 =	simm.s32 @!p0 $0x3  }
0x14d: {  	_ =	swait.ge @!p0 [sflag:s0], s1  }
0x14e: {  	s1 =	ssub.s32 @!p0 $0x0, s1;
	[sflag:s0] =	ssyncset.done @!p0 $0x0  }
0x14f: {  	[sflag:s0] =	ssyncadd.s32 @!p0 s1  }
0x150: {  	[bflag:$0x3] =	sbarrier.arrive $0xFFFF  }
0x151: {  	_ =	shalt  }

// kernel: kernel.7.cloned.1.call-start
scs
__scs_entry_jumppad:
0x0: {  	(pc) =	sbr.rel $0x88, $3  }
0x1: {  	(tag) =	ssettag $0x0;
	lr =	simm.s32 $0x1  }
0x2: {  	[smem:$0x3F99] =	sst lr;
	_ =	strace $0xD0000000  }
0x3: {  	_ = 	snop  }
0x4: {  	_ = 	snop  }
0x5: {  	_ = 	snop  }
0x6: {  	_ = 	snop  }
0x7: {  	_ = 	snop  }
__scs_overlays_trampoline_lowered:
0x8: {  	[smem:$0x3FA8] =	sst s0  }
0x9: {  	[smem:$0x3FA9] =	sst s1  }
0xa: {  	[smem:$0x3FAA] =	sst s2  }
0xb: {  	[smem:$0x3FAB] =	sst s3  }
0xc: {  	[smem:$0x3FAC] =	sst s4  }
0xd: {  	[smem:$0x3FAD] =	sst s5  }
0xe: {  	[smem:$0x3FAE] =	sst s6  }
0xf: {  	[smem:$0x3FAF] =	sst s7  }
0x10: {  	[smem:$0x3FB0] =	sst s8  }
0x11: {  	[smem:$0x3FB1] =	sst s9;
	s0 =	simm.s32 @!p0 $0x0  }
0x12: {  	s1 =	sld [smem:$0x3F97];
	s0 =	simm.s32 @p0 $0x1  }
0x13: {  	[smem:$0x3FB2] =	sst s0;
	s0 =	simm.s32 @!p1 $0x0  }
0x14: {  	s2 =	sld [smem:$0x3F96];
	s0 =	simm.s32 @p1 $0x1  }
0x15: {  	[smem:$0x3FB3] =	sst s0;
	s0 =	simm.s32 @!p2 $0x0  }
0x16: {  	s3 =	sld [smem:$0x3FDB];
	s0 =	simm.s32 @p2 $0x1  }
0x17: {  	s4 =	simm.s32 $0x1BF5;
	[smem:$0x3FB5] =	sst s0  }
0x18: {  	s0 =	sld [smem:$0x3F98];
	_ =	swait.ge [sflag:s4], $0x0  }
0x19: {  	s7 =	sld [smem:$0x3F99]  }
0x1a: {  	s8 =	sadd.s32 $0xFFFFE003, lr  }
0x1b: {  	s9 =	sadd.s32 $0xFFFFFEF7, lr;
	s5 =	simm.s32 $0xFFFFFFFF;
	p2 =	slt.u32 s8, $0xFFFFF086  }
0x1c: {  	p1 =	slt.u32 s9, $0xF7A;
	s5 =	simm.s32 @!p2 $0x0  }
0x1d: {  	s5 =	simm.s32 @p1 $0x1;
	p0 =	seq.s32 s7, s2  }
0x1e: {  	s7 =	smul.u32 @!p0 $0xF7A, s2;
	p2 =	seq.s32 @!p0 s5, $0x0  }
0x1f: {  	s9 =	smul.u32 $0xF7A, s1;
	s8 =	simm.s32 @!p0 $0x1BF5;
	p2 =	por !p2, p0  }
0x20: {  	[sflag:s8] =	ssyncset.s32 @!p0 $0xFFFFF086;
	s6 =	sadd.s32 @!p0 s3, s7;
	s7 =	simm.s32 @!p0 $0x108  }
0x21: {  	s3 =	sadd.s32 s3, s9;
	s6 =	sadd.s32 @!p0 $0x88, s6;
	s7 =	simm.s32 @p2 $0x1082  }
0x22: {  	[simem:s7], [sflag:s8] =	dma.local @!p0 [hbm:s6], $0xF7A  }
0x23: {  	s9 =	sor.u32 $0xD0000000, s2;
	s6 =	simm.s32 $0x108;
	_ =	swait.ge @!p0 [sflag:s8], $0x0  }
0x24: {  	s3 =	sadd.s32 $0x88, s3;
	s6 =	simm.s32 @!p1 $0x1082;
	[sflag:s4] =	ssyncset.s32 $0xFFFFF086  }
0x25: {  	[simem:s6], [sflag:s4] =	dma.local [hbm:s3], $0xF7A  }
0x26: {  	[smem:$0x3F99] =	sst s1;
	(tag) =	ssettag s2;
	_ =	strace s9  }
0x27: {  	s1 =	sld [smem:$0x3FA9]  }
0x28: {  	s2 =	sld [smem:$0x3FAA]  }
0x29: {  	s4 =	sld [smem:$0x3FAC]  }
0x2a: {  	p0 =	seq.s32 s5, $0x0;
	s5 =	sld [smem:$0x3FAD]  }
0x2b: {  	s6 =	sld [smem:$0x3FAE]  }
0x2c: {  	s7 =	sld [smem:$0x3FAF]  }
0x2d: {  	s3 =	simm.s32 $0x108;
	s8 =	sld [smem:$0x3FB0]  }
0x2e: {  	s3 =	simm.s32 @!p0 $0x1082;
	s9 =	sld [smem:$0x3FB1]  }
0x2f: {  	lr =	sadd.s32 s0, s3;
	s0 =	sld [smem:$0x3FA8]  }
0x30: {  	s3 =	sld [smem:$0x3FAB]  }
0x31: {  	[smem:$0x3FB4] =	sst s10  }
0x32: {  	s10 =	sld [smem:$0x3FB2];
	_ =	sdelay $0x3  }
0x33: {  	p0 =	seq.s32 s10, $0x1;
	s10 =	sld [smem:$0x3FB4];
	_ =	sdelay $0x3  }
0x34: {  	[smem:$0x3FB4] =	sst s10  }
0x35: {  	s10 =	sld [smem:$0x3FB3];
	_ =	sdelay $0x3  }
0x36: {  	p1 =	seq.s32 s10, $0x1;
	s10 =	sld [smem:$0x3FB4];
	_ =	sdelay $0x3  }
0x37: {  	[smem:$0x3FB4] =	sst s10  }
0x38: {  	s10 =	sld [smem:$0x3FB5]  }
0x39: {  	_ = 	snop;
	(pc) =	sbr.ind lr, $3  }
0x3a: {  	_ = 	snop  }
0x3b: {  	_ = 	snop  }
0x3c: {  	p2 =	seq.s32 s10, $0x1;
	s10 =	sld [smem:$0x3FB4]  }
0x3d: {  	_ =	shalt  }
0x3e: {  	_ =	shalt  }
0x3f: {  	_ =	shalt  }
0x40: {  	_ =	shalt  }
0x41: {  	_ =	shalt  }
0x42: {  	_ =	shalt  }
0x43: {  	_ =	shalt  }
0x44: {  	_ =	shalt  }
0x45: {  	_ =	shalt  }
0x46: {  	_ =	shalt  }
0x47: {  	_ =	shalt  }
0x48: {  	_ =	shalt  }
0x49: {  	_ =	shalt  }
0x4a: {  	_ =	shalt  }
0x4b: {  	_ =	shalt  }
0x4c: {  	_ =	shalt  }
0x4d: {  	_ =	shalt  }
0x4e: {  	_ =	shalt  }
0x4f: {  	_ =	shalt  }
0x50: {  	_ =	shalt  }
0x51: {  	_ =	shalt  }
0x52: {  	_ =	shalt  }
0x53: {  	_ =	shalt  }
0x54: {  	_ =	shalt  }
0x55: {  	_ =	shalt  }
0x56: {  	_ =	shalt  }
0x57: {  	_ =	shalt  }
0x58: {  	_ =	shalt  }
0x59: {  	_ =	shalt  }
0x5a: {  	_ =	shalt  }
0x5b: {  	_ =	shalt  }
0x5c: {  	_ =	shalt  }
0x5d: {  	_ =	shalt  }
0x5e: {  	_ =	shalt  }
0x5f: {  	_ =	shalt  }
0x60: {  	_ =	shalt  }
0x61: {  	_ =	shalt  }
0x62: {  	_ =	shalt  }
0x63: {  	_ =	shalt  }
0x64: {  	_ =	shalt  }
0x65: {  	_ =	shalt  }
0x66: {  	_ =	shalt  }
0x67: {  	_ =	shalt  }
0x68: {  	_ =	shalt  }
0x69: {  	_ =	shalt  }
0x6a: {  	_ =	shalt  }
0x6b: {  	_ =	shalt  }
0x6c: {  	_ =	shalt  }
0x6d: {  	_ =	shalt  }
0x6e: {  	_ =	shalt  }
0x6f: {  	_ =	shalt  }
0x70: {  	_ =	shalt  }
0x71: {  	_ =	shalt  }
0x72: {  	_ =	shalt  }
0x73: {  	_ =	shalt  }
0x74: {  	_ =	shalt  }
0x75: {  	_ =	shalt  }
0x76: {  	_ =	shalt  }
0x77: {  	_ =	shalt  }
0x78: {  	_ =	shalt  }
0x79: {  	_ =	shalt  }
0x7a: {  	_ =	shalt  }
0x7b: {  	_ =	shalt  }
0x7c: {  	_ =	shalt  }
0x7d: {  	_ =	shalt  }
0x7e: {  	_ =	shalt  }
0x7f: {  	_ =	shalt  }
0x80: {  	_ =	shalt  }
0x81: {  	_ =	shalt  }
0x82: {  	_ =	shalt  }
0x83: {  	_ =	shalt  }
0x84: {  	_ =	shalt  }
0x85: {  	_ =	shalt  }
0x86: {  	_ =	shalt  }
0x87: {  	_ =	shalt  }
.Lfunc_end0:
.L_simem_size_0:
called_computation_lowered:
.L_overlay_start_0:
0x88: {  	s2 =	sld [smem:$0x3FD9]  }
0x89: {  	s3 =	sld [smem:$0x3FFE];
	_ =	sdelay $0x1  }
0x8a: {  	s1 =	srdreg.scid  }
0x8b: {  	s0 =	sand.u32 $0x1, s1  }
0x8c: {  	s17 =	sshll.u32 s0, $0xA;
	s2 =	sadd.s32 s3, s2  }
0x8d: {  	s2 =	sadd.s32 s2, s17  }
0x8e: {  	[smem:$0x3FC0] =	sst s2  }
0x8f: {  	_ = 	snop  }
0x90: {  	s2 =	sld [smem:$0x3FD0];
	(tm) =	ssettm $0x1  }
0x91: {  	s18 =	sld [smem:$0x3FFB];
	_ =	sdelay $0x3  }
0x92: {  	_ =	strace s18  }
0x93: {  	s3 =	sld [smem:$0x3FFC];
	_ =	sdelay $0x3  }
0x94: {  	_ =	strace s3  }
0x95: {  	s3 =	sld [smem:$0x3FFD];
	_ =	sdelay $0x3  }
0x96: {  	_ =	strace s3  }
0x97: {  	_ =	strace $0x8FFFFFFF  }
0x98: {  	s19 =	sld [smem:$0x3FDB];
	_ =	sdelay $0x1  }
0x99: {  	s4 =	simm.s32 $_scs_section_size  }
0x9a: {  	s5 =	simm.s32 $_size__tile_overlayer_lowered;
	s6 =	simm.s32 $_tile_overlayer_lowered  }
0x9b: {  	s22 =	simm.s32 $0x1BFF;
	s21 =	sshll.u32 s6, $0x1;
	s3 =	sadd.s32 s4, s19  }
0x9c: {  	s7 =	simm.s32 $0x0;
	s20 =	sshll.u32 s5, $0x1;
	s5 =	sadd.s32 s21, s3  }
0x9d: {  	[timem:s7], [sflag:s22] =	dma.local [hbm:s5], s20  }
0x9e: {  	_ =	swait.ge [sflag:s22], s20  }
0x9f: {  	s4 =	ssub.s32 $0x0, s20;
	[sflag:s22] =	ssyncset.done $0x0  }
0xa0: {  	[sflag:s22] =	ssyncadd.s32 s4;
	_ =	sdelay $0x1  }
0xa1: {  	s23 =	simm.s32 $0x1B8B  }
0xa2: {  	_ =	swait.ge [sflag:s23], $0x1  }
0xa3: {  	[sflag:s23] =	ssyncset.done $0x0  }
0xa4: {  	s25 =	simm.s32 $0x1B8E;
	s24 =	sld [smem:$0x3FFE];
	[sflag:s23] =	ssyncadd.s32 $0xFFFFFFFF  }
0xa5: {  	s26 =	simm.s32 $execute0_lowered;
	[smem:$0x3FD2] =	sst s25  }
0xa6: {  	s5 =	sshll.u32 s26, $0x1;
	_ =	strace $0x80000046;
	[dreg:$0x1] =	wrdreg $0xFFFFFFFF  }
0xa7: {  	s28 =	simm.s32 $_size_execute0_lowered;
	s3 =	sadd.s32 s3, s5;
	[dreg:$0x0] =	wrdreg $0x0  }
0xa8: {  	s5 =	sshll.u32 s28, $0x1;
	[dreg:$0x2] =	wrdreg s3  }
0xa9: {  	[dreg:$0x3] =	wrdreg s5  }
0xaa: {  	[dreg:$0x4] =	wrdreg $0xC0  }
0xab: {  	_ =	task [dreg:s7], $0x5FFFF  }
0xac: {  	[dreg:$0x1] =	wrdreg $0xFFFFFFFF  }
0xad: {  	[dreg:$0x0] =	wrdreg $0x60  }
0xae: {  	[dreg:$0x2] =	wrdreg s24  }
0xaf: {  	[dreg:$0x3] =	wrdreg s2  }
0xb0: {  	[dreg:$0x4] =	wrdreg $0x48000  }
0xb1: {  	[dreg:$0x5] =	wrdreg $0x9  }
0xb2: {  	_ =	task.clear_ibuf [dreg:s7], $0x6FFFF;
	_ =	strace $0x90000046  }
0xb3: {  	s29 =	simm.s32 $0x9;
	_ =	strace $0x80000048  }
0xb4: {  	_ =	swait.ge [sflag:s29], $0x1  }
0xb5: {  	[sflag:s29] =	ssyncadd.s32 $0xFFFFFFFF  }
0xb6: {  	_ =	strace $0x90000048  }
0xb7: {  	_ =	sfence  }
0xb8: {  	s30 =	sld [smem:$0x0];
	_ =	sdelay $0x2  }
0xb9: {  	s31 =	sshll.u32 s1, $0xD;
	s1 =	sshrl.u32 s1, $0x2  }
0xba: {  	s3 =	sand.u32 $0x4000, s31;
	s1 =	sadd.s32 s1, s30  }
0xbb: {  	s0 =	sor.u32 s3, s0;
	s1 =	sshll.u32 s1, $0x11  }
0xbc: {  	s0 =	sor.u32 s1, s0  }
0xbd: {  	s0 =	sadd.s32 $0x8F2B, s0  }
0xbe: {  	[sflag:s0] =	ssyncadd.remote.s32 $0x1  }
0xbf: {  	_ =	sfence.sel $0xFFFF  }
0xc0: {  	[dreg:$0x0] =	wrdreg $0xFFFFFFFF;
	(pc) =	sbr.abs _section_cstart, $3  }
0xc1: {  	[dreg:$0x1] =	wrdreg $0xFFFFFFFF  }
0xc2: {  	_ =	task.clear_ibuf [dreg:s7], $0x2FFFF;
	_ =	strace $0x9FFFFFFF  }
0xc3: {  	(tm) =	ssettm $0x7FFFFFFF  }
tec
execute0_lowered:
.L_overlay_start_1:
0x0: {  	(tag) =	ssettag $0x1  }
0x1: {  	s0 =	rddreg [dreg:$0x0]  }
0x2: {  	s1 =	rddreg [dreg:$0x1]  }
0x3: {  	s2 =	srdreg.scid;
	s3 =	rddreg [dreg:$0x2]  }
0x4: {  	s21 =	stileid.u32;
	s4 =	simm.s32 $0x0;
	s12 =	simm.s32 $0x800  }
0x5: {  	s13 =	simm.s32 $0x80;
	s14 =	simm.s32 $0x100;
	s15 =	simm.s32 $0x180  }
0x6: {  	s16 =	simm.s32 $0x200;
	s17 =	simm.s32 $0x280;
	s18 =	simm.s32 $0x300  }
0x7: {  	s19 =	simm.s32 $0x380;
	s20 =	simm.s32 $0x400;
	s7 =	smul.u32 $0x2780, s21  }
0x8: {  	s28 =	simm.s32 $0x780;
	s29 =	simm.s32 $0x0;
	s23 =	smul.u32 $0x4F000, s21  }
0x9: {  	s5 =	sand.u32 $0x1, s2;
	[smem:$0x7FF] =	sst s4;
	s26 =	smul.u32 $0xA00, s21  }
0xa: {  	s30 =	sshll.u32 s21, $0x6;
	s21 =	simm.s32 $0x480;
	s6 =	smul.u32 $0xA000, s5  }
0xb: {  	s8 =	smul.u32 $0x27800, s5;
	_ =	strace $0x80000047;
	s5 =	ssub.s32 $0x2, s5  }
0xc: {  	s24 =	sshrl.u32 s5, $0x1;
	s25 =	sshrl.u32 s23, $0x2;
	s23 =	simm.s32 $0x580  }
0xd: {  	s9 =	sadd.s32 s6, s0;
	s22 =	sadd.s32 s7, s8;
	s7 =	sadd.s32 s7, s0  }
0xe: {  	s10 =	ssub.s32 s5, s24;
	s11 =	sadd.s32 s25, s3;
	s6 =	sor.u32 $0x1C01, s30  }
0xf: {  	s24 =	simm.s32 $0x600;
	s25 =	simm.s32 $0x680;
	s0 =	sadd.s32 s22, s0  }
0x10: {  	s5 =	sadd.s32 $0x16000, s7;
	s31 =	sadd.s32 s26, s9;
	s8 =	smax.u32 s10, $0x1  }
0x11: {  	s10 =	sshrl.u32 s11, $0x3;
	s11 =	simm.s32 $0x1;
	s22 =	simm.s32 $0x500  }
0x12: {  	s26 =	simm.s32 $0x700;
	s7 =	sadd.s32 $0x3D800, s0;
	s9 =	sadd.s32 $0x2000, s31  }
.LBB2_1:
0x13: {  	[spmem:s10], [sflag:s6] =	dma.local [hbm:s5], $0x2780  }
0x14: {  	_ =	swait.ge [sflag:s11], $0x2780  }
0x15: {  	[sflag:s11] =	ssyncset.done $0x0  }
0x16: {  	[sflag:s11] =	ssyncadd.s32 $0xFFFFD880  }
0x17: {  	[tilespmem:s12], [sflag:$0x1] =	stream.linear.gather [hbm4b:s1+s4], $0x4000, $0x38;
	[tilespmem:$0x18400] =	vst v63  }
0x18: {  	_ =	swait.ge [sflag:s11], $0x4000  }
0x19: {  	[sflag:s11] =	ssyncset.done $0x0  }
0x1a: {  	[sflag:s11] =	ssyncadd.s32 $0xFFFFC000  }
0x1b: {  	s0 =	sadd.s32 $0x100, s9;
	[bflag:$0x0] =	sbarrier.arrive $0xFFFF  }
0x1c: {  	[tilespmem:s4], [sflag:$0x1] =	stream.linear.gather [hbm4b:s0+s4], $0x800, $0x38;
	[tilespmem:$0x18400] =	vst v63  }
0x1d: {  	_ =	swait.ge [sflag:s11], $0x800  }
0x1e: {  	[sflag:s11] =	ssyncset.done $0x0  }
0x1f: {  	[sflag:s11] =	ssyncadd.s32 $0xFFFFF800  }
0x20: {  	[spmem:s3] =	stream.indirect.scatter.add.f32 [tilespmem:s12], [sflag:$0x1], $0x80, s4, s13, $0xb8;
	[tilespmem:$0x18400] =	vst v63  }
0x21: {  	_ =	swait.ge [sflag:s11], $0x4000  }
0x22: {  	[sflag:s11] =	ssyncset.done $0x0  }
0x23: {  	[sflag:s11] =	ssyncadd.s32 $0xFFFFC000  }
0x24: {  	[spmem:s3] =	stream.indirect.scatter.add.f32 [tilespmem:s12], [sflag:$0x1], $0x80, s13, s13, $0xb8;
	[tilespmem:$0x18400] =	vst v63  }
0x25: {  	_ =	swait.ge [sflag:s11], $0x4000  }
0x26: {  	[sflag:s11] =	ssyncset.done $0x0  }
0x27: {  	[sflag:s11] =	ssyncadd.s32 $0xFFFFC000  }
0x28: {  	[spmem:s3] =	stream.indirect.scatter.add.f32 [tilespmem:s12], [sflag:$0x1], $0x80, s14, s13, $0xb8;
	[tilespmem:$0x18400] =	vst v63  }
0x29: {  	_ =	swait.ge [sflag:s11], $0x4000  }
0x2a: {  	[sflag:s11] =	ssyncset.done $0x0  }
0x2b: {  	[sflag:s11] =	ssyncadd.s32 $0xFFFFC000  }
0x2c: {  	[spmem:s3] =	stream.indirect.scatter.add.f32 [tilespmem:s12], [sflag:$0x1], $0x80, s15, s13, $0xb8;
	[tilespmem:$0x18400] =	vst v63  }
0x2d: {  	_ =	swait.ge [sflag:s11], $0x4000  }
0x2e: {  	[sflag:s11] =	ssyncset.done $0x0  }
0x2f: {  	[sflag:s11] =	ssyncadd.s32 $0xFFFFC000  }
0x30: {  	[spmem:s3] =	stream.indirect.scatter.add.f32 [tilespmem:s12], [sflag:$0x1], $0x80, s16, s13, $0xb8;
	[tilespmem:$0x18400] =	vst v63  }
0x31: {  	_ =	swait.ge [sflag:s11], $0x4000  }
0x32: {  	[sflag:s11] =	ssyncset.done $0x0  }
0x33: {  	[sflag:s11] =	ssyncadd.s32 $0xFFFFC000  }
0x34: {  	[spmem:s3] =	stream.indirect.scatter.add.f32 [tilespmem:s12], [sflag:$0x1], $0x80, s17, s13, $0xb8;
	[tilespmem:$0x18400] =	vst v63  }
0x35: {  	_ =	swait.ge [sflag:s11], $0x4000  }
0x36: {  	[sflag:s11] =	ssyncset.done $0x0  }
0x37: {  	[sflag:s11] =	ssyncadd.s32 $0xFFFFC000  }
0x38: {  	[spmem:s3] =	stream.indirect.scatter.add.f32 [tilespmem:s12], [sflag:$0x1], $0x80, s18, s13, $0xb8;
	[tilespmem:$0x18400] =	vst v63  }
0x39: {  	_ =	swait.ge [sflag:s11], $0x4000  }
0x3a: {  	[sflag:s11] =	ssyncset.done $0x0  }
0x3b: {  	[sflag:s11] =	ssyncadd.s32 $0xFFFFC000  }
0x3c: {  	[spmem:s3] =	stream.indirect.scatter.add.f32 [tilespmem:s12], [sflag:$0x1], $0x80, s19, s13, $0xb8;
	[tilespmem:$0x18400] =	vst v63  }
0x3d: {  	_ =	swait.ge [sflag:s11], $0x4000  }
0x3e: {  	[sflag:s11] =	ssyncset.done $0x0  }
0x3f: {  	[sflag:s11] =	ssyncadd.s32 $0xFFFFC000  }
0x40: {  	[spmem:s3] =	stream.indirect.scatter.add.f32 [tilespmem:s12], [sflag:$0x1], $0x80, s20, s13, $0xb8;
	[tilespmem:$0x18400] =	vst v63  }
0x41: {  	_ =	swait.ge [sflag:s11], $0x4000  }
0x42: {  	[sflag:s11] =	ssyncset.done $0x0  }
0x43: {  	[sflag:s11] =	ssyncadd.s32 $0xFFFFC000  }
0x44: {  	[spmem:s3] =	stream.indirect.scatter.add.f32 [tilespmem:s12], [sflag:$0x1], $0x80, s21, s13, $0xb8;
	[tilespmem:$0x18400] =	vst v63  }
0x45: {  	_ =	swait.ge [sflag:s11], $0x4000  }
0x46: {  	[sflag:s11] =	ssyncset.done $0x0  }
0x47: {  	[sflag:s11] =	ssyncadd.s32 $0xFFFFC000  }
0x48: {  	[spmem:s3] =	stream.indirect.scatter.add.f32 [tilespmem:s12], [sflag:$0x1], $0x80, s22, s13, $0xb8;
	[tilespmem:$0x18400] =	vst v63  }
0x49: {  	_ =	swait.ge [sflag:s11], $0x4000  }
0x4a: {  	[sflag:s11] =	ssyncset.done $0x0  }
0x4b: {  	[sflag:s11] =	ssyncadd.s32 $0xFFFFC000  }
0x4c: {  	[spmem:s3] =	stream.indirect.scatter.add.f32 [tilespmem:s12], [sflag:$0x1], $0x80, s23, s13, $0xb8;
	[tilespmem:$0x18400] =	vst v63  }
0x4d: {  	_ =	swait.ge [sflag:s11], $0x4000  }
0x4e: {  	[sflag:s11] =	ssyncset.done $0x0  }
0x4f: {  	[sflag:s11] =	ssyncadd.s32 $0xFFFFC000  }
0x50: {  	[spmem:s3] =	stream.indirect.scatter.add.f32 [tilespmem:s12], [sflag:$0x1], $0x80, s24, s13, $0xb8;
	[tilespmem:$0x18400] =	vst v63  }
0x51: {  	_ =	swait.ge [sflag:s11], $0x4000  }
0x52: {  	[sflag:s11] =	ssyncset.done $0x0  }
0x53: {  	[sflag:s11] =	ssyncadd.s32 $0xFFFFC000  }
0x54: {  	[spmem:s3] =	stream.indirect.scatter.add.f32 [tilespmem:s12], [sflag:$0x1], $0x80, s25, s13, $0xb8;
	[tilespmem:$0x18400] =	vst v63  }
0x55: {  	_ =	swait.ge [sflag:s11], $0x4000  }
0x56: {  	[sflag:s11] =	ssyncset.done $0x0  }
0x57: {  	[sflag:s11] =	ssyncadd.s32 $0xFFFFC000  }
0x58: {  	[spmem:s3] =	stream.indirect.scatter.add.f32 [tilespmem:s12], [sflag:$0x1], $0x80, s26, s13, $0xb8;
	[tilespmem:$0x18400] =	vst v63  }
0x59: {  	_ =	swait.ge [sflag:s11], $0x4000  }
0x5a: {  	[sflag:s11] =	ssyncset.done $0x0  }
0x5b: {  	[sflag:s11] =	ssyncadd.s32 $0xFFFFC000  }
0x5c: {  	[spmem:s3] =	stream.indirect.scatter.add.f32 [tilespmem:s12], [sflag:$0x1], $0x80, s28, s13, $0xb8;
	[tilespmem:$0x18400] =	vst v63  }
0x5d: {  	_ =	swait.ge [sflag:s11], $0x4000  }
0x5e: {  	s30 =	simm.s32 $0x300;
	s31 =	simm.s32 $0x500;
	[sflag:s11] =	ssyncset.done $0x0  }
.LBB2_2:
0x5f: {  	s2 =	sadd.s32 s30, s9  }
0x60: {  	[sflag:s11] =	ssyncadd.s32 $0xFFFFC000;
	s30 =	smov.u32 s31;
	s0 =	sadd.s32 $0x200, s31  }
0x61: {  	[tilespmem:s4], [sflag:$0x1] =	stream.linear.gather [hbm4b:s2+s4], $0x800, $0x38;
	[tilespmem:$0x18400] =	vst v63  }
0x62: {  	p0 =	sne.s32 s31, $0x900;
	_ =	swait.ge [sflag:s11], $0x800  }
0x63: {  	[sflag:s11] =	ssyncset.done $0x0  }
0x64: {  	[sflag:s11] =	ssyncadd.s32 $0xFFFFF800  }
0x65: {  	[spmem:s3] =	stream.indirect.scatter.add.f32 [tilespmem:s12], [sflag:$0x1], $0x80, s4, s13, $0xb8;
	[tilespmem:$0x18400] =	vst v63  }
0x66: {  	_ =	swait.ge [sflag:s11], $0x4000  }
0x67: {  	[sflag:s11] =	ssyncset.done $0x0  }
0x68: {  	[sflag:s11] =	ssyncadd.s32 $0xFFFFC000  }
0x69: {  	[spmem:s3] =	stream.indirect.scatter.add.f32 [tilespmem:s12], [sflag:$0x1], $0x80, s13, s13, $0xb8;
	[tilespmem:$0x18400] =	vst v63  }
0x6a: {  	_ =	swait.ge [sflag:s11], $0x4000  }
0x6b: {  	[sflag:s11] =	ssyncset.done $0x0  }
0x6c: {  	[sflag:s11] =	ssyncadd.s32 $0xFFFFC000  }
0x6d: {  	[spmem:s3] =	stream.indirect.scatter.add.f32 [tilespmem:s12], [sflag:$0x1], $0x80, s14, s13, $0xb8;
	[tilespmem:$0x18400] =	vst v63  }
0x6e: {  	_ =	swait.ge [sflag:s11], $0x4000  }
0x6f: {  	[sflag:s11] =	ssyncset.done $0x0  }
0x70: {  	[sflag:s11] =	ssyncadd.s32 $0xFFFFC000  }
0x71: {  	[spmem:s3] =	stream.indirect.scatter.add.f32 [tilespmem:s12], [sflag:$0x1], $0x80, s15, s13, $0xb8;
	[tilespmem:$0x18400] =	vst v63  }
0x72: {  	_ =	swait.ge [sflag:s11], $0x4000  }
0x73: {  	[sflag:s11] =	ssyncset.done $0x0  }
0x74: {  	[sflag:s11] =	ssyncadd.s32 $0xFFFFC000  }
0x75: {  	[spmem:s3] =	stream.indirect.scatter.add.f32 [tilespmem:s12], [sflag:$0x1], $0x80, s16, s13, $0xb8;
	[tilespmem:$0x18400] =	vst v63  }
0x76: {  	_ =	swait.ge [sflag:s11], $0x4000  }
0x77: {  	[sflag:s11] =	ssyncset.done $0x0  }
0x78: {  	[sflag:s11] =	ssyncadd.s32 $0xFFFFC000  }
0x79: {  	[spmem:s3] =	stream.indirect.scatter.add.f32 [tilespmem:s12], [sflag:$0x1], $0x80, s17, s13, $0xb8;
	[tilespmem:$0x18400] =	vst v63  }
0x7a: {  	_ =	swait.ge [sflag:s11], $0x4000  }
0x7b: {  	[sflag:s11] =	ssyncset.done $0x0  }
0x7c: {  	[sflag:s11] =	ssyncadd.s32 $0xFFFFC000  }
0x7d: {  	[spmem:s3] =	stream.indirect.scatter.add.f32 [tilespmem:s12], [sflag:$0x1], $0x80, s18, s13, $0xb8;
	[tilespmem:$0x18400] =	vst v63  }
0x7e: {  	_ =	swait.ge [sflag:s11], $0x4000  }
0x7f: {  	[sflag:s11] =	ssyncset.done $0x0  }
0x80: {  	[sflag:s11] =	ssyncadd.s32 $0xFFFFC000  }
0x81: {  	[spmem:s3] =	stream.indirect.scatter.add.f32 [tilespmem:s12], [sflag:$0x1], $0x80, s19, s13, $0xb8;
	[tilespmem:$0x18400] =	vst v63  }
0x82: {  	_ =	swait.ge [sflag:s11], $0x4000  }
0x83: {  	[sflag:s11] =	ssyncset.done $0x0  }
0x84: {  	[sflag:s11] =	ssyncadd.s32 $0xFFFFC000  }
0x85: {  	[spmem:s3] =	stream.indirect.scatter.add.f32 [tilespmem:s12], [sflag:$0x1], $0x80, s20, s13, $0xb8;
	[tilespmem:$0x18400] =	vst v63  }
0x86: {  	_ =	swait.ge [sflag:s11], $0x4000  }
0x87: {  	[sflag:s11] =	ssyncset.done $0x0  }
0x88: {  	[sflag:s11] =	ssyncadd.s32 $0xFFFFC000  }
0x89: {  	[spmem:s3] =	stream.indirect.scatter.add.f32 [tilespmem:s12], [sflag:$0x1], $0x80, s21, s13, $0xb8;
	[tilespmem:$0x18400] =	vst v63  }
0x8a: {  	_ =	swait.ge [sflag:s11], $0x4000  }
0x8b: {  	[sflag:s11] =	ssyncset.done $0x0  }
0x8c: {  	[sflag:s11] =	ssyncadd.s32 $0xFFFFC000  }
0x8d: {  	[spmem:s3] =	stream.indirect.scatter.add.f32 [tilespmem:s12], [sflag:$0x1], $0x80, s22, s13, $0xb8;
	[tilespmem:$0x18400] =	vst v63  }
0x8e: {  	_ =	swait.ge [sflag:s11], $0x4000  }
0x8f: {  	[sflag:s11] =	ssyncset.done $0x0  }
0x90: {  	[sflag:s11] =	ssyncadd.s32 $0xFFFFC000  }
0x91: {  	[spmem:s3] =	stream.indirect.scatter.add.f32 [tilespmem:s12], [sflag:$0x1], $0x80, s23, s13, $0xb8;
	[tilespmem:$0x18400] =	vst v63  }
0x92: {  	_ =	swait.ge [sflag:s11], $0x4000  }
0x93: {  	[sflag:s11] =	ssyncset.done $0x0  }
0x94: {  	[sflag:s11] =	ssyncadd.s32 $0xFFFFC000  }
0x95: {  	[spmem:s3] =	stream.indirect.scatter.add.f32 [tilespmem:s12], [sflag:$0x1], $0x80, s24, s13, $0xb8;
	[tilespmem:$0x18400] =	vst v63  }
0x96: {  	_ =	swait.ge [sflag:s11], $0x4000  }
0x97: {  	[sflag:s11] =	ssyncset.done $0x0  }
0x98: {  	[sflag:s11] =	ssyncadd.s32 $0xFFFFC000  }
0x99: {  	[spmem:s3] =	stream.indirect.scatter.add.f32 [tilespmem:s12], [sflag:$0x1], $0x80, s25, s13, $0xb8;
	[tilespmem:$0x18400] =	vst v63  }
0x9a: {  	_ =	swait.ge [sflag:s11], $0x4000  }
0x9b: {  	[sflag:s11] =	ssyncset.done $0x0  }
0x9c: {  	[sflag:s11] =	ssyncadd.s32 $0xFFFFC000  }
0x9d: {  	[spmem:s3] =	stream.indirect.scatter.add.f32 [tilespmem:s12], [sflag:$0x1], $0x80, s26, s13, $0xb8;
	[tilespmem:$0x18400] =	vst v63  }
0x9e: {  	_ =	swait.ge [sflag:s11], $0x4000  }
.Ltmp0:
0x9f: {  	[sflag:s11] =	ssyncset.done $0x0;
	(pc) =	sbr.rel @p0 .LBB2_2-.Ltmp0, $4  }
0xa0: {  	[sflag:s11] =	ssyncadd.s32 $0xFFFFC000  }
0xa1: {  	[spmem:s3] =	stream.indirect.scatter.add.f32 [tilespmem:s12], [sflag:$0x1], $0x80, s28, s13, $0xb8;
	[tilespmem:$0x18400] =	vst v63  }
0xa2: {  	_ =	swait.ge [sflag:s11], $0x4000  }
0xa3: {  	s31 =	smov.u32 s0;
	[sflag:s11] =	ssyncset.done $0x0  }
0xa4: {  	s0 =	sadd.s32 s30, s9;
	[sflag:s11] =	ssyncadd.s32 $0xFFFFC000  }
0xa5: {  	[tilespmem:s4], [sflag:$0x1] =	stream.linear.gather [hbm4b:s0+s4], $0x800, $0x38;
	[tilespmem:$0x18400] =	vst v63  }
0xa6: {  	_ =	swait.ge [sflag:s11], $0x800  }
0xa7: {  	[sflag:s11] =	ssyncset.done $0x0  }
0xa8: {  	[sflag:s11] =	ssyncadd.s32 $0xFFFFF800  }
0xa9: {  	[spmem:s3] =	stream.indirect.scatter.add.f32 [tilespmem:s12], [sflag:$0x1], $0x80, s4, s13, $0xb8;
	[tilespmem:$0x18400] =	vst v63  }
0xaa: {  	_ =	swait.ge [sflag:s11], $0x4000  }
0xab: {  	[sflag:s11] =	ssyncset.done $0x0  }
0xac: {  	[sflag:s11] =	ssyncadd.s32 $0xFFFFC000  }
0xad: {  	[spmem:s3] =	stream.indirect.scatter.add.f32 [tilespmem:s12], [sflag:$0x1], $0x80, s13, s13, $0xb8;
	[tilespmem:$0x18400] =	vst v63  }
0xae: {  	_ =	swait.ge [sflag:s11], $0x4000  }
0xaf: {  	[sflag:s11] =	ssyncset.done $0x0  }
0xb0: {  	[sflag:s11] =	ssyncadd.s32 $0xFFFFC000  }
0xb1: {  	[spmem:s3] =	stream.indirect.scatter.add.f32 [tilespmem:s12], [sflag:$0x1], $0x80, s14, s13, $0xb8;
	[tilespmem:$0x18400] =	vst v63  }
0xb2: {  	_ =	swait.ge [sflag:s11], $0x4000  }
0xb3: {  	[sflag:s11] =	ssyncset.done $0x0  }
0xb4: {  	[sflag:s11] =	ssyncadd.s32 $0xFFFFC000  }
0xb5: {  	[spmem:s3] =	stream.indirect.scatter.add.f32 [tilespmem:s12], [sflag:$0x1], $0x80, s15, s13, $0xb8;
	[tilespmem:$0x18400] =	vst v63  }
0xb6: {  	_ =	swait.ge [sflag:s11], $0x4000  }
0xb7: {  	[sflag:s11] =	ssyncset.done $0x0  }
0xb8: {  	[sflag:s11] =	ssyncadd.s32 $0xFFFFC000  }
0xb9: {  	[spmem:s3] =	stream.indirect.scatter.add.f32 [tilespmem:s12], [sflag:$0x1], $0x80, s16, s13, $0xb8;
	[tilespmem:$0x18400] =	vst v63  }
0xba: {  	_ =	swait.ge [sflag:s11], $0x4000  }
0xbb: {  	[sflag:s11] =	ssyncset.done $0x0  }
0xbc: {  	[sflag:s11] =	ssyncadd.s32 $0xFFFFC000  }
0xbd: {  	[spmem:s3] =	stream.indirect.scatter.add.f32 [tilespmem:s12], [sflag:$0x1], $0x80, s17, s13, $0xb8;
	[tilespmem:$0x18400] =	vst v63  }
0xbe: {  	_ =	swait.ge [sflag:s11], $0x4000  }
0xbf: {  	[sflag:s11] =	ssyncset.done $0x0  }
0xc0: {  	[sflag:s11] =	ssyncadd.s32 $0xFFFFC000  }
0xc1: {  	[spmem:s3] =	stream.indirect.scatter.add.f32 [tilespmem:s12], [sflag:$0x1], $0x80, s18, s13, $0xb8;
	[tilespmem:$0x18400] =	vst v63  }
0xc2: {  	_ =	swait.ge [sflag:s11], $0x4000  }
0xc3: {  	[sflag:s11] =	ssyncset.done $0x0  }
0xc4: {  	[sflag:s11] =	ssyncadd.s32 $0xFFFFC000  }
0xc5: {  	[spmem:s3] =	stream.indirect.scatter.add.f32 [tilespmem:s12], [sflag:$0x1], $0x80, s19, s13, $0xb8;
	[tilespmem:$0x18400] =	vst v63  }
0xc6: {  	_ =	swait.ge [sflag:s11], $0x4000  }
0xc7: {  	[sflag:s11] =	ssyncset.done $0x0  }
0xc8: {  	[sflag:s11] =	ssyncadd.s32 $0xFFFFC000  }
0xc9: {  	[spmem:s3] =	stream.indirect.scatter.add.f32 [tilespmem:s12], [sflag:$0x1], $0x80, s20, s13, $0xb8;
	[tilespmem:$0x18400] =	vst v63  }
0xca: {  	_ =	swait.ge [sflag:s11], $0x4000  }
0xcb: {  	[sflag:s11] =	ssyncset.done $0x0  }
0xcc: {  	[sflag:s11] =	ssyncadd.s32 $0xFFFFC000  }
0xcd: {  	[spmem:s3] =	stream.indirect.scatter.add.f32 [tilespmem:s12], [sflag:$0x1], $0x80, s21, s13, $0xb8;
	[tilespmem:$0x18400] =	vst v63  }
0xce: {  	_ =	swait.ge [sflag:s11], $0x4000  }
0xcf: {  	[sflag:s11] =	ssyncset.done $0x0  }
0xd0: {  	[sflag:s11] =	ssyncadd.s32 $0xFFFFC000  }
0xd1: {  	[spmem:s3] =	stream.indirect.scatter.add.f32 [tilespmem:s12], [sflag:$0x1], $0x80, s22, s13, $0xb8;
	[tilespmem:$0x18400] =	vst v63  }
0xd2: {  	_ =	swait.ge [sflag:s11], $0x4000  }
0xd3: {  	[sflag:s11] =	ssyncset.done $0x0  }
0xd4: {  	[sflag:s11] =	ssyncadd.s32 $0xFFFFC000  }
0xd5: {  	[spmem:s3] =	stream.indirect.scatter.add.f32 [tilespmem:s12], [sflag:$0x1], $0x80, s23, s13, $0xb8;
	[tilespmem:$0x18400] =	vst v63  }
0xd6: {  	_ =	swait.ge [sflag:s11], $0x4000  }
0xd7: {  	[sflag:s11] =	ssyncset.done $0x0  }
0xd8: {  	[sflag:s11] =	ssyncadd.s32 $0xFFFFC000  }
0xd9: {  	[spmem:s3] =	stream.indirect.scatter.add.f32 [tilespmem:s12], [sflag:$0x1], $0x80, s24, s13, $0xb8;
	[tilespmem:$0x18400] =	vst v63  }
0xda: {  	_ =	swait.ge [sflag:s11], $0x4000  }
0xdb: {  	[sflag:s11] =	ssyncset.done $0x0  }
0xdc: {  	[sflag:s11] =	ssyncadd.s32 $0xFFFFC000  }
0xdd: {  	[spmem:s3] =	stream.indirect.scatter.add.f32 [tilespmem:s12], [sflag:$0x1], $0x80, s25, s13, $0xb8;
	[tilespmem:$0x18400] =	vst v63  }
0xde: {  	_ =	swait.ge [sflag:s11], $0x4000  }
0xdf: {  	[sflag:s11] =	ssyncset.done $0x0  }
0xe0: {  	[sflag:s11] =	ssyncadd.s32 $0xFFFFC000  }
0xe1: {  	[spmem:s3] =	stream.indirect.scatter.add.f32 [tilespmem:s12], [sflag:$0x1], $0x80, s26, s13, $0xb8;
	[tilespmem:$0x18400] =	vst v63  }
0xe2: {  	_ =	swait.ge [sflag:s11], $0x4000  }
0xe3: {  	[sflag:s11] =	ssyncset.done $0x0  }
0xe4: {  	[sflag:s11] =	ssyncadd.s32 $0xFFFFC000  }
0xe5: {  	[spmem:s3] =	stream.indirect.scatter.add.f32 [tilespmem:s12], [sflag:$0x1], $0x80, s28, s13, $0xb8;
	[tilespmem:$0x18400] =	vst v63  }
0xe6: {  	_ =	swait.ge [sflag:s11], $0x4000  }
0xe7: {  	s29 =	sadd.s32 $0x1, s29;
	[sflag:s11] =	ssyncset.done $0x0  }
0xe8: {  	p0 =	sne.s32 s29, s8;
	[sflag:s11] =	ssyncadd.s32 $0xFFFFC000  }
.Ltmp1:
0xe9: {  	[bflag:$0x0] =	sbarrier.arrive $0xFFFF;
	(pc) =	sbr.rel @p0 .LBB2_1-.Ltmp1, $4  }
0xea: {  	[hbm:s7], [sflag:s6] =	dma.local [spmem:s10], $0x2780  }
0xeb: {  	_ =	swait.ge [sflag:s11], $0x2780  }
0xec: {  	[sflag:s11] =	ssyncset.done $0x0  }
0xed: {  	[sflag:s11] =	ssyncadd.s32 $0xFFFFD880  }
0xee: {  	_ =	sfence.sel $0x180000  }
0xef: {  	[bflag:$0x0] =	sbarrier.arrive $0xFFFF  }
0xf0: {  	_ =	strace $0x90000047  }
0xf1: {  	s0 =	stileid.u32;
	[bflag:$0x2] =	sbarrier.arrive $0xFFFF  }
0xf2: {  	p0 =	sne.s32 s0, $0x0;
	s0 =	rddreg [dreg:$0x3]  }
0xf3: {  	s0 =	sadd.s32 @!p0 $0x100000, s0  }
0xf4: {  	[sflag:s0] =	ssyncadd.tile.s32 @!p0 $0x1;
	_ =	shalt  }
.Lfunc_end2:
_tile_overlayer_lowered:
.L_overlay_start_2:
0xf5: {  	(tag) =	ssettag $0x2  }
0xf6: {  	s0 =	rddreg [dreg:$0x0];
	s2 =	stileid.u32  }
0xf7: {  	s1 =	rddreg [dreg:$0x1];
	p0 =	sne.s32 s2, $0x0  }
0xf8: {  	s3 =	rddreg [dreg:$0x2];
	[bflag:$0x3] =	sbarrier.arrive $0xFFFF;
	s2 =	simm.s32 @!p0 $0x1C01  }
0xf9: {  	[timem:s3], [sflag:s2] =	dma.local @!p0 [hbm:s0], s1  }
0xfa: {  	s0 =	simm.s32 @!p0 $0x1  }
0xfb: {  	_ =	swait.ge @!p0 [sflag:s0], s1  }
0xfc: {  	s1 =	ssub.s32 @!p0 $0x0, s1;
	[sflag:s0] =	ssyncset.done @!p0 $0x0  }
0xfd: {  	[sflag:s0] =	ssyncadd.s32 @!p0 s1  }
0xfe: {  	[bflag:$0x3] =	sbarrier.arrive $0xFFFF  }
0xff: {  	_ =	shalt  }

</sc_bundles>
